<compile_context>
chip_gen: v7x
topology: tpu7x:2x2x1
jax: 0.10.2.dev20260603
libtpu: 0.0.44.dev20260713+nightly
codegen_flags: <defaults>
</compile_context>

<pallas_src>
import functools

import jax
import jax.numpy as jnp
from jax import lax
from jax.experimental import pallas as pl
from jax.experimental.pallas import tpu as pltpu
from jax.experimental.pallas import tpu_sc as plsc

N_ENTITY = 1000000
N_RELATION = 1000
DIM = 64
GAMMA = 12.0
EMB_RANGE = (GAMMA + 2.0) / DIM
PI = 3.141592653589793
BATCH = 4096
PHASE_K = PI / EMB_RANGE

NC, NS, L = 2, 16, 16
NW = NC * NS
BPW = BATCH // NW
NCHUNK = DIM // L

_SIN_C = (0.9999999403953552, -0.1666662096977234, 0.008332791738212109,
          -0.00019817629072349519, 2.708829470066121e-06,
          -2.0698067260127573e-08)
_COS_C = (1.0, -0.49999988079071045, 0.04166648909449577,
          -0.0013887803070247173, 2.47698826569831e-05,
          -2.7079025244347577e-07, 1.7245067596149966e-09)


def _horner(coeffs, t):
    acc = jnp.full((L,), coeffs[-1], jnp.float32)
    for c in coeffs[-2::-1]:
        acc = acc * t + jnp.float32(c)
    return acc


_SQRT12_C = (0.32566583156585693, 0.9148544073104858, -0.3164294958114624,
             0.086272232234478, -0.010351847857236862)


def _modulus16(re, im):
    a = jnp.abs(re)
    b = jnp.abs(im)
    hi = jnp.maximum(a, b)
    lo = jnp.minimum(a, b)
    ratio = lo / (hi + jnp.float32(1e-30))
    return hi * _horner(_SQRT12_C, jnp.float32(1.0) + ratio * ratio)


_mesh = plsc.VectorSubcoreMesh(core_axis_name="c", subcore_axis_name="s")


@functools.partial(
    pl.kernel,
    out_type=jax.ShapeDtypeStruct((BATCH,), jnp.float32),
    mesh=_mesh,
    compiler_params=pltpu.CompilerParams(needs_layout_passes=False,
                                         use_tc_tiling_on_sc=False),
    scratch_types=[
        pltpu.VMEM((BPW,), jnp.int32),
        pltpu.VMEM((BPW,), jnp.int32),
        pltpu.VMEM((BPW,), jnp.int32),
        pltpu.VMEM((BPW, 2 * DIM), jnp.float32),
        pltpu.VMEM((BPW, 2 * DIM), jnp.float32),
        pltpu.VMEM((BPW, DIM), jnp.float32),
        pltpu.VMEM((BPW, L), jnp.float32),
        pltpu.VMEM((BPW,), jnp.float32),
        pltpu.SemaphoreType.DMA,
        pltpu.SemaphoreType.DMA,
        pltpu.SemaphoreType.DMA,
        pltpu.SemaphoreType.DMA,
        pltpu.SemaphoreType.DMA,
        pltpu.SemaphoreType.DMA,
        pltpu.SemaphoreType.DMA,
    ],
)
def _rotate_body(h_hbm, r_hbm, t_hbm, ent_hbm, rel_hbm, out_hbm,
                 hidx, ridx, tidx, head_v, tail_v, rel_v, part_v, out_v,
                 sem0, sem1, sem2, sem3, sem_ih, sem_it, sem_ir):
    wid = lax.axis_index("s") * NC + lax.axis_index("c")
    base = wid * BPW

    cp_ih = pltpu.async_copy(h_hbm.at[pl.ds(base, BPW)], hidx, sem_ih)
    cp_it = pltpu.async_copy(t_hbm.at[pl.ds(base, BPW)], tidx, sem_it)
    cp_ir = pltpu.async_copy(r_hbm.at[pl.ds(base, BPW)], ridx, sem_ir)

    sems = (sem0, sem1, sem2, sem3)
    NPH = len(sems)
    IPP = BPW // NPH
    copies = [[] for _ in range(NPH)]
    cp_ih.wait()
    for p in range(NPH):
        sl = pl.ds(p * IPP, IPP)
        copies[p].append(
            pltpu.async_copy(ent_hbm.at[hidx.at[sl]], head_v.at[sl], sems[p]))
    cp_it.wait()
    for p in range(NPH):
        sl = pl.ds(p * IPP, IPP)
        copies[p].append(
            pltpu.async_copy(ent_hbm.at[tidx.at[sl]], tail_v.at[sl], sems[p]))
    cp_ir.wait()
    for p in range(NPH):
        sl = pl.ds(p * IPP, IPP)
        copies[p].append(
            pltpu.async_copy(rel_hbm.at[ridx.at[sl]], rel_v.at[sl], sems[p]))

    def item(i, carry):
        acc = jnp.zeros((L,), jnp.float32)
        for j in range(NCHUNK):
            lo = j * L
            ph = rel_v[i, pl.ds(lo, L)] * jnp.float32(PHASE_K)
            t2 = ph * ph
            cos_r = _horner(_COS_C, t2)
            sin_r = ph * _horner(_SIN_C, t2)
            re_t = tail_v[i, pl.ds(lo, L)]
            im_t = tail_v[i, pl.ds(DIM + lo, L)]
            re_h = head_v[i, pl.ds(lo, L)]
            im_h = head_v[i, pl.ds(DIM + lo, L)]
            re_s = cos_r * re_t + sin_r * im_t - re_h
            im_s = cos_r * im_t - sin_r * re_t - im_h
            acc = acc + _modulus16(re_s, im_s)
        part_v[i, pl.ds(0, L)] = acc
        return carry

    for p in range(NPH):
        for cp in copies[p]:
            cp.wait()
        lax.fori_loop(p * IPP, (p + 1) * IPP, item, 0, unroll=1)

    iota = lax.iota(jnp.int32, L)

    def group(g, carry):
        items = iota + g * L

        def dim(d, tot):
            return tot + plsc.load_gather(
                part_v, [items, jnp.broadcast_to(d, (L,))])

        tot = lax.fori_loop(0, L, dim, jnp.zeros((L,), jnp.float32))
        out_v[pl.ds(g * L, L)] = -tot
        return carry

    lax.fori_loop(0, BPW // L, group, 0)

    pltpu.sync_copy(out_v, out_hbm.at[pl.ds(base, BPW)])


def kernel(h, r, t, entity_embedding, relation_embedding):
    if h.dtype != jnp.int32:
        h, r, t = (x.astype(jnp.int32) for x in (h, r, t))
    flat = _rotate_body(h, r, t, entity_embedding, relation_embedding)
    return flat.reshape(BATCH, 1)

# --- scband reference (transcript-rebuilt; emitter-appended) ---
"""Pipeline reference for scband-rotat-e-39479339385178 (READ-ONLY COPY).

The authoritative reference and input builder live on the scoring server;
editing this copy changes nothing except your own understanding.
"""

import jax, jax.numpy as jnp
import numpy as np

N_ENTITY = 1000000
N_RELATION = 1000
DIM = 64
GAMMA = 12.0
EMB_RANGE = (GAMMA + 2.0) / DIM  # embedding_range
PI = 3.141592653589793
BATCH = 4096


def setup_inputs(seed: int = 0) -> dict:
    key = jax.random.key(seed)
    k1, k2, k3, k4, k5 = jax.random.split(key, 5)
    h = jax.random.randint(k1, (BATCH,), 0, N_ENTITY)
    r = jax.random.randint(k2, (BATCH,), 0, N_RELATION)
    t = jax.random.randint(k3, (BATCH,), 0, N_ENTITY)
    entity_embedding = jax.random.uniform(
        k4, (N_ENTITY, 2 * DIM), minval=-EMB_RANGE, maxval=EMB_RANGE, dtype=jnp.float32)
    relation_embedding = jax.random.uniform(
        k5, (N_RELATION, DIM), minval=-EMB_RANGE, maxval=EMB_RANGE, dtype=jnp.float32)
    return {"h": h, "r": r, "t": t,
            "entity_embedding": entity_embedding,
            "relation_embedding": relation_embedding}


def reference(h, r, t, entity_embedding, relation_embedding):
    # mode='hrt'
    head = jnp.take(entity_embedding, h, axis=0)[:, None, :]      # [B, 1, 2*DIM]
    relation = jnp.take(relation_embedding, r, axis=0)[:, None, :]  # [B, 1, DIM]
    tail = jnp.take(entity_embedding, t, axis=0)[:, None, :]      # [B, 1, 2*DIM]

    re_head, im_head = jnp.split(head, 2, axis=2)
    re_tail, im_tail = jnp.split(tail, 2, axis=2)

    phase_relation = relation / (EMB_RANGE / PI)
    re_relation = jnp.cos(phase_relation)
    im_relation = jnp.sin(phase_relation)

    # tail.shape[1] == relation.shape[1] -> True branch
    re_score = re_relation * re_tail + im_relation * im_tail
    im_score = re_relation * im_tail - im_relation * re_tail
    re_score = re_score - re_head
    im_score = im_score - im_head

    score = jnp.stack([re_score, im_score], axis=0)
    score = jnp.linalg.norm(score, axis=0)  # elementwise complex modulus: sqrt(re^2+im^2)
    score = -jnp.sum(score, axis=2)         # [B, 1]
    return score

if __name__ == "__main__":
    import jax
    _d = setup_inputs()
    print(jax.jit(kernel)(*tuple(_d.values())))

</pallas_src>

<mosaic_0001>
#map = affine_map<(d0, d1) -> (0)>
#map1 = affine_map<(d0, d1) -> (0, 0)>
module attributes {stable_mosaic.version = 14 : i64} {
  func.func @_rotate_body(%arg0: i32, %arg1: i32, %arg2: memref<4096xi32, #tpu.memory_space<hbm>>, %arg3: memref<4096xi32, #tpu.memory_space<hbm>>, %arg4: memref<4096xi32, #tpu.memory_space<hbm>>, %arg5: memref<1000000x128xf32, #tpu.memory_space<hbm>>, %arg6: memref<1000x64xf32, #tpu.memory_space<hbm>>, %arg7: memref<4096xf32, #tpu.memory_space<hbm>>, %arg8: memref<128xi32, #tpu.memory_space<vmem>>, %arg9: memref<128xi32, #tpu.memory_space<vmem>>, %arg10: memref<128xi32, #tpu.memory_space<vmem>>, %arg11: memref<128x128xf32, #tpu.memory_space<vmem>>, %arg12: memref<128x128xf32, #tpu.memory_space<vmem>>, %arg13: memref<128x64xf32, #tpu.memory_space<vmem>>, %arg14: memref<128x16xf32, #tpu.memory_space<vmem>>, %arg15: memref<128xf32, #tpu.memory_space<vmem>>, %arg16: memref<!tpu.dma_semaphore, #tpu.memory_space<semaphore_mem>>, %arg17: memref<!tpu.dma_semaphore, #tpu.memory_space<semaphore_mem>>, %arg18: memref<!tpu.dma_semaphore, #tpu.memory_space<semaphore_mem>>, %arg19: memref<!tpu.dma_semaphore, #tpu.memory_space<semaphore_mem>>, %arg20: memref<!tpu.dma_semaphore, #tpu.memory_space<semaphore_mem>>, %arg21: memref<!tpu.dma_semaphore, #tpu.memory_space<semaphore_mem>>, %arg22: memref<!tpu.dma_semaphore, #tpu.memory_space<semaphore_mem>>) attributes {dimension_semantics = [#tpu.dimension_semantics<core_parallel>, #tpu.dimension_semantics<subcore_parallel>], iteration_bounds = array<i64: 2, 16>, scalar_prefetch = 0 : i64, scratch_operands = 15 : i64, tpu.core_type = #tpu.core_type<sc_vector_subcore>, window_params = [{transform_indices = #map}, {transform_indices = #map}, {transform_indices = #map}, {transform_indices = #map1}, {transform_indices = #map1}, {transform_indices = #map}]} {
    %mul3A = arith.constant 2 : i32
    %mul3A_0 = arith.muli %arg1, %mul3A : i32
    %add3A = arith.addi %mul3A_0, %arg0 : i32
    %mul3A_1 = arith.constant 128 : i32
    %mul3A_2 = arith.muli %add3A, %mul3A_1 : i32
    %dma_start3A = tpu.memref_slice %arg2[%mul3A_2] : memref<4096xi32, #tpu.memory_space<hbm>> -> memref<128xi32, #tpu.memory_space<hbm>>
    %dma_start3A_3 = tpu.memref_slice %arg2[%mul3A_2] : memref<4096xi32, #tpu.memory_space<hbm>> -> memref<128xi32, #tpu.memory_space<hbm>>
    tpu.enqueue_dma source(%dma_start3A_3 : memref<128xi32, #tpu.memory_space<hbm>>) target(%arg8 : memref<128xi32, #tpu.memory_space<vmem>>) target_semaphore(%arg20 : memref<!tpu.dma_semaphore, #tpu.memory_space<semaphore_mem>>)
    %dma_start3A_4 = tpu.memref_slice %arg4[%mul3A_2] : memref<4096xi32, #tpu.memory_space<hbm>> -> memref<128xi32, #tpu.memory_space<hbm>>
    %dma_start3A_5 = tpu.memref_slice %arg4[%mul3A_2] : memref<4096xi32, #tpu.memory_space<hbm>> -> memref<128xi32, #tpu.memory_space<hbm>>
    tpu.enqueue_dma source(%dma_start3A_5 : memref<128xi32, #tpu.memory_space<hbm>>) target(%arg10 : memref<128xi32, #tpu.memory_space<vmem>>) target_semaphore(%arg21 : memref<!tpu.dma_semaphore, #tpu.memory_space<semaphore_mem>>)
    %dma_start3A_6 = tpu.memref_slice %arg3[%mul3A_2] : memref<4096xi32, #tpu.memory_space<hbm>> -> memref<128xi32, #tpu.memory_space<hbm>>
    %dma_start3A_7 = tpu.memref_slice %arg3[%mul3A_2] : memref<4096xi32, #tpu.memory_space<hbm>> -> memref<128xi32, #tpu.memory_space<hbm>>
    tpu.enqueue_dma source(%dma_start3A_7 : memref<128xi32, #tpu.memory_space<hbm>>) target(%arg9 : memref<128xi32, #tpu.memory_space<vmem>>) target_semaphore(%arg22 : memref<!tpu.dma_semaphore, #tpu.memory_space<semaphore_mem>>)
    %dma_wait3A = tpu.memref_slice %arg2[%mul3A_2] : memref<4096xi32, #tpu.memory_space<hbm>> -> memref<128xi32, #tpu.memory_space<hbm>>
    %dma_wait3A_8 = tpu.memref_slice %arg2[%mul3A_2] : memref<4096xi32, #tpu.memory_space<hbm>> -> memref<128xi32, #tpu.memory_space<hbm>>
    tpu.wait_dma2 semaphore(%arg20 : memref<!tpu.dma_semaphore, #tpu.memory_space<semaphore_mem>>) src(%dma_wait3A_8 : memref<128xi32, #tpu.memory_space<hbm>>) dst(%arg8 : memref<128xi32, #tpu.memory_space<vmem>>)
    %dma_start3A_9 = arith.constant 0 : i32
    %dma_start3A_10 = arith.constant 0 : i32
    %dma_start3A_11 = tpu.memref_slice %arg11[%dma_start3A_9, %dma_start3A_10] : memref<128x128xf32, #tpu.memory_space<vmem>> -> memref<32x128xf32, #tpu.memory_space<vmem>>
    %dma_start3A_12 = arith.constant 0 : i32
    %dma_start3A_13 = tpu.memref_slice %arg8[%dma_start3A_12] : memref<128xi32, #tpu.memory_space<vmem>> -> memref<32xi32, #tpu.memory_space<vmem>>
    %dma_start3A_14 = arith.constant 0 : i32
    %dma_start3A_15 = arith.constant 0 : i32
    %dma_start3A_16 = tpu.memref_slice %arg5[%dma_start3A_14, %dma_start3A_15] : memref<1000000x128xf32, #tpu.memory_space<hbm>> -> memref<1000000x128xf32, #tpu.memory_space<hbm>>
    tpu.enqueue_indirect_dma source(%dma_start3A_16 : memref<1000000x128xf32, #tpu.memory_space<hbm>>) target(%dma_start3A_11 : memref<32x128xf32, #tpu.memory_space<vmem>>) offsets(%dma_start3A_13 : memref<32xi32, #tpu.memory_space<vmem>>) semaphore(%arg16 : memref<!tpu.dma_semaphore, #tpu.memory_space<semaphore_mem>>)
    %dma_start3A_17 = arith.constant 32 : i32
    %dma_start3A_18 = arith.constant 0 : i32
    %dma_start3A_19 = tpu.memref_slice %arg11[%dma_start3A_17, %dma_start3A_18] : memref<128x128xf32, #tpu.memory_space<vmem>> -> memref<32x128xf32, #tpu.memory_space<vmem>>
    %dma_start3A_20 = arith.constant 32 : i32
    %dma_start3A_21 = tpu.memref_slice %arg8[%dma_start3A_20] : memref<128xi32, #tpu.memory_space<vmem>> -> memref<32xi32, #tpu.memory_space<vmem>>
    %dma_start3A_22 = arith.constant 0 : i32
    %dma_start3A_23 = arith.constant 0 : i32
    %dma_start3A_24 = tpu.memref_slice %arg5[%dma_start3A_22, %dma_start3A_23] : memref<1000000x128xf32, #tpu.memory_space<hbm>> -> memref<1000000x128xf32, #tpu.memory_space<hbm>>
    tpu.enqueue_indirect_dma source(%dma_start3A_24 : memref<1000000x128xf32, #tpu.memory_space<hbm>>) target(%dma_start3A_19 : memref<32x128xf32, #tpu.memory_space<vmem>>) offsets(%dma_start3A_21 : memref<32xi32, #tpu.memory_space<vmem>>) semaphore(%arg17 : memref<!tpu.dma_semaphore, #tpu.memory_space<semaphore_mem>>)
    %dma_start3A_25 = arith.constant 64 : i32
    %dma_start3A_26 = arith.constant 0 : i32
    %dma_start3A_27 = tpu.memref_slice %arg11[%dma_start3A_25, %dma_start3A_26] : memref<128x128xf32, #tpu.memory_space<vmem>> -> memref<32x128xf32, #tpu.memory_space<vmem>>
    %dma_start3A_28 = arith.constant 64 : i32
    %dma_start3A_29 = tpu.memref_slice %arg8[%dma_start3A_28] : memref<128xi32, #tpu.memory_space<vmem>> -> memref<32xi32, #tpu.memory_space<vmem>>
    %dma_start3A_30 = arith.constant 0 : i32
    %dma_start3A_31 = arith.constant 0 : i32
    %dma_start3A_32 = tpu.memref_slice %arg5[%dma_start3A_30, %dma_start3A_31] : memref<1000000x128xf32, #tpu.memory_space<hbm>> -> memref<1000000x128xf32, #tpu.memory_space<hbm>>
    tpu.enqueue_indirect_dma source(%dma_start3A_32 : memref<1000000x128xf32, #tpu.memory_space<hbm>>) target(%dma_start3A_27 : memref<32x128xf32, #tpu.memory_space<vmem>>) offsets(%dma_start3A_29 : memref<32xi32, #tpu.memory_space<vmem>>) semaphore(%arg18 : memref<!tpu.dma_semaphore, #tpu.memory_space<semaphore_mem>>)
    %dma_start3A_33 = arith.constant 96 : i32
    %dma_start3A_34 = arith.constant 0 : i32
    %dma_start3A_35 = tpu.memref_slice %arg11[%dma_start3A_33, %dma_start3A_34] : memref<128x128xf32, #tpu.memory_space<vmem>> -> memref<32x128xf32, #tpu.memory_space<vmem>>
    %dma_start3A_36 = arith.constant 96 : i32
    %dma_start3A_37 = tpu.memref_slice %arg8[%dma_start3A_36] : memref<128xi32, #tpu.memory_space<vmem>> -> memref<32xi32, #tpu.memory_space<vmem>>
    %dma_start3A_38 = arith.constant 0 : i32
    %dma_start3A_39 = arith.constant 0 : i32
    %dma_start3A_40 = tpu.memref_slice %arg5[%dma_start3A_38, %dma_start3A_39] : memref<1000000x128xf32, #tpu.memory_space<hbm>> -> memref<1000000x128xf32, #tpu.memory_space<hbm>>
    tpu.enqueue_indirect_dma source(%dma_start3A_40 : memref<1000000x128xf32, #tpu.memory_space<hbm>>) target(%dma_start3A_35 : memref<32x128xf32, #tpu.memory_space<vmem>>) offsets(%dma_start3A_37 : memref<32xi32, #tpu.memory_space<vmem>>) semaphore(%arg19 : memref<!tpu.dma_semaphore, #tpu.memory_space<semaphore_mem>>)
    %dma_wait3A_41 = tpu.memref_slice %arg4[%mul3A_2] : memref<4096xi32, #tpu.memory_space<hbm>> -> memref<128xi32, #tpu.memory_space<hbm>>
    %dma_wait3A_42 = tpu.memref_slice %arg4[%mul3A_2] : memref<4096xi32, #tpu.memory_space<hbm>> -> memref<128xi32, #tpu.memory_space<hbm>>
    tpu.wait_dma2 semaphore(%arg21 : memref<!tpu.dma_semaphore, #tpu.memory_space<semaphore_mem>>) src(%dma_wait3A_42 : memref<128xi32, #tpu.memory_space<hbm>>) dst(%arg10 : memref<128xi32, #tpu.memory_space<vmem>>)
    %dma_start3A_43 = arith.constant 0 : i32
    %dma_start3A_44 = arith.constant 0 : i32
    %dma_start3A_45 = tpu.memref_slice %arg12[%dma_start3A_43, %dma_start3A_44] : memref<128x128xf32, #tpu.memory_space<vmem>> -> memref<32x128xf32, #tpu.memory_space<vmem>>
    %dma_start3A_46 = arith.constant 0 : i32
    %dma_start3A_47 = tpu.memref_slice %arg10[%dma_start3A_46] : memref<128xi32, #tpu.memory_space<vmem>> -> memref<32xi32, #tpu.memory_space<vmem>>
    %dma_start3A_48 = arith.constant 0 : i32
    %dma_start3A_49 = arith.constant 0 : i32
    %dma_start3A_50 = tpu.memref_slice %arg5[%dma_start3A_48, %dma_start3A_49] : memref<1000000x128xf32, #tpu.memory_space<hbm>> -> memref<1000000x128xf32, #tpu.memory_space<hbm>>
    tpu.enqueue_indirect_dma source(%dma_start3A_50 : memref<1000000x128xf32, #tpu.memory_space<hbm>>) target(%dma_start3A_45 : memref<32x128xf32, #tpu.memory_space<vmem>>) offsets(%dma_start3A_47 : memref<32xi32, #tpu.memory_space<vmem>>) semaphore(%arg16 : memref<!tpu.dma_semaphore, #tpu.memory_space<semaphore_mem>>)
    %dma_start3A_51 = arith.constant 32 : i32
    %dma_start3A_52 = arith.constant 0 : i32
    %dma_start3A_53 = tpu.memref_slice %arg12[%dma_start3A_51, %dma_start3A_52] : memref<128x128xf32, #tpu.memory_space<vmem>> -> memref<32x128xf32, #tpu.memory_space<vmem>>
    %dma_start3A_54 = arith.constant 32 : i32
    %dma_start3A_55 = tpu.memref_slice %arg10[%dma_start3A_54] : memref<128xi32, #tpu.memory_space<vmem>> -> memref<32xi32, #tpu.memory_space<vmem>>
    %dma_start3A_56 = arith.constant 0 : i32
    %dma_start3A_57 = arith.constant 0 : i32
    %dma_start3A_58 = tpu.memref_slice %arg5[%dma_start3A_56, %dma_start3A_57] : memref<1000000x128xf32, #tpu.memory_space<hbm>> -> memref<1000000x128xf32, #tpu.memory_space<hbm>>
    tpu.enqueue_indirect_dma source(%dma_start3A_58 : memref<1000000x128xf32, #tpu.memory_space<hbm>>) target(%dma_start3A_53 : memref<32x128xf32, #tpu.memory_space<vmem>>) offsets(%dma_start3A_55 : memref<32xi32, #tpu.memory_space<vmem>>) semaphore(%arg17 : memref<!tpu.dma_semaphore, #tpu.memory_space<semaphore_mem>>)
    %dma_start3A_59 = arith.constant 64 : i32
    %dma_start3A_60 = arith.constant 0 : i32
    %dma_start3A_61 = tpu.memref_slice %arg12[%dma_start3A_59, %dma_start3A_60] : memref<128x128xf32, #tpu.memory_space<vmem>> -> memref<32x128xf32, #tpu.memory_space<vmem>>
    %dma_start3A_62 = arith.constant 64 : i32
    %dma_start3A_63 = tpu.memref_slice %arg10[%dma_start3A_62] : memref<128xi32, #tpu.memory_space<vmem>> -> memref<32xi32, #tpu.memory_space<vmem>>
    %dma_start3A_64 = arith.constant 0 : i32
    %dma_start3A_65 = arith.constant 0 : i32
    %dma_start3A_66 = tpu.memref_slice %arg5[%dma_start3A_64, %dma_start3A_65] : memref<1000000x128xf32, #tpu.memory_space<hbm>> -> memref<1000000x128xf32, #tpu.memory_space<hbm>>
    tpu.enqueue_indirect_dma source(%dma_start3A_66 : memref<1000000x128xf32, #tpu.memory_space<hbm>>) target(%dma_start3A_61 : memref<32x128xf32, #tpu.memory_space<vmem>>) offsets(%dma_start3A_63 : memref<32xi32, #tpu.memory_space<vmem>>) semaphore(%arg18 : memref<!tpu.dma_semaphore, #tpu.memory_space<semaphore_mem>>)
    %dma_start3A_67 = arith.constant 96 : i32
    %dma_start3A_68 = arith.constant 0 : i32
    %dma_start3A_69 = tpu.memref_slice %arg12[%dma_start3A_67, %dma_start3A_68] : memref<128x128xf32, #tpu.memory_space<vmem>> -> memref<32x128xf32, #tpu.memory_space<vmem>>
    %dma_start3A_70 = arith.constant 96 : i32
    %dma_start3A_71 = tpu.memref_slice %arg10[%dma_start3A_70] : memref<128xi32, #tpu.memory_space<vmem>> -> memref<32xi32, #tpu.memory_space<vmem>>
    %dma_start3A_72 = arith.constant 0 : i32
    %dma_start3A_73 = arith.constant 0 : i32
    %dma_start3A_74 = tpu.memref_slice %arg5[%dma_start3A_72, %dma_start3A_73] : memref<1000000x128xf32, #tpu.memory_space<hbm>> -> memref<1000000x128xf32, #tpu.memory_space<hbm>>
    tpu.enqueue_indirect_dma source(%dma_start3A_74 : memref<1000000x128xf32, #tpu.memory_space<hbm>>) target(%dma_start3A_69 : memref<32x128xf32, #tpu.memory_space<vmem>>) offsets(%dma_start3A_71 : memref<32xi32, #tpu.memory_space<vmem>>) semaphore(%arg19 : memref<!tpu.dma_semaphore, #tpu.memory_space<semaphore_mem>>)
    %dma_wait3A_75 = tpu.memref_slice %arg3[%mul3A_2] : memref<4096xi32, #tpu.memory_space<hbm>> -> memref<128xi32, #tpu.memory_space<hbm>>
    %dma_wait3A_76 = tpu.memref_slice %arg3[%mul3A_2] : memref<4096xi32, #tpu.memory_space<hbm>> -> memref<128xi32, #tpu.memory_space<hbm>>
    tpu.wait_dma2 semaphore(%arg22 : memref<!tpu.dma_semaphore, #tpu.memory_space<semaphore_mem>>) src(%dma_wait3A_76 : memref<128xi32, #tpu.memory_space<hbm>>) dst(%arg9 : memref<128xi32, #tpu.memory_space<vmem>>)
    %dma_start3A_77 = arith.constant 0 : i32
    %dma_start3A_78 = arith.constant 0 : i32
    %dma_start3A_79 = tpu.memref_slice %arg13[%dma_start3A_77, %dma_start3A_78] : memref<128x64xf32, #tpu.memory_space<vmem>> -> memref<32x64xf32, #tpu.memory_space<vmem>>
    %dma_start3A_80 = arith.constant 0 : i32
    %dma_start3A_81 = tpu.memref_slice %arg9[%dma_start3A_80] : memref<128xi32, #tpu.memory_space<vmem>> -> memref<32xi32, #tpu.memory_space<vmem>>
    %dma_start3A_82 = arith.constant 0 : i32
    %dma_start3A_83 = arith.constant 0 : i32
    %dma_start3A_84 = tpu.memref_slice %arg6[%dma_start3A_82, %dma_start3A_83] : memref<1000x64xf32, #tpu.memory_space<hbm>> -> memref<1000x64xf32, #tpu.memory_space<hbm>>
    tpu.enqueue_indirect_dma source(%dma_start3A_84 : memref<1000x64xf32, #tpu.memory_space<hbm>>) target(%dma_start3A_79 : memref<32x64xf32, #tpu.memory_space<vmem>>) offsets(%dma_start3A_81 : memref<32xi32, #tpu.memory_space<vmem>>) semaphore(%arg16 : memref<!tpu.dma_semaphore, #tpu.memory_space<semaphore_mem>>)
    %dma_start3A_85 = arith.constant 32 : i32
    %dma_start3A_86 = arith.constant 0 : i32
    %dma_start3A_87 = tpu.memref_slice %arg13[%dma_start3A_85, %dma_start3A_86] : memref<128x64xf32, #tpu.memory_space<vmem>> -> memref<32x64xf32, #tpu.memory_space<vmem>>
    %dma_start3A_88 = arith.constant 32 : i32
    %dma_start3A_89 = tpu.memref_slice %arg9[%dma_start3A_88] : memref<128xi32, #tpu.memory_space<vmem>> -> memref<32xi32, #tpu.memory_space<vmem>>
    %dma_start3A_90 = arith.constant 0 : i32
    %dma_start3A_91 = arith.constant 0 : i32
    %dma_start3A_92 = tpu.memref_slice %arg6[%dma_start3A_90, %dma_start3A_91] : memref<1000x64xf32, #tpu.memory_space<hbm>> -> memref<1000x64xf32, #tpu.memory_space<hbm>>
    tpu.enqueue_indirect_dma source(%dma_start3A_92 : memref<1000x64xf32, #tpu.memory_space<hbm>>) target(%dma_start3A_87 : memref<32x64xf32, #tpu.memory_space<vmem>>) offsets(%dma_start3A_89 : memref<32xi32, #tpu.memory_space<vmem>>) semaphore(%arg17 : memref<!tpu.dma_semaphore, #tpu.memory_space<semaphore_mem>>)
    %dma_start3A_93 = arith.constant 64 : i32
    %dma_start3A_94 = arith.constant 0 : i32
    %dma_start3A_95 = tpu.memref_slice %arg13[%dma_start3A_93, %dma_start3A_94] : memref<128x64xf32, #tpu.memory_space<vmem>> -> memref<32x64xf32, #tpu.memory_space<vmem>>
    %dma_start3A_96 = arith.constant 64 : i32
    %dma_start3A_97 = tpu.memref_slice %arg9[%dma_start3A_96] : memref<128xi32, #tpu.memory_space<vmem>> -> memref<32xi32, #tpu.memory_space<vmem>>
    %dma_start3A_98 = arith.constant 0 : i32
    %dma_start3A_99 = arith.constant 0 : i32
    %dma_start3A_100 = tpu.memref_slice %arg6[%dma_start3A_98, %dma_start3A_99] : memref<1000x64xf32, #tpu.memory_space<hbm>> -> memref<1000x64xf32, #tpu.memory_space<hbm>>
    tpu.enqueue_indirect_dma source(%dma_start3A_100 : memref<1000x64xf32, #tpu.memory_space<hbm>>) target(%dma_start3A_95 : memref<32x64xf32, #tpu.memory_space<vmem>>) offsets(%dma_start3A_97 : memref<32xi32, #tpu.memory_space<vmem>>) semaphore(%arg18 : memref<!tpu.dma_semaphore, #tpu.memory_space<semaphore_mem>>)
    %dma_start3A_101 = arith.constant 96 : i32
    %dma_start3A_102 = arith.constant 0 : i32
    %dma_start3A_103 = tpu.memref_slice %arg13[%dma_start3A_101, %dma_start3A_102] : memref<128x64xf32, #tpu.memory_space<vmem>> -> memref<32x64xf32, #tpu.memory_space<vmem>>
    %dma_start3A_104 = arith.constant 96 : i32
    %dma_start3A_105 = tpu.memref_slice %arg9[%dma_start3A_104] : memref<128xi32, #tpu.memory_space<vmem>> -> memref<32xi32, #tpu.memory_space<vmem>>
    %dma_start3A_106 = arith.constant 0 : i32
    %dma_start3A_107 = arith.constant 0 : i32
    %dma_start3A_108 = tpu.memref_slice %arg6[%dma_start3A_106, %dma_start3A_107] : memref<1000x64xf32, #tpu.memory_space<hbm>> -> memref<1000x64xf32, #tpu.memory_space<hbm>>
    tpu.enqueue_indirect_dma source(%dma_start3A_108 : memref<1000x64xf32, #tpu.memory_space<hbm>>) target(%dma_start3A_103 : memref<32x64xf32, #tpu.memory_space<vmem>>) offsets(%dma_start3A_105 : memref<32xi32, #tpu.memory_space<vmem>>) semaphore(%arg19 : memref<!tpu.dma_semaphore, #tpu.memory_space<semaphore_mem>>)
    %dma_wait3A_109 = arith.constant 0 : i32
    %dma_wait3A_110 = arith.constant 0 : i32
    %dma_wait3A_111 = tpu.memref_slice %arg11[%dma_wait3A_109, %dma_wait3A_110] : memref<128x128xf32, #tpu.memory_space<vmem>> -> memref<32x128xf32, #tpu.memory_space<vmem>>
    %dma_wait3A_112 = arith.constant 0 : i32
    %dma_wait3A_113 = tpu.memref_slice %arg8[%dma_wait3A_112] : memref<128xi32, #tpu.memory_space<vmem>> -> memref<32xi32, #tpu.memory_space<vmem>>
    %dma_wait3A_114 = arith.constant 0 : i32
    %dma_wait3A_115 = arith.constant 0 : i32
    %dma_wait3A_116 = tpu.memref_slice %arg5[%dma_wait3A_114, %dma_wait3A_115] : memref<1000000x128xf32, #tpu.memory_space<hbm>> -> memref<1000000x128xf32, #tpu.memory_space<hbm>>
    tpu.wait_indirect_dma semaphore(%arg16 : memref<!tpu.dma_semaphore, #tpu.memory_space<semaphore_mem>>) src(%dma_wait3A_116 : memref<1000000x128xf32, #tpu.memory_space<hbm>>) dst(%dma_wait3A_111 : memref<32x128xf32, #tpu.memory_space<vmem>>)
    %dma_wait3A_117 = arith.constant 0 : i32
    %dma_wait3A_118 = arith.constant 0 : i32
    %dma_wait3A_119 = tpu.memref_slice %arg12[%dma_wait3A_117, %dma_wait3A_118] : memref<128x128xf32, #tpu.memory_space<vmem>> -> memref<32x128xf32, #tpu.memory_space<vmem>>
    %dma_wait3A_120 = arith.constant 0 : i32
    %dma_wait3A_121 = tpu.memref_slice %arg10[%dma_wait3A_120] : memref<128xi32, #tpu.memory_space<vmem>> -> memref<32xi32, #tpu.memory_space<vmem>>
    %dma_wait3A_122 = arith.constant 0 : i32
    %dma_wait3A_123 = arith.constant 0 : i32
    %dma_wait3A_124 = tpu.memref_slice %arg5[%dma_wait3A_122, %dma_wait3A_123] : memref<1000000x128xf32, #tpu.memory_space<hbm>> -> memref<1000000x128xf32, #tpu.memory_space<hbm>>
    tpu.wait_indirect_dma semaphore(%arg16 : memref<!tpu.dma_semaphore, #tpu.memory_space<semaphore_mem>>) src(%dma_wait3A_124 : memref<1000000x128xf32, #tpu.memory_space<hbm>>) dst(%dma_wait3A_119 : memref<32x128xf32, #tpu.memory_space<vmem>>)
    %dma_wait3A_125 = arith.constant 0 : i32
    %dma_wait3A_126 = arith.constant 0 : i32
    %dma_wait3A_127 = tpu.memref_slice %arg13[%dma_wait3A_125, %dma_wait3A_126] : memref<128x64xf32, #tpu.memory_space<vmem>> -> memref<32x64xf32, #tpu.memory_space<vmem>>
    %dma_wait3A_128 = arith.constant 0 : i32
    %dma_wait3A_129 = tpu.memref_slice %arg9[%dma_wait3A_128] : memref<128xi32, #tpu.memory_space<vmem>> -> memref<32xi32, #tpu.memory_space<vmem>>
    %dma_wait3A_130 = arith.constant 0 : i32
    %dma_wait3A_131 = arith.constant 0 : i32
    %dma_wait3A_132 = tpu.memref_slice %arg6[%dma_wait3A_130, %dma_wait3A_131] : memref<1000x64xf32, #tpu.memory_space<hbm>> -> memref<1000x64xf32, #tpu.memory_space<hbm>>
    tpu.wait_indirect_dma semaphore(%arg16 : memref<!tpu.dma_semaphore, #tpu.memory_space<semaphore_mem>>) src(%dma_wait3A_132 : memref<1000x64xf32, #tpu.memory_space<hbm>>) dst(%dma_wait3A_127 : memref<32x64xf32, #tpu.memory_space<vmem>>)
    %scan3A = arith.constant 0 : i32
    %scan3A_133 = arith.constant 0 : i32
    %scan3A_134 = arith.constant 32 : i32
    %scan3A_135 = arith.addi %scan3A_133, %scan3A_134 : i32
    %scan3A_136 = arith.constant 1 : i32
    scf.for %scan3A_234 = %scan3A_133 to %scan3A_135 step %scan3A_136  : i32 {
      %broadcast_in_dim3A = arith.constant 0.000000e+00 : f32
      %broadcast_in_dim3A_235 = vector.broadcast %broadcast_in_dim3A : f32 to vector<16xf32>
      %get3A = arith.index_cast %scan3A_234 : i32 to index
      %get3A_236 = arith.constant 0 : index
      %get3A_237 = tpu.vector_load %arg13[%get3A, %get3A_236] {strides = array<i32>} : memref<128x64xf32, #tpu.memory_space<vmem>>, vector<16xf32>,
      %mul3A_238 = arith.constant 14.3615665 : f32
      %mul3A_239 = vector.broadcast %mul3A_238 : f32 to vector<16xf32>
      %mul3A_240 = arith.mulf %get3A_237, %mul3A_239 : vector<16xf32>
      %mul3A_241 = arith.mulf %mul3A_240, %mul3A_240 : vector<16xf32>
      %broadcast_in_dim3A_242 = arith.constant 1.72450676E-9 : f32
      %broadcast_in_dim3A_243 = vector.broadcast %broadcast_in_dim3A_242 : f32 to vector<16xf32>
      %mul3A_244 = arith.mulf %broadcast_in_dim3A_243, %mul3A_241 : vector<16xf32>
      %add3A_245 = arith.constant -2.70790252E-7 : f32
      %add3A_246 = vector.broadcast %add3A_245 : f32 to vector<16xf32>
      %add3A_247 = arith.addf %mul3A_244, %add3A_246 : vector<16xf32>
      %mul3A_248 = arith.mulf %add3A_247, %mul3A_241 : vector<16xf32>
      %add3A_249 = arith.constant 2.47698827E-5 : f32
      %add3A_250 = vector.broadcast %add3A_249 : f32 to vector<16xf32>
      %add3A_251 = arith.addf %mul3A_248, %add3A_250 : vector<16xf32>
      %mul3A_252 = arith.mulf %add3A_251, %mul3A_241 : vector<16xf32>
      %add3A_253 = arith.constant -0.00138878031 : f32
      %add3A_254 = vector.broadcast %add3A_253 : f32 to vector<16xf32>
      %add3A_255 = arith.addf %mul3A_252, %add3A_254 : vector<16xf32>
      %mul3A_256 = arith.mulf %add3A_255, %mul3A_241 : vector<16xf32>
      %add3A_257 = arith.constant 0.0416664891 : f32
      %add3A_258 = vector.broadcast %add3A_257 : f32 to vector<16xf32>
      %add3A_259 = arith.addf %mul3A_256, %add3A_258 : vector<16xf32>
      %mul3A_260 = arith.mulf %add3A_259, %mul3A_241 : vector<16xf32>
      %add3A_261 = arith.constant -0.499999881 : f32
      %add3A_262 = vector.broadcast %add3A_261 : f32 to vector<16xf32>
      %add3A_263 = arith.addf %mul3A_260, %add3A_262 : vector<16xf32>
      %mul3A_264 = arith.mulf %add3A_263, %mul3A_241 : vector<16xf32>
      %add3A_265 = arith.constant 1.000000e+00 : f32
      %add3A_266 = vector.broadcast %add3A_265 : f32 to vector<16xf32>
      %add3A_267 = arith.addf %mul3A_264, %add3A_266 : vector<16xf32>
      %broadcast_in_dim3A_268 = arith.constant -2.06980673E-8 : f32
      %broadcast_in_dim3A_269 = vector.broadcast %broadcast_in_dim3A_268 : f32 to vector<16xf32>
      %mul3A_270 = arith.mulf %broadcast_in_dim3A_269, %mul3A_241 : vector<16xf32>
      %add3A_271 = arith.constant 2.70882947E-6 : f32
      %add3A_272 = vector.broadcast %add3A_271 : f32 to vector<16xf32>
      %add3A_273 = arith.addf %mul3A_270, %add3A_272 : vector<16xf32>
      %mul3A_274 = arith.mulf %add3A_273, %mul3A_241 : vector<16xf32>
      %add3A_275 = arith.constant -1.98176291E-4 : f32
      %add3A_276 = vector.broadcast %add3A_275 : f32 to vector<16xf32>
      %add3A_277 = arith.addf %mul3A_274, %add3A_276 : vector<16xf32>
      %mul3A_278 = arith.mulf %add3A_277, %mul3A_241 : vector<16xf32>
      %add3A_279 = arith.constant 0.00833279174 : f32
      %add3A_280 = vector.broadcast %add3A_279 : f32 to vector<16xf32>
      %add3A_281 = arith.addf %mul3A_278, %add3A_280 : vector<16xf32>
      %mul3A_282 = arith.mulf %add3A_281, %mul3A_241 : vector<16xf32>
      %add3A_283 = arith.constant -0.16666621 : f32
      %add3A_284 = vector.broadcast %add3A_283 : f32 to vector<16xf32>
      %add3A_285 = arith.addf %mul3A_282, %add3A_284 : vector<16xf32>
      %mul3A_286 = arith.mulf %add3A_285, %mul3A_241 : vector<16xf32>
      %add3A_287 = arith.constant 0.99999994 : f32
      %add3A_288 = vector.broadcast %add3A_287 : f32 to vector<16xf32>
      %add3A_289 = arith.addf %mul3A_286, %add3A_288 : vector<16xf32>
      %mul3A_290 = arith.mulf %mul3A_240, %add3A_289 : vector<16xf32>
      %get3A_291 = arith.index_cast %scan3A_234 : i32 to index
      %get3A_292 = arith.constant 0 : index
      %get3A_293 = tpu.vector_load %arg12[%get3A_291, %get3A_292] {strides = array<i32>} : memref<128x128xf32, #tpu.memory_space<vmem>>, vector<16xf32>,
      %get3A_294 = arith.index_cast %scan3A_234 : i32 to index
      %get3A_295 = arith.constant 64 : index
      %get3A_296 = tpu.vector_load %arg12[%get3A_294, %get3A_295] {strides = array<i32>} : memref<128x128xf32, #tpu.memory_space<vmem>>, vector<16xf32>,
      %get3A_297 = arith.index_cast %scan3A_234 : i32 to index
      %get3A_298 = arith.constant 0 : index
      %get3A_299 = tpu.vector_load %arg11[%get3A_297, %get3A_298] {strides = array<i32>} : memref<128x128xf32, #tpu.memory_space<vmem>>, vector<16xf32>,
      %get3A_300 = arith.index_cast %scan3A_234 : i32 to index
      %get3A_301 = arith.constant 64 : index
      %get3A_302 = tpu.vector_load %arg11[%get3A_300, %get3A_301] {strides = array<i32>} : memref<128x128xf32, #tpu.memory_space<vmem>>, vector<16xf32>,
      %mul3A_303 = arith.mulf %add3A_267, %get3A_293 : vector<16xf32>
      %mul3A_304 = arith.mulf %mul3A_290, %get3A_296 : vector<16xf32>
      %add3A_305 = arith.addf %mul3A_303, %mul3A_304 : vector<16xf32>
      %sub3A = arith.subf %add3A_305, %get3A_299 : vector<16xf32>
      %mul3A_306 = arith.mulf %add3A_267, %get3A_296 : vector<16xf32>
      %mul3A_307 = arith.mulf %mul3A_290, %get3A_293 : vector<16xf32>
      %sub3A_308 = arith.subf %mul3A_306, %mul3A_307 : vector<16xf32>
      %sub3A_309 = arith.subf %sub3A_308, %get3A_302 : vector<16xf32>
      %abs3A = math.absf %sub3A : vector<16xf32>
      %abs3A_310 = math.absf %sub3A_309 : vector<16xf32>
      %max3A = arith.maximumf %abs3A, %abs3A_310 : vector<16xf32>
      %min3A = arith.minimumf %abs3A, %abs3A_310 : vector<16xf32>
      %add3A_311 = arith.constant 1.000000e-30 : f32
      %add3A_312 = vector.broadcast %add3A_311 : f32 to vector<16xf32>
      %add3A_313 = arith.addf %max3A, %add3A_312 : vector<16xf32>
      %div3A = arith.divf %min3A, %add3A_313 : vector<16xf32>
      %mul3A_314 = arith.mulf %div3A, %div3A : vector<16xf32>
      %add3A_315 = arith.constant 1.000000e+00 : f32
      %add3A_316 = vector.broadcast %add3A_315 : f32 to vector<16xf32>
      %add3A_317 = arith.addf %add3A_316, %mul3A_314 : vector<16xf32>
      %broadcast_in_dim3A_318 = arith.constant -0.0103518479 : f32
      %broadcast_in_dim3A_319 = vector.broadcast %broadcast_in_dim3A_318 : f32 to vector<16xf32>
      %mul3A_320 = arith.mulf %broadcast_in_dim3A_319, %add3A_317 : vector<16xf32>
      %add3A_321 = arith.constant 0.0862722322 : f32
      %add3A_322 = vector.broadcast %add3A_321 : f32 to vector<16xf32>
      %add3A_323 = arith.addf %mul3A_320, %add3A_322 : vector<16xf32>
      %mul3A_324 = arith.mulf %add3A_323, %add3A_317 : vector<16xf32>
      %add3A_325 = arith.constant -0.316429496 : f32
      %add3A_326 = vector.broadcast %add3A_325 : f32 to vector<16xf32>
      %add3A_327 = arith.addf %mul3A_324, %add3A_326 : vector<16xf32>
      %mul3A_328 = arith.mulf %add3A_327, %add3A_317 : vector<16xf32>
      %add3A_329 = arith.constant 0.914854407 : f32
      %add3A_330 = vector.broadcast %add3A_329 : f32 to vector<16xf32>
      %add3A_331 = arith.addf %mul3A_328, %add3A_330 : vector<16xf32>
      %mul3A_332 = arith.mulf %add3A_331, %add3A_317 : vector<16xf32>
      %add3A_333 = arith.constant 0.325665832 : f32
      %add3A_334 = vector.broadcast %add3A_333 : f32 to vector<16xf32>
      %add3A_335 = arith.addf %mul3A_332, %add3A_334 : vector<16xf32>
      %mul3A_336 = arith.mulf %max3A, %add3A_335 : vector<16xf32>
      %add3A_337 = arith.addf %broadcast_in_dim3A_235, %mul3A_336 : vector<16xf32>
      %get3A_338 = arith.index_cast %scan3A_234 : i32 to index
      %get3A_339 = arith.constant 16 : index
      %get3A_340 = tpu.vector_load %arg13[%get3A_338, %get3A_339] {strides = array<i32>} : memref<128x64xf32, #tpu.memory_space<vmem>>, vector<16xf32>,
      %mul3A_341 = arith.constant 14.3615665 : f32
      %mul3A_342 = vector.broadcast %mul3A_341 : f32 to vector<16xf32>
      %mul3A_343 = arith.mulf %get3A_340, %mul3A_342 : vector<16xf32>
      %mul3A_344 = arith.mulf %mul3A_343, %mul3A_343 : vector<16xf32>
      %broadcast_in_dim3A_345 = arith.constant 1.72450676E-9 : f32
      %broadcast_in_dim3A_346 = vector.broadcast %broadcast_in_dim3A_345 : f32 to vector<16xf32>
      %mul3A_347 = arith.mulf %broadcast_in_dim3A_346, %mul3A_344 : vector<16xf32>
      %add3A_348 = arith.constant -2.70790252E-7 : f32
      %add3A_349 = vector.broadcast %add3A_348 : f32 to vector<16xf32>
      %add3A_350 = arith.addf %mul3A_347, %add3A_349 : vector<16xf32>
      %mul3A_351 = arith.mulf %add3A_350, %mul3A_344 : vector<16xf32>
      %add3A_352 = arith.constant 2.47698827E-5 : f32
      %add3A_353 = vector.broadcast %add3A_352 : f32 to vector<16xf32>
      %add3A_354 = arith.addf %mul3A_351, %add3A_353 : vector<16xf32>
      %mul3A_355 = arith.mulf %add3A_354, %mul3A_344 : vector<16xf32>
      %add3A_356 = arith.constant -0.00138878031 : f32
      %add3A_357 = vector.broadcast %add3A_356 : f32 to vector<16xf32>
      %add3A_358 = arith.addf %mul3A_355, %add3A_357 : vector<16xf32>
      %mul3A_359 = arith.mulf %add3A_358, %mul3A_344 : vector<16xf32>
      %add3A_360 = arith.constant 0.0416664891 : f32
      %add3A_361 = vector.broadcast %add3A_360 : f32 to vector<16xf32>
      %add3A_362 = arith.addf %mul3A_359, %add3A_361 : vector<16xf32>
      %mul3A_363 = arith.mulf %add3A_362, %mul3A_344 : vector<16xf32>
      %add3A_364 = arith.constant -0.499999881 : f32
      %add3A_365 = vector.broadcast %add3A_364 : f32 to vector<16xf32>
      %add3A_366 = arith.addf %mul3A_363, %add3A_365 : vector<16xf32>
      %mul3A_367 = arith.mulf %add3A_366, %mul3A_344 : vector<16xf32>
      %add3A_368 = arith.constant 1.000000e+00 : f32
      %add3A_369 = vector.broadcast %add3A_368 : f32 to vector<16xf32>
      %add3A_370 = arith.addf %mul3A_367, %add3A_369 : vector<16xf32>
      %broadcast_in_dim3A_371 = arith.constant -2.06980673E-8 : f32
      %broadcast_in_dim3A_372 = vector.broadcast %broadcast_in_dim3A_371 : f32 to vector<16xf32>
      %mul3A_373 = arith.mulf %broadcast_in_dim3A_372, %mul3A_344 : vector<16xf32>
      %add3A_374 = arith.constant 2.70882947E-6 : f32
      %add3A_375 = vector.broadcast %add3A_374 : f32 to vector<16xf32>
      %add3A_376 = arith.addf %mul3A_373, %add3A_375 : vector<16xf32>
      %mul3A_377 = arith.mulf %add3A_376, %mul3A_344 : vector<16xf32>
      %add3A_378 = arith.constant -1.98176291E-4 : f32
      %add3A_379 = vector.broadcast %add3A_378 : f32 to vector<16xf32>
      %add3A_380 = arith.addf %mul3A_377, %add3A_379 : vector<16xf32>
      %mul3A_381 = arith.mulf %add3A_380, %mul3A_344 : vector<16xf32>
      %add3A_382 = arith.constant 0.00833279174 : f32
      %add3A_383 = vector.broadcast %add3A_382 : f32 to vector<16xf32>
      %add3A_384 = arith.addf %mul3A_381, %add3A_383 : vector<16xf32>
      %mul3A_385 = arith.mulf %add3A_384, %mul3A_344 : vector<16xf32>
      %add3A_386 = arith.constant -0.16666621 : f32
      %add3A_387 = vector.broadcast %add3A_386 : f32 to vector<16xf32>
      %add3A_388 = arith.addf %mul3A_385, %add3A_387 : vector<16xf32>
      %mul3A_389 = arith.mulf %add3A_388, %mul3A_344 : vector<16xf32>
      %add3A_390 = arith.constant 0.99999994 : f32
      %add3A_391 = vector.broadcast %add3A_390 : f32 to vector<16xf32>
      %add3A_392 = arith.addf %mul3A_389, %add3A_391 : vector<16xf32>
      %mul3A_393 = arith.mulf %mul3A_343, %add3A_392 : vector<16xf32>
      %get3A_394 = arith.index_cast %scan3A_234 : i32 to index
      %get3A_395 = arith.constant 16 : index
      %get3A_396 = tpu.vector_load %arg12[%get3A_394, %get3A_395] {strides = array<i32>} : memref<128x128xf32, #tpu.memory_space<vmem>>, vector<16xf32>,
      %get3A_397 = arith.index_cast %scan3A_234 : i32 to index
      %get3A_398 = arith.constant 80 : index
      %get3A_399 = tpu.vector_load %arg12[%get3A_397, %get3A_398] {strides = array<i32>} : memref<128x128xf32, #tpu.memory_space<vmem>>, vector<16xf32>,
      %get3A_400 = arith.index_cast %scan3A_234 : i32 to index
      %get3A_401 = arith.constant 16 : index
      %get3A_402 = tpu.vector_load %arg11[%get3A_400, %get3A_401] {strides = array<i32>} : memref<128x128xf32, #tpu.memory_space<vmem>>, vector<16xf32>,
      %get3A_403 = arith.index_cast %scan3A_234 : i32 to index
      %get3A_404 = arith.constant 80 : index
      %get3A_405 = tpu.vector_load %arg11[%get3A_403, %get3A_404] {strides = array<i32>} : memref<128x128xf32, #tpu.memory_space<vmem>>, vector<16xf32>,
      %mul3A_406 = arith.mulf %add3A_370, %get3A_396 : vector<16xf32>
      %mul3A_407 = arith.mulf %mul3A_393, %get3A_399 : vector<16xf32>
      %add3A_408 = arith.addf %mul3A_406, %mul3A_407 : vector<16xf32>
      %sub3A_409 = arith.subf %add3A_408, %get3A_402 : vector<16xf32>
      %mul3A_410 = arith.mulf %add3A_370, %get3A_399 : vector<16xf32>
      %mul3A_411 = arith.mulf %mul3A_393, %get3A_396 : vector<16xf32>
      %sub3A_412 = arith.subf %mul3A_410, %mul3A_411 : vector<16xf32>
      %sub3A_413 = arith.subf %sub3A_412, %get3A_405 : vector<16xf32>
      %abs3A_414 = math.absf %sub3A_409 : vector<16xf32>
      %abs3A_415 = math.absf %sub3A_413 : vector<16xf32>
      %max3A_416 = arith.maximumf %abs3A_414, %abs3A_415 : vector<16xf32>
      %min3A_417 = arith.minimumf %abs3A_414, %abs3A_415 : vector<16xf32>
      %add3A_418 = arith.constant 1.000000e-30 : f32
      %add3A_419 = vector.broadcast %add3A_418 : f32 to vector<16xf32>
      %add3A_420 = arith.addf %max3A_416, %add3A_419 : vector<16xf32>
      %div3A_421 = arith.divf %min3A_417, %add3A_420 : vector<16xf32>
      %mul3A_422 = arith.mulf %div3A_421, %div3A_421 : vector<16xf32>
      %add3A_423 = arith.constant 1.000000e+00 : f32
      %add3A_424 = vector.broadcast %add3A_423 : f32 to vector<16xf32>
      %add3A_425 = arith.addf %add3A_424, %mul3A_422 : vector<16xf32>
      %broadcast_in_dim3A_426 = arith.constant -0.0103518479 : f32
      %broadcast_in_dim3A_427 = vector.broadcast %broadcast_in_dim3A_426 : f32 to vector<16xf32>
      %mul3A_428 = arith.mulf %broadcast_in_dim3A_427, %add3A_425 : vector<16xf32>
      %add3A_429 = arith.constant 0.0862722322 : f32
      %add3A_430 = vector.broadcast %add3A_429 : f32 to vector<16xf32>
      %add3A_431 = arith.addf %mul3A_428, %add3A_430 : vector<16xf32>
      %mul3A_432 = arith.mulf %add3A_431, %add3A_425 : vector<16xf32>
      %add3A_433 = arith.constant -0.316429496 : f32
      %add3A_434 = vector.broadcast %add3A_433 : f32 to vector<16xf32>
      %add3A_435 = arith.addf %mul3A_432, %add3A_434 : vector<16xf32>
      %mul3A_436 = arith.mulf %add3A_435, %add3A_425 : vector<16xf32>
      %add3A_437 = arith.constant 0.914854407 : f32
      %add3A_438 = vector.broadcast %add3A_437 : f32 to vector<16xf32>
      %add3A_439 = arith.addf %mul3A_436, %add3A_438 : vector<16xf32>
      %mul3A_440 = arith.mulf %add3A_439, %add3A_425 : vector<16xf32>
      %add3A_441 = arith.constant 0.325665832 : f32
      %add3A_442 = vector.broadcast %add3A_441 : f32 to vector<16xf32>
      %add3A_443 = arith.addf %mul3A_440, %add3A_442 : vector<16xf32>
      %mul3A_444 = arith.mulf %max3A_416, %add3A_443 : vector<16xf32>
      %add3A_445 = arith.addf %add3A_337, %mul3A_444 : vector<16xf32>
      %get3A_446 = arith.index_cast %scan3A_234 : i32 to index
      %get3A_447 = arith.constant 32 : index
      %get3A_448 = tpu.vector_load %arg13[%get3A_446, %get3A_447] {strides = array<i32>} : memref<128x64xf32, #tpu.memory_space<vmem>>, vector<16xf32>,
      %mul3A_449 = arith.constant 14.3615665 : f32
      %mul3A_450 = vector.broadcast %mul3A_449 : f32 to vector<16xf32>
      %mul3A_451 = arith.mulf %get3A_448, %mul3A_450 : vector<16xf32>
      %mul3A_452 = arith.mulf %mul3A_451, %mul3A_451 : vector<16xf32>
      %broadcast_in_dim3A_453 = arith.constant 1.72450676E-9 : f32
      %broadcast_in_dim3A_454 = vector.broadcast %broadcast_in_dim3A_453 : f32 to vector<16xf32>
      %mul3A_455 = arith.mulf %broadcast_in_dim3A_454, %mul3A_452 : vector<16xf32>
      %add3A_456 = arith.constant -2.70790252E-7 : f32
      %add3A_457 = vector.broadcast %add3A_456 : f32 to vector<16xf32>
      %add3A_458 = arith.addf %mul3A_455, %add3A_457 : vector<16xf32>
      %mul3A_459 = arith.mulf %add3A_458, %mul3A_452 : vector<16xf32>
      %add3A_460 = arith.constant 2.47698827E-5 : f32
      %add3A_461 = vector.broadcast %add3A_460 : f32 to vector<16xf32>
      %add3A_462 = arith.addf %mul3A_459, %add3A_461 : vector<16xf32>
      %mul3A_463 = arith.mulf %add3A_462, %mul3A_452 : vector<16xf32>
      %add3A_464 = arith.constant -0.00138878031 : f32
      %add3A_465 = vector.broadcast %add3A_464 : f32 to vector<16xf32>
      %add3A_466 = arith.addf %mul3A_463, %add3A_465 : vector<16xf32>
      %mul3A_467 = arith.mulf %add3A_466, %mul3A_452 : vector<16xf32>
      %add3A_468 = arith.constant 0.0416664891 : f32
      %add3A_469 = vector.broadcast %add3A_468 : f32 to vector<16xf32>
      %add3A_470 = arith.addf %mul3A_467, %add3A_469 : vector<16xf32>
      %mul3A_471 = arith.mulf %add3A_470, %mul3A_452 : vector<16xf32>
      %add3A_472 = arith.constant -0.499999881 : f32
      %add3A_473 = vector.broadcast %add3A_472 : f32 to vector<16xf32>
      %add3A_474 = arith.addf %mul3A_471, %add3A_473 : vector<16xf32>
      %mul3A_475 = arith.mulf %add3A_474, %mul3A_452 : vector<16xf32>
      %add3A_476 = arith.constant 1.000000e+00 : f32
      %add3A_477 = vector.broadcast %add3A_476 : f32 to vector<16xf32>
      %add3A_478 = arith.addf %mul3A_475, %add3A_477 : vector<16xf32>
      %broadcast_in_dim3A_479 = arith.constant -2.06980673E-8 : f32
      %broadcast_in_dim3A_480 = vector.broadcast %broadcast_in_dim3A_479 : f32 to vector<16xf32>
      %mul3A_481 = arith.mulf %broadcast_in_dim3A_480, %mul3A_452 : vector<16xf32>
      %add3A_482 = arith.constant 2.70882947E-6 : f32
      %add3A_483 = vector.broadcast %add3A_482 : f32 to vector<16xf32>
      %add3A_484 = arith.addf %mul3A_481, %add3A_483 : vector<16xf32>
      %mul3A_485 = arith.mulf %add3A_484, %mul3A_452 : vector<16xf32>
      %add3A_486 = arith.constant -1.98176291E-4 : f32
      %add3A_487 = vector.broadcast %add3A_486 : f32 to vector<16xf32>
      %add3A_488 = arith.addf %mul3A_485, %add3A_487 : vector<16xf32>
      %mul3A_489 = arith.mulf %add3A_488, %mul3A_452 : vector<16xf32>
      %add3A_490 = arith.constant 0.00833279174 : f32
      %add3A_491 = vector.broadcast %add3A_490 : f32 to vector<16xf32>
      %add3A_492 = arith.addf %mul3A_489, %add3A_491 : vector<16xf32>
      %mul3A_493 = arith.mulf %add3A_492, %mul3A_452 : vector<16xf32>
      %add3A_494 = arith.constant -0.16666621 : f32
      %add3A_495 = vector.broadcast %add3A_494 : f32 to vector<16xf32>
      %add3A_496 = arith.addf %mul3A_493, %add3A_495 : vector<16xf32>
      %mul3A_497 = arith.mulf %add3A_496, %mul3A_452 : vector<16xf32>
      %add3A_498 = arith.constant 0.99999994 : f32
      %add3A_499 = vector.broadcast %add3A_498 : f32 to vector<16xf32>
      %add3A_500 = arith.addf %mul3A_497, %add3A_499 : vector<16xf32>
      %mul3A_501 = arith.mulf %mul3A_451, %add3A_500 : vector<16xf32>
      %get3A_502 = arith.index_cast %scan3A_234 : i32 to index
      %get3A_503 = arith.constant 32 : index
      %get3A_504 = tpu.vector_load %arg12[%get3A_502, %get3A_503] {strides = array<i32>} : memref<128x128xf32, #tpu.memory_space<vmem>>, vector<16xf32>,
      %get3A_505 = arith.index_cast %scan3A_234 : i32 to index
      %get3A_506 = arith.constant 96 : index
      %get3A_507 = tpu.vector_load %arg12[%get3A_505, %get3A_506] {strides = array<i32>} : memref<128x128xf32, #tpu.memory_space<vmem>>, vector<16xf32>,
      %get3A_508 = arith.index_cast %scan3A_234 : i32 to index
      %get3A_509 = arith.constant 32 : index
      %get3A_510 = tpu.vector_load %arg11[%get3A_508, %get3A_509] {strides = array<i32>} : memref<128x128xf32, #tpu.memory_space<vmem>>, vector<16xf32>,
      %get3A_511 = arith.index_cast %scan3A_234 : i32 to index
      %get3A_512 = arith.constant 96 : index
      %get3A_513 = tpu.vector_load %arg11[%get3A_511, %get3A_512] {strides = array<i32>} : memref<128x128xf32, #tpu.memory_space<vmem>>, vector<16xf32>,
      %mul3A_514 = arith.mulf %add3A_478, %get3A_504 : vector<16xf32>
      %mul3A_515 = arith.mulf %mul3A_501, %get3A_507 : vector<16xf32>
      %add3A_516 = arith.addf %mul3A_514, %mul3A_515 : vector<16xf32>
      %sub3A_517 = arith.subf %add3A_516, %get3A_510 : vector<16xf32>
      %mul3A_518 = arith.mulf %add3A_478, %get3A_507 : vector<16xf32>
      %mul3A_519 = arith.mulf %mul3A_501, %get3A_504 : vector<16xf32>
      %sub3A_520 = arith.subf %mul3A_518, %mul3A_519 : vector<16xf32>
      %sub3A_521 = arith.subf %sub3A_520, %get3A_513 : vector<16xf32>
      %abs3A_522 = math.absf %sub3A_517 : vector<16xf32>
      %abs3A_523 = math.absf %sub3A_521 : vector<16xf32>
      %max3A_524 = arith.maximumf %abs3A_522, %abs3A_523 : vector<16xf32>
      %min3A_525 = arith.minimumf %abs3A_522, %abs3A_523 : vector<16xf32>
      %add3A_526 = arith.constant 1.000000e-30 : f32
      %add3A_527 = vector.broadcast %add3A_526 : f32 to vector<16xf32>
      %add3A_528 = arith.addf %max3A_524, %add3A_527 : vector<16xf32>
      %div3A_529 = arith.divf %min3A_525, %add3A_528 : vector<16xf32>
      %mul3A_530 = arith.mulf %div3A_529, %div3A_529 : vector<16xf32>
      %add3A_531 = arith.constant 1.000000e+00 : f32
      %add3A_532 = vector.broadcast %add3A_531 : f32 to vector<16xf32>
      %add3A_533 = arith.addf %add3A_532, %mul3A_530 : vector<16xf32>
      %broadcast_in_dim3A_534 = arith.constant -0.0103518479 : f32
      %broadcast_in_dim3A_535 = vector.broadcast %broadcast_in_dim3A_534 : f32 to vector<16xf32>
      %mul3A_536 = arith.mulf %broadcast_in_dim3A_535, %add3A_533 : vector<16xf32>
      %add3A_537 = arith.constant 0.0862722322 : f32
      %add3A_538 = vector.broadcast %add3A_537 : f32 to vector<16xf32>
      %add3A_539 = arith.addf %mul3A_536, %add3A_538 : vector<16xf32>
      %mul3A_540 = arith.mulf %add3A_539, %add3A_533 : vector<16xf32>
      %add3A_541 = arith.constant -0.316429496 : f32
      %add3A_542 = vector.broadcast %add3A_541 : f32 to vector<16xf32>
      %add3A_543 = arith.addf %mul3A_540, %add3A_542 : vector<16xf32>
      %mul3A_544 = arith.mulf %add3A_543, %add3A_533 : vector<16xf32>
      %add3A_545 = arith.constant 0.914854407 : f32
      %add3A_546 = vector.broadcast %add3A_545 : f32 to vector<16xf32>
      %add3A_547 = arith.addf %mul3A_544, %add3A_546 : vector<16xf32>
      %mul3A_548 = arith.mulf %add3A_547, %add3A_533 : vector<16xf32>
      %add3A_549 = arith.constant 0.325665832 : f32
      %add3A_550 = vector.broadcast %add3A_549 : f32 to vector<16xf32>
      %add3A_551 = arith.addf %mul3A_548, %add3A_550 : vector<16xf32>
      %mul3A_552 = arith.mulf %max3A_524, %add3A_551 : vector<16xf32>
      %add3A_553 = arith.addf %add3A_445, %mul3A_552 : vector<16xf32>
      %get3A_554 = arith.index_cast %scan3A_234 : i32 to index
      %get3A_555 = arith.constant 48 : index
      %get3A_556 = tpu.vector_load %arg13[%get3A_554, %get3A_555] {strides = array<i32>} : memref<128x64xf32, #tpu.memory_space<vmem>>, vector<16xf32>,
      %mul3A_557 = arith.constant 14.3615665 : f32
      %mul3A_558 = vector.broadcast %mul3A_557 : f32 to vector<16xf32>
      %mul3A_559 = arith.mulf %get3A_556, %mul3A_558 : vector<16xf32>
      %mul3A_560 = arith.mulf %mul3A_559, %mul3A_559 : vector<16xf32>
      %broadcast_in_dim3A_561 = arith.constant 1.72450676E-9 : f32
      %broadcast_in_dim3A_562 = vector.broadcast %broadcast_in_dim3A_561 : f32 to vector<16xf32>
      %mul3A_563 = arith.mulf %broadcast_in_dim3A_562, %mul3A_560 : vector<16xf32>
      %add3A_564 = arith.constant -2.70790252E-7 : f32
      %add3A_565 = vector.broadcast %add3A_564 : f32 to vector<16xf32>
      %add3A_566 = arith.addf %mul3A_563, %add3A_565 : vector<16xf32>
      %mul3A_567 = arith.mulf %add3A_566, %mul3A_560 : vector<16xf32>
      %add3A_568 = arith.constant 2.47698827E-5 : f32
      %add3A_569 = vector.broadcast %add3A_568 : f32 to vector<16xf32>
      %add3A_570 = arith.addf %mul3A_567, %add3A_569 : vector<16xf32>
      %mul3A_571 = arith.mulf %add3A_570, %mul3A_560 : vector<16xf32>
      %add3A_572 = arith.constant -0.00138878031 : f32
      %add3A_573 = vector.broadcast %add3A_572 : f32 to vector<16xf32>
      %add3A_574 = arith.addf %mul3A_571, %add3A_573 : vector<16xf32>
      %mul3A_575 = arith.mulf %add3A_574, %mul3A_560 : vector<16xf32>
      %add3A_576 = arith.constant 0.0416664891 : f32
      %add3A_577 = vector.broadcast %add3A_576 : f32 to vector<16xf32>
      %add3A_578 = arith.addf %mul3A_575, %add3A_577 : vector<16xf32>
      %mul3A_579 = arith.mulf %add3A_578, %mul3A_560 : vector<16xf32>
      %add3A_580 = arith.constant -0.499999881 : f32
      %add3A_581 = vector.broadcast %add3A_580 : f32 to vector<16xf32>
      %add3A_582 = arith.addf %mul3A_579, %add3A_581 : vector<16xf32>
      %mul3A_583 = arith.mulf %add3A_582, %mul3A_560 : vector<16xf32>
      %add3A_584 = arith.constant 1.000000e+00 : f32
      %add3A_585 = vector.broadcast %add3A_584 : f32 to vector<16xf32>
      %add3A_586 = arith.addf %mul3A_583, %add3A_585 : vector<16xf32>
      %broadcast_in_dim3A_587 = arith.constant -2.06980673E-8 : f32
      %broadcast_in_dim3A_588 = vector.broadcast %broadcast_in_dim3A_587 : f32 to vector<16xf32>
      %mul3A_589 = arith.mulf %broadcast_in_dim3A_588, %mul3A_560 : vector<16xf32>
      %add3A_590 = arith.constant 2.70882947E-6 : f32
      %add3A_591 = vector.broadcast %add3A_590 : f32 to vector<16xf32>
      %add3A_592 = arith.addf %mul3A_589, %add3A_591 : vector<16xf32>
      %mul3A_593 = arith.mulf %add3A_592, %mul3A_560 : vector<16xf32>
      %add3A_594 = arith.constant -1.98176291E-4 : f32
      %add3A_595 = vector.broadcast %add3A_594 : f32 to vector<16xf32>
      %add3A_596 = arith.addf %mul3A_593, %add3A_595 : vector<16xf32>
      %mul3A_597 = arith.mulf %add3A_596, %mul3A_560 : vector<16xf32>
      %add3A_598 = arith.constant 0.00833279174 : f32
      %add3A_599 = vector.broadcast %add3A_598 : f32 to vector<16xf32>
      %add3A_600 = arith.addf %mul3A_597, %add3A_599 : vector<16xf32>
      %mul3A_601 = arith.mulf %add3A_600, %mul3A_560 : vector<16xf32>
      %add3A_602 = arith.constant -0.16666621 : f32
      %add3A_603 = vector.broadcast %add3A_602 : f32 to vector<16xf32>
      %add3A_604 = arith.addf %mul3A_601, %add3A_603 : vector<16xf32>
      %mul3A_605 = arith.mulf %add3A_604, %mul3A_560 : vector<16xf32>
      %add3A_606 = arith.constant 0.99999994 : f32
      %add3A_607 = vector.broadcast %add3A_606 : f32 to vector<16xf32>
      %add3A_608 = arith.addf %mul3A_605, %add3A_607 : vector<16xf32>
      %mul3A_609 = arith.mulf %mul3A_559, %add3A_608 : vector<16xf32>
      %get3A_610 = arith.index_cast %scan3A_234 : i32 to index
      %get3A_611 = arith.constant 48 : index
      %get3A_612 = tpu.vector_load %arg12[%get3A_610, %get3A_611] {strides = array<i32>} : memref<128x128xf32, #tpu.memory_space<vmem>>, vector<16xf32>,
      %get3A_613 = arith.index_cast %scan3A_234 : i32 to index
      %get3A_614 = arith.constant 112 : index
      %get3A_615 = tpu.vector_load %arg12[%get3A_613, %get3A_614] {strides = array<i32>} : memref<128x128xf32, #tpu.memory_space<vmem>>, vector<16xf32>,
      %get3A_616 = arith.index_cast %scan3A_234 : i32 to index
      %get3A_617 = arith.constant 48 : index
      %get3A_618 = tpu.vector_load %arg11[%get3A_616, %get3A_617] {strides = array<i32>} : memref<128x128xf32, #tpu.memory_space<vmem>>, vector<16xf32>,
      %get3A_619 = arith.index_cast %scan3A_234 : i32 to index
      %get3A_620 = arith.constant 112 : index
      %get3A_621 = tpu.vector_load %arg11[%get3A_619, %get3A_620] {strides = array<i32>} : memref<128x128xf32, #tpu.memory_space<vmem>>, vector<16xf32>,
      %mul3A_622 = arith.mulf %add3A_586, %get3A_612 : vector<16xf32>
      %mul3A_623 = arith.mulf %mul3A_609, %get3A_615 : vector<16xf32>
      %add3A_624 = arith.addf %mul3A_622, %mul3A_623 : vector<16xf32>
      %sub3A_625 = arith.subf %add3A_624, %get3A_618 : vector<16xf32>
      %mul3A_626 = arith.mulf %add3A_586, %get3A_615 : vector<16xf32>
      %mul3A_627 = arith.mulf %mul3A_609, %get3A_612 : vector<16xf32>
      %sub3A_628 = arith.subf %mul3A_626, %mul3A_627 : vector<16xf32>
      %sub3A_629 = arith.subf %sub3A_628, %get3A_621 : vector<16xf32>
      %abs3A_630 = math.absf %sub3A_625 : vector<16xf32>
      %abs3A_631 = math.absf %sub3A_629 : vector<16xf32>
      %max3A_632 = arith.maximumf %abs3A_630, %abs3A_631 : vector<16xf32>
      %min3A_633 = arith.minimumf %abs3A_630, %abs3A_631 : vector<16xf32>
      %add3A_634 = arith.constant 1.000000e-30 : f32
      %add3A_635 = vector.broadcast %add3A_634 : f32 to vector<16xf32>
      %add3A_636 = arith.addf %max3A_632, %add3A_635 : vector<16xf32>
      %div3A_637 = arith.divf %min3A_633, %add3A_636 : vector<16xf32>
      %mul3A_638 = arith.mulf %div3A_637, %div3A_637 : vector<16xf32>
      %add3A_639 = arith.constant 1.000000e+00 : f32
      %add3A_640 = vector.broadcast %add3A_639 : f32 to vector<16xf32>
      %add3A_641 = arith.addf %add3A_640, %mul3A_638 : vector<16xf32>
      %broadcast_in_dim3A_642 = arith.constant -0.0103518479 : f32
      %broadcast_in_dim3A_643 = vector.broadcast %broadcast_in_dim3A_642 : f32 to vector<16xf32>
      %mul3A_644 = arith.mulf %broadcast_in_dim3A_643, %add3A_641 : vector<16xf32>
      %add3A_645 = arith.constant 0.0862722322 : f32
      %add3A_646 = vector.broadcast %add3A_645 : f32 to vector<16xf32>
      %add3A_647 = arith.addf %mul3A_644, %add3A_646 : vector<16xf32>
      %mul3A_648 = arith.mulf %add3A_647, %add3A_641 : vector<16xf32>
      %add3A_649 = arith.constant -0.316429496 : f32
      %add3A_650 = vector.broadcast %add3A_649 : f32 to vector<16xf32>
      %add3A_651 = arith.addf %mul3A_648, %add3A_650 : vector<16xf32>
      %mul3A_652 = arith.mulf %add3A_651, %add3A_641 : vector<16xf32>
      %add3A_653 = arith.constant 0.914854407 : f32
      %add3A_654 = vector.broadcast %add3A_653 : f32 to vector<16xf32>
      %add3A_655 = arith.addf %mul3A_652, %add3A_654 : vector<16xf32>
      %mul3A_656 = arith.mulf %add3A_655, %add3A_641 : vector<16xf32>
      %add3A_657 = arith.constant 0.325665832 : f32
      %add3A_658 = vector.broadcast %add3A_657 : f32 to vector<16xf32>
      %add3A_659 = arith.addf %mul3A_656, %add3A_658 : vector<16xf32>
      %mul3A_660 = arith.mulf %max3A_632, %add3A_659 : vector<16xf32>
      %add3A_661 = arith.addf %add3A_553, %mul3A_660 : vector<16xf32>
      %swap3A = arith.index_cast %scan3A_234 : i32 to index
      %swap3A_662 = arith.constant 0 : index
      %swap3A_663 = tpu.vector_load %arg14[%swap3A, %swap3A_662] {strides = array<i32>} : memref<128x16xf32, #tpu.memory_space<vmem>>, vector<16xf32>,
      tpu.vector_store %arg14[%swap3A, %swap3A_662], %add3A_661 {strides = array<i32>} : memref<128x16xf32, #tpu.memory_space<vmem>>, vector<16xf32>,
    }
    %scan3A_137 = arith.constant 32 : i32
    %dma_wait3A_138 = arith.constant 32 : i32
    %dma_wait3A_139 = arith.constant 0 : i32
    %dma_wait3A_140 = tpu.memref_slice %arg11[%dma_wait3A_138, %dma_wait3A_139] : memref<128x128xf32, #tpu.memory_space<vmem>> -> memref<32x128xf32, #tpu.memory_space<vmem>>
    %dma_wait3A_141 = arith.constant 32 : i32
    %dma_wait3A_142 = tpu.memref_slice %arg8[%dma_wait3A_141] : memref<128xi32, #tpu.memory_space<vmem>> -> memref<32xi32, #tpu.memory_space<vmem>>
    %dma_wait3A_143 = arith.constant 0 : i32
    %dma_wait3A_144 = arith.constant 0 : i32
    %dma_wait3A_145 = tpu.memref_slice %arg5[%dma_wait3A_143, %dma_wait3A_144] : memref<1000000x128xf32, #tpu.memory_space<hbm>> -> memref<1000000x128xf32, #tpu.memory_space<hbm>>
    tpu.wait_indirect_dma semaphore(%arg17 : memref<!tpu.dma_semaphore, #tpu.memory_space<semaphore_mem>>) src(%dma_wait3A_145 : memref<1000000x128xf32, #tpu.memory_space<hbm>>) dst(%dma_wait3A_140 : memref<32x128xf32, #tpu.memory_space<vmem>>)
    %dma_wait3A_146 = arith.constant 32 : i32
    %dma_wait3A_147 = arith.constant 0 : i32
    %dma_wait3A_148 = tpu.memref_slice %arg12[%dma_wait3A_146, %dma_wait3A_147] : memref<128x128xf32, #tpu.memory_space<vmem>> -> memref<32x128xf32, #tpu.memory_space<vmem>>
    %dma_wait3A_149 = arith.constant 32 : i32
    %dma_wait3A_150 = tpu.memref_slice %arg10[%dma_wait3A_149] : memref<128xi32, #tpu.memory_space<vmem>> -> memref<32xi32, #tpu.memory_space<vmem>>
    %dma_wait3A_151 = arith.constant 0 : i32
    %dma_wait3A_152 = arith.constant 0 : i32
    %dma_wait3A_153 = tpu.memref_slice %arg5[%dma_wait3A_151, %dma_wait3A_152] : memref<1000000x128xf32, #tpu.memory_space<hbm>> -> memref<1000000x128xf32, #tpu.memory_space<hbm>>
    tpu.wait_indirect_dma semaphore(%arg17 : memref<!tpu.dma_semaphore, #tpu.memory_space<semaphore_mem>>) src(%dma_wait3A_153 : memref<1000000x128xf32, #tpu.memory_space<hbm>>) dst(%dma_wait3A_148 : memref<32x128xf32, #tpu.memory_space<vmem>>)
    %dma_wait3A_154 = arith.constant 32 : i32
    %dma_wait3A_155 = arith.constant 0 : i32
    %dma_wait3A_156 = tpu.memref_slice %arg13[%dma_wait3A_154, %dma_wait3A_155] : memref<128x64xf32, #tpu.memory_space<vmem>> -> memref<32x64xf32, #tpu.memory_space<vmem>>
    %dma_wait3A_157 = arith.constant 32 : i32
    %dma_wait3A_158 = tpu.memref_slice %arg9[%dma_wait3A_157] : memref<128xi32, #tpu.memory_space<vmem>> -> memref<32xi32, #tpu.memory_space<vmem>>
    %dma_wait3A_159 = arith.constant 0 : i32
    %dma_wait3A_160 = arith.constant 0 : i32
    %dma_wait3A_161 = tpu.memref_slice %arg6[%dma_wait3A_159, %dma_wait3A_160] : memref<1000x64xf32, #tpu.memory_space<hbm>> -> memref<1000x64xf32, #tpu.memory_space<hbm>>
    tpu.wait_indirect_dma semaphore(%arg17 : memref<!tpu.dma_semaphore, #tpu.memory_space<semaphore_mem>>) src(%dma_wait3A_161 : memref<1000x64xf32, #tpu.memory_space<hbm>>) dst(%dma_wait3A_156 : memref<32x64xf32, #tpu.memory_space<vmem>>)
    %scan3A_162 = arith.constant 0 : i32
    %scan3A_163 = arith.constant 32 : i32
    %scan3A_164 = arith.constant 32 : i32
    %scan3A_165 = arith.addi %scan3A_163, %scan3A_164 : i32
    %scan3A_166 = arith.constant 1 : i32
    scf.for %scan3A_234 = %scan3A_163 to %scan3A_165 step %scan3A_166  : i32 {
      %broadcast_in_dim3A = arith.constant 0.000000e+00 : f32
      %broadcast_in_dim3A_235 = vector.broadcast %broadcast_in_dim3A : f32 to vector<16xf32>
      %get3A = arith.index_cast %scan3A_234 : i32 to index
      %get3A_236 = arith.constant 0 : index
      %get3A_237 = tpu.vector_load %arg13[%get3A, %get3A_236] {strides = array<i32>} : memref<128x64xf32, #tpu.memory_space<vmem>>, vector<16xf32>,
      %mul3A_238 = arith.constant 14.3615665 : f32
      %mul3A_239 = vector.broadcast %mul3A_238 : f32 to vector<16xf32>
      %mul3A_240 = arith.mulf %get3A_237, %mul3A_239 : vector<16xf32>
      %mul3A_241 = arith.mulf %mul3A_240, %mul3A_240 : vector<16xf32>
      %broadcast_in_dim3A_242 = arith.constant 1.72450676E-9 : f32
      %broadcast_in_dim3A_243 = vector.broadcast %broadcast_in_dim3A_242 : f32 to vector<16xf32>
      %mul3A_244 = arith.mulf %broadcast_in_dim3A_243, %mul3A_241 : vector<16xf32>
      %add3A_245 = arith.constant -2.70790252E-7 : f32
      %add3A_246 = vector.broadcast %add3A_245 : f32 to vector<16xf32>
      %add3A_247 = arith.addf %mul3A_244, %add3A_246 : vector<16xf32>
      %mul3A_248 = arith.mulf %add3A_247, %mul3A_241 : vector<16xf32>
      %add3A_249 = arith.constant 2.47698827E-5 : f32
      %add3A_250 = vector.broadcast %add3A_249 : f32 to vector<16xf32>
      %add3A_251 = arith.addf %mul3A_248, %add3A_250 : vector<16xf32>
      %mul3A_252 = arith.mulf %add3A_251, %mul3A_241 : vector<16xf32>
      %add3A_253 = arith.constant -0.00138878031 : f32
      %add3A_254 = vector.broadcast %add3A_253 : f32 to vector<16xf32>
      %add3A_255 = arith.addf %mul3A_252, %add3A_254 : vector<16xf32>
      %mul3A_256 = arith.mulf %add3A_255, %mul3A_241 : vector<16xf32>
      %add3A_257 = arith.constant 0.0416664891 : f32
      %add3A_258 = vector.broadcast %add3A_257 : f32 to vector<16xf32>
      %add3A_259 = arith.addf %mul3A_256, %add3A_258 : vector<16xf32>
      %mul3A_260 = arith.mulf %add3A_259, %mul3A_241 : vector<16xf32>
      %add3A_261 = arith.constant -0.499999881 : f32
      %add3A_262 = vector.broadcast %add3A_261 : f32 to vector<16xf32>
      %add3A_263 = arith.addf %mul3A_260, %add3A_262 : vector<16xf32>
      %mul3A_264 = arith.mulf %add3A_263, %mul3A_241 : vector<16xf32>
      %add3A_265 = arith.constant 1.000000e+00 : f32
      %add3A_266 = vector.broadcast %add3A_265 : f32 to vector<16xf32>
      %add3A_267 = arith.addf %mul3A_264, %add3A_266 : vector<16xf32>
      %broadcast_in_dim3A_268 = arith.constant -2.06980673E-8 : f32
      %broadcast_in_dim3A_269 = vector.broadcast %broadcast_in_dim3A_268 : f32 to vector<16xf32>
      %mul3A_270 = arith.mulf %broadcast_in_dim3A_269, %mul3A_241 : vector<16xf32>
      %add3A_271 = arith.constant 2.70882947E-6 : f32
      %add3A_272 = vector.broadcast %add3A_271 : f32 to vector<16xf32>
      %add3A_273 = arith.addf %mul3A_270, %add3A_272 : vector<16xf32>
      %mul3A_274 = arith.mulf %add3A_273, %mul3A_241 : vector<16xf32>
      %add3A_275 = arith.constant -1.98176291E-4 : f32
      %add3A_276 = vector.broadcast %add3A_275 : f32 to vector<16xf32>
      %add3A_277 = arith.addf %mul3A_274, %add3A_276 : vector<16xf32>
      %mul3A_278 = arith.mulf %add3A_277, %mul3A_241 : vector<16xf32>
      %add3A_279 = arith.constant 0.00833279174 : f32
      %add3A_280 = vector.broadcast %add3A_279 : f32 to vector<16xf32>
      %add3A_281 = arith.addf %mul3A_278, %add3A_280 : vector<16xf32>
      %mul3A_282 = arith.mulf %add3A_281, %mul3A_241 : vector<16xf32>
      %add3A_283 = arith.constant -0.16666621 : f32
      %add3A_284 = vector.broadcast %add3A_283 : f32 to vector<16xf32>
      %add3A_285 = arith.addf %mul3A_282, %add3A_284 : vector<16xf32>
      %mul3A_286 = arith.mulf %add3A_285, %mul3A_241 : vector<16xf32>
      %add3A_287 = arith.constant 0.99999994 : f32
      %add3A_288 = vector.broadcast %add3A_287 : f32 to vector<16xf32>
      %add3A_289 = arith.addf %mul3A_286, %add3A_288 : vector<16xf32>
      %mul3A_290 = arith.mulf %mul3A_240, %add3A_289 : vector<16xf32>
      %get3A_291 = arith.index_cast %scan3A_234 : i32 to index
      %get3A_292 = arith.constant 0 : index
      %get3A_293 = tpu.vector_load %arg12[%get3A_291, %get3A_292] {strides = array<i32>} : memref<128x128xf32, #tpu.memory_space<vmem>>, vector<16xf32>,
      %get3A_294 = arith.index_cast %scan3A_234 : i32 to index
      %get3A_295 = arith.constant 64 : index
      %get3A_296 = tpu.vector_load %arg12[%get3A_294, %get3A_295] {strides = array<i32>} : memref<128x128xf32, #tpu.memory_space<vmem>>, vector<16xf32>,
      %get3A_297 = arith.index_cast %scan3A_234 : i32 to index
      %get3A_298 = arith.constant 0 : index
      %get3A_299 = tpu.vector_load %arg11[%get3A_297, %get3A_298] {strides = array<i32>} : memref<128x128xf32, #tpu.memory_space<vmem>>, vector<16xf32>,
      %get3A_300 = arith.index_cast %scan3A_234 : i32 to index
      %get3A_301 = arith.constant 64 : index
      %get3A_302 = tpu.vector_load %arg11[%get3A_300, %get3A_301] {strides = array<i32>} : memref<128x128xf32, #tpu.memory_space<vmem>>, vector<16xf32>,
      %mul3A_303 = arith.mulf %add3A_267, %get3A_293 : vector<16xf32>
      %mul3A_304 = arith.mulf %mul3A_290, %get3A_296 : vector<16xf32>
      %add3A_305 = arith.addf %mul3A_303, %mul3A_304 : vector<16xf32>
      %sub3A = arith.subf %add3A_305, %get3A_299 : vector<16xf32>
      %mul3A_306 = arith.mulf %add3A_267, %get3A_296 : vector<16xf32>
      %mul3A_307 = arith.mulf %mul3A_290, %get3A_293 : vector<16xf32>
      %sub3A_308 = arith.subf %mul3A_306, %mul3A_307 : vector<16xf32>
      %sub3A_309 = arith.subf %sub3A_308, %get3A_302 : vector<16xf32>
      %abs3A = math.absf %sub3A : vector<16xf32>
      %abs3A_310 = math.absf %sub3A_309 : vector<16xf32>
      %max3A = arith.maximumf %abs3A, %abs3A_310 : vector<16xf32>
      %min3A = arith.minimumf %abs3A, %abs3A_310 : vector<16xf32>
      %add3A_311 = arith.constant 1.000000e-30 : f32
      %add3A_312 = vector.broadcast %add3A_311 : f32 to vector<16xf32>
      %add3A_313 = arith.addf %max3A, %add3A_312 : vector<16xf32>
      %div3A = arith.divf %min3A, %add3A_313 : vector<16xf32>
      %mul3A_314 = arith.mulf %div3A, %div3A : vector<16xf32>
      %add3A_315 = arith.constant 1.000000e+00 : f32
      %add3A_316 = vector.broadcast %add3A_315 : f32 to vector<16xf32>
      %add3A_317 = arith.addf %add3A_316, %mul3A_314 : vector<16xf32>
      %broadcast_in_dim3A_318 = arith.constant -0.0103518479 : f32
      %broadcast_in_dim3A_319 = vector.broadcast %broadcast_in_dim3A_318 : f32 to vector<16xf32>
      %mul3A_320 = arith.mulf %broadcast_in_dim3A_319, %add3A_317 : vector<16xf32>
      %add3A_321 = arith.constant 0.0862722322 : f32
      %add3A_322 = vector.broadcast %add3A_321 : f32 to vector<16xf32>
      %add3A_323 = arith.addf %mul3A_320, %add3A_322 : vector<16xf32>
      %mul3A_324 = arith.mulf %add3A_323, %add3A_317 : vector<16xf32>
      %add3A_325 = arith.constant -0.316429496 : f32
      %add3A_326 = vector.broadcast %add3A_325 : f32 to vector<16xf32>
      %add3A_327 = arith.addf %mul3A_324, %add3A_326 : vector<16xf32>
      %mul3A_328 = arith.mulf %add3A_327, %add3A_317 : vector<16xf32>
      %add3A_329 = arith.constant 0.914854407 : f32
      %add3A_330 = vector.broadcast %add3A_329 : f32 to vector<16xf32>
      %add3A_331 = arith.addf %mul3A_328, %add3A_330 : vector<16xf32>
      %mul3A_332 = arith.mulf %add3A_331, %add3A_317 : vector<16xf32>
      %add3A_333 = arith.constant 0.325665832 : f32
      %add3A_334 = vector.broadcast %add3A_333 : f32 to vector<16xf32>
      %add3A_335 = arith.addf %mul3A_332, %add3A_334 : vector<16xf32>
      %mul3A_336 = arith.mulf %max3A, %add3A_335 : vector<16xf32>
      %add3A_337 = arith.addf %broadcast_in_dim3A_235, %mul3A_336 : vector<16xf32>
      %get3A_338 = arith.index_cast %scan3A_234 : i32 to index
      %get3A_339 = arith.constant 16 : index
      %get3A_340 = tpu.vector_load %arg13[%get3A_338, %get3A_339] {strides = array<i32>} : memref<128x64xf32, #tpu.memory_space<vmem>>, vector<16xf32>,
      %mul3A_341 = arith.constant 14.3615665 : f32
      %mul3A_342 = vector.broadcast %mul3A_341 : f32 to vector<16xf32>
      %mul3A_343 = arith.mulf %get3A_340, %mul3A_342 : vector<16xf32>
      %mul3A_344 = arith.mulf %mul3A_343, %mul3A_343 : vector<16xf32>
      %broadcast_in_dim3A_345 = arith.constant 1.72450676E-9 : f32
      %broadcast_in_dim3A_346 = vector.broadcast %broadcast_in_dim3A_345 : f32 to vector<16xf32>
      %mul3A_347 = arith.mulf %broadcast_in_dim3A_346, %mul3A_344 : vector<16xf32>
      %add3A_348 = arith.constant -2.70790252E-7 : f32
      %add3A_349 = vector.broadcast %add3A_348 : f32 to vector<16xf32>
      %add3A_350 = arith.addf %mul3A_347, %add3A_349 : vector<16xf32>
      %mul3A_351 = arith.mulf %add3A_350, %mul3A_344 : vector<16xf32>
      %add3A_352 = arith.constant 2.47698827E-5 : f32
      %add3A_353 = vector.broadcast %add3A_352 : f32 to vector<16xf32>
      %add3A_354 = arith.addf %mul3A_351, %add3A_353 : vector<16xf32>
      %mul3A_355 = arith.mulf %add3A_354, %mul3A_344 : vector<16xf32>
      %add3A_356 = arith.constant -0.00138878031 : f32
      %add3A_357 = vector.broadcast %add3A_356 : f32 to vector<16xf32>
      %add3A_358 = arith.addf %mul3A_355, %add3A_357 : vector<16xf32>
      %mul3A_359 = arith.mulf %add3A_358, %mul3A_344 : vector<16xf32>
      %add3A_360 = arith.constant 0.0416664891 : f32
      %add3A_361 = vector.broadcast %add3A_360 : f32 to vector<16xf32>
      %add3A_362 = arith.addf %mul3A_359, %add3A_361 : vector<16xf32>
      %mul3A_363 = arith.mulf %add3A_362, %mul3A_344 : vector<16xf32>
      %add3A_364 = arith.constant -0.499999881 : f32
      %add3A_365 = vector.broadcast %add3A_364 : f32 to vector<16xf32>
      %add3A_366 = arith.addf %mul3A_363, %add3A_365 : vector<16xf32>
      %mul3A_367 = arith.mulf %add3A_366, %mul3A_344 : vector<16xf32>
      %add3A_368 = arith.constant 1.000000e+00 : f32
      %add3A_369 = vector.broadcast %add3A_368 : f32 to vector<16xf32>
      %add3A_370 = arith.addf %mul3A_367, %add3A_369 : vector<16xf32>
      %broadcast_in_dim3A_371 = arith.constant -2.06980673E-8 : f32
      %broadcast_in_dim3A_372 = vector.broadcast %broadcast_in_dim3A_371 : f32 to vector<16xf32>
      %mul3A_373 = arith.mulf %broadcast_in_dim3A_372, %mul3A_344 : vector<16xf32>
      %add3A_374 = arith.constant 2.70882947E-6 : f32
      %add3A_375 = vector.broadcast %add3A_374 : f32 to vector<16xf32>
      %add3A_376 = arith.addf %mul3A_373, %add3A_375 : vector<16xf32>
      %mul3A_377 = arith.mulf %add3A_376, %mul3A_344 : vector<16xf32>
      %add3A_378 = arith.constant -1.98176291E-4 : f32
      %add3A_379 = vector.broadcast %add3A_378 : f32 to vector<16xf32>
      %add3A_380 = arith.addf %mul3A_377, %add3A_379 : vector<16xf32>
      %mul3A_381 = arith.mulf %add3A_380, %mul3A_344 : vector<16xf32>
      %add3A_382 = arith.constant 0.00833279174 : f32
      %add3A_383 = vector.broadcast %add3A_382 : f32 to vector<16xf32>
      %add3A_384 = arith.addf %mul3A_381, %add3A_383 : vector<16xf32>
      %mul3A_385 = arith.mulf %add3A_384, %mul3A_344 : vector<16xf32>
      %add3A_386 = arith.constant -0.16666621 : f32
      %add3A_387 = vector.broadcast %add3A_386 : f32 to vector<16xf32>
      %add3A_388 = arith.addf %mul3A_385, %add3A_387 : vector<16xf32>
      %mul3A_389 = arith.mulf %add3A_388, %mul3A_344 : vector<16xf32>
      %add3A_390 = arith.constant 0.99999994 : f32
      %add3A_391 = vector.broadcast %add3A_390 : f32 to vector<16xf32>
      %add3A_392 = arith.addf %mul3A_389, %add3A_391 : vector<16xf32>
      %mul3A_393 = arith.mulf %mul3A_343, %add3A_392 : vector<16xf32>
      %get3A_394 = arith.index_cast %scan3A_234 : i32 to index
      %get3A_395 = arith.constant 16 : index
      %get3A_396 = tpu.vector_load %arg12[%get3A_394, %get3A_395] {strides = array<i32>} : memref<128x128xf32, #tpu.memory_space<vmem>>, vector<16xf32>,
      %get3A_397 = arith.index_cast %scan3A_234 : i32 to index
      %get3A_398 = arith.constant 80 : index
      %get3A_399 = tpu.vector_load %arg12[%get3A_397, %get3A_398] {strides = array<i32>} : memref<128x128xf32, #tpu.memory_space<vmem>>, vector<16xf32>,
      %get3A_400 = arith.index_cast %scan3A_234 : i32 to index
      %get3A_401 = arith.constant 16 : index
      %get3A_402 = tpu.vector_load %arg11[%get3A_400, %get3A_401] {strides = array<i32>} : memref<128x128xf32, #tpu.memory_space<vmem>>, vector<16xf32>,
      %get3A_403 = arith.index_cast %scan3A_234 : i32 to index
      %get3A_404 = arith.constant 80 : index
      %get3A_405 = tpu.vector_load %arg11[%get3A_403, %get3A_404] {strides = array<i32>} : memref<128x128xf32, #tpu.memory_space<vmem>>, vector<16xf32>,
      %mul3A_406 = arith.mulf %add3A_370, %get3A_396 : vector<16xf32>
      %mul3A_407 = arith.mulf %mul3A_393, %get3A_399 : vector<16xf32>
      %add3A_408 = arith.addf %mul3A_406, %mul3A_407 : vector<16xf32>
      %sub3A_409 = arith.subf %add3A_408, %get3A_402 : vector<16xf32>
      %mul3A_410 = arith.mulf %add3A_370, %get3A_399 : vector<16xf32>
      %mul3A_411 = arith.mulf %mul3A_393, %get3A_396 : vector<16xf32>
      %sub3A_412 = arith.subf %mul3A_410, %mul3A_411 : vector<16xf32>
      %sub3A_413 = arith.subf %sub3A_412, %get3A_405 : vector<16xf32>
      %abs3A_414 = math.absf %sub3A_409 : vector<16xf32>
      %abs3A_415 = math.absf %sub3A_413 : vector<16xf32>
      %max3A_416 = arith.maximumf %abs3A_414, %abs3A_415 : vector<16xf32>
      %min3A_417 = arith.minimumf %abs3A_414, %abs3A_415 : vector<16xf32>
      %add3A_418 = arith.constant 1.000000e-30 : f32
      %add3A_419 = vector.broadcast %add3A_418 : f32 to vector<16xf32>
      %add3A_420 = arith.addf %max3A_416, %add3A_419 : vector<16xf32>
      %div3A_421 = arith.divf %min3A_417, %add3A_420 : vector<16xf32>
      %mul3A_422 = arith.mulf %div3A_421, %div3A_421 : vector<16xf32>
      %add3A_423 = arith.constant 1.000000e+00 : f32
      %add3A_424 = vector.broadcast %add3A_423 : f32 to vector<16xf32>
      %add3A_425 = arith.addf %add3A_424, %mul3A_422 : vector<16xf32>
      %broadcast_in_dim3A_426 = arith.constant -0.0103518479 : f32
      %broadcast_in_dim3A_427 = vector.broadcast %broadcast_in_dim3A_426 : f32 to vector<16xf32>
      %mul3A_428 = arith.mulf %broadcast_in_dim3A_427, %add3A_425 : vector<16xf32>
      %add3A_429 = arith.constant 0.0862722322 : f32
      %add3A_430 = vector.broadcast %add3A_429 : f32 to vector<16xf32>
      %add3A_431 = arith.addf %mul3A_428, %add3A_430 : vector<16xf32>
      %mul3A_432 = arith.mulf %add3A_431, %add3A_425 : vector<16xf32>
      %add3A_433 = arith.constant -0.316429496 : f32
      %add3A_434 = vector.broadcast %add3A_433 : f32 to vector<16xf32>
      %add3A_435 = arith.addf %mul3A_432, %add3A_434 : vector<16xf32>
      %mul3A_436 = arith.mulf %add3A_435, %add3A_425 : vector<16xf32>
      %add3A_437 = arith.constant 0.914854407 : f32
      %add3A_438 = vector.broadcast %add3A_437 : f32 to vector<16xf32>
      %add3A_439 = arith.addf %mul3A_436, %add3A_438 : vector<16xf32>
      %mul3A_440 = arith.mulf %add3A_439, %add3A_425 : vector<16xf32>
      %add3A_441 = arith.constant 0.325665832 : f32
      %add3A_442 = vector.broadcast %add3A_441 : f32 to vector<16xf32>
      %add3A_443 = arith.addf %mul3A_440, %add3A_442 : vector<16xf32>
      %mul3A_444 = arith.mulf %max3A_416, %add3A_443 : vector<16xf32>
      %add3A_445 = arith.addf %add3A_337, %mul3A_444 : vector<16xf32>
      %get3A_446 = arith.index_cast %scan3A_234 : i32 to index
      %get3A_447 = arith.constant 32 : index
      %get3A_448 = tpu.vector_load %arg13[%get3A_446, %get3A_447] {strides = array<i32>} : memref<128x64xf32, #tpu.memory_space<vmem>>, vector<16xf32>,
      %mul3A_449 = arith.constant 14.3615665 : f32
      %mul3A_450 = vector.broadcast %mul3A_449 : f32 to vector<16xf32>
      %mul3A_451 = arith.mulf %get3A_448, %mul3A_450 : vector<16xf32>
      %mul3A_452 = arith.mulf %mul3A_451, %mul3A_451 : vector<16xf32>
      %broadcast_in_dim3A_453 = arith.constant 1.72450676E-9 : f32
      %broadcast_in_dim3A_454 = vector.broadcast %broadcast_in_dim3A_453 : f32 to vector<16xf32>
      %mul3A_455 = arith.mulf %broadcast_in_dim3A_454, %mul3A_452 : vector<16xf32>
      %add3A_456 = arith.constant -2.70790252E-7 : f32
      %add3A_457 = vector.broadcast %add3A_456 : f32 to vector<16xf32>
      %add3A_458 = arith.addf %mul3A_455, %add3A_457 : vector<16xf32>
      %mul3A_459 = arith.mulf %add3A_458, %mul3A_452 : vector<16xf32>
      %add3A_460 = arith.constant 2.47698827E-5 : f32
      %add3A_461 = vector.broadcast %add3A_460 : f32 to vector<16xf32>
      %add3A_462 = arith.addf %mul3A_459, %add3A_461 : vector<16xf32>
      %mul3A_463 = arith.mulf %add3A_462, %mul3A_452 : vector<16xf32>
      %add3A_464 = arith.constant -0.00138878031 : f32
      %add3A_465 = vector.broadcast %add3A_464 : f32 to vector<16xf32>
      %add3A_466 = arith.addf %mul3A_463, %add3A_465 : vector<16xf32>
      %mul3A_467 = arith.mulf %add3A_466, %mul3A_452 : vector<16xf32>
      %add3A_468 = arith.constant 0.0416664891 : f32
      %add3A_469 = vector.broadcast %add3A_468 : f32 to vector<16xf32>
      %add3A_470 = arith.addf %mul3A_467, %add3A_469 : vector<16xf32>
      %mul3A_471 = arith.mulf %add3A_470, %mul3A_452 : vector<16xf32>
      %add3A_472 = arith.constant -0.499999881 : f32
      %add3A_473 = vector.broadcast %add3A_472 : f32 to vector<16xf32>
      %add3A_474 = arith.addf %mul3A_471, %add3A_473 : vector<16xf32>
      %mul3A_475 = arith.mulf %add3A_474, %mul3A_452 : vector<16xf32>
      %add3A_476 = arith.constant 1.000000e+00 : f32
      %add3A_477 = vector.broadcast %add3A_476 : f32 to vector<16xf32>
      %add3A_478 = arith.addf %mul3A_475, %add3A_477 : vector<16xf32>
      %broadcast_in_dim3A_479 = arith.constant -2.06980673E-8 : f32
      %broadcast_in_dim3A_480 = vector.broadcast %broadcast_in_dim3A_479 : f32 to vector<16xf32>
      %mul3A_481 = arith.mulf %broadcast_in_dim3A_480, %mul3A_452 : vector<16xf32>
      %add3A_482 = arith.constant 2.70882947E-6 : f32
      %add3A_483 = vector.broadcast %add3A_482 : f32 to vector<16xf32>
      %add3A_484 = arith.addf %mul3A_481, %add3A_483 : vector<16xf32>
      %mul3A_485 = arith.mulf %add3A_484, %mul3A_452 : vector<16xf32>
      %add3A_486 = arith.constant -1.98176291E-4 : f32
      %add3A_487 = vector.broadcast %add3A_486 : f32 to vector<16xf32>
      %add3A_488 = arith.addf %mul3A_485, %add3A_487 : vector<16xf32>
      %mul3A_489 = arith.mulf %add3A_488, %mul3A_452 : vector<16xf32>
      %add3A_490 = arith.constant 0.00833279174 : f32
      %add3A_491 = vector.broadcast %add3A_490 : f32 to vector<16xf32>
      %add3A_492 = arith.addf %mul3A_489, %add3A_491 : vector<16xf32>
      %mul3A_493 = arith.mulf %add3A_492, %mul3A_452 : vector<16xf32>
      %add3A_494 = arith.constant -0.16666621 : f32
      %add3A_495 = vector.broadcast %add3A_494 : f32 to vector<16xf32>
      %add3A_496 = arith.addf %mul3A_493, %add3A_495 : vector<16xf32>
      %mul3A_497 = arith.mulf %add3A_496, %mul3A_452 : vector<16xf32>
      %add3A_498 = arith.constant 0.99999994 : f32
      %add3A_499 = vector.broadcast %add3A_498 : f32 to vector<16xf32>
      %add3A_500 = arith.addf %mul3A_497, %add3A_499 : vector<16xf32>
      %mul3A_501 = arith.mulf %mul3A_451, %add3A_500 : vector<16xf32>
      %get3A_502 = arith.index_cast %scan3A_234 : i32 to index
      %get3A_503 = arith.constant 32 : index
      %get3A_504 = tpu.vector_load %arg12[%get3A_502, %get3A_503] {strides = array<i32>} : memref<128x128xf32, #tpu.memory_space<vmem>>, vector<16xf32>,
      %get3A_505 = arith.index_cast %scan3A_234 : i32 to index
      %get3A_506 = arith.constant 96 : index
      %get3A_507 = tpu.vector_load %arg12[%get3A_505, %get3A_506] {strides = array<i32>} : memref<128x128xf32, #tpu.memory_space<vmem>>, vector<16xf32>,
      %get3A_508 = arith.index_cast %scan3A_234 : i32 to index
      %get3A_509 = arith.constant 32 : index
      %get3A_510 = tpu.vector_load %arg11[%get3A_508, %get3A_509] {strides = array<i32>} : memref<128x128xf32, #tpu.memory_space<vmem>>, vector<16xf32>,
      %get3A_511 = arith.index_cast %scan3A_234 : i32 to index
      %get3A_512 = arith.constant 96 : index
      %get3A_513 = tpu.vector_load %arg11[%get3A_511, %get3A_512] {strides = array<i32>} : memref<128x128xf32, #tpu.memory_space<vmem>>, vector<16xf32>,
      %mul3A_514 = arith.mulf %add3A_478, %get3A_504 : vector<16xf32>
      %mul3A_515 = arith.mulf %mul3A_501, %get3A_507 : vector<16xf32>
      %add3A_516 = arith.addf %mul3A_514, %mul3A_515 : vector<16xf32>
      %sub3A_517 = arith.subf %add3A_516, %get3A_510 : vector<16xf32>
      %mul3A_518 = arith.mulf %add3A_478, %get3A_507 : vector<16xf32>
      %mul3A_519 = arith.mulf %mul3A_501, %get3A_504 : vector<16xf32>
      %sub3A_520 = arith.subf %mul3A_518, %mul3A_519 : vector<16xf32>
      %sub3A_521 = arith.subf %sub3A_520, %get3A_513 : vector<16xf32>
      %abs3A_522 = math.absf %sub3A_517 : vector<16xf32>
      %abs3A_523 = math.absf %sub3A_521 : vector<16xf32>
      %max3A_524 = arith.maximumf %abs3A_522, %abs3A_523 : vector<16xf32>
      %min3A_525 = arith.minimumf %abs3A_522, %abs3A_523 : vector<16xf32>
      %add3A_526 = arith.constant 1.000000e-30 : f32
      %add3A_527 = vector.broadcast %add3A_526 : f32 to vector<16xf32>
      %add3A_528 = arith.addf %max3A_524, %add3A_527 : vector<16xf32>
      %div3A_529 = arith.divf %min3A_525, %add3A_528 : vector<16xf32>
      %mul3A_530 = arith.mulf %div3A_529, %div3A_529 : vector<16xf32>
      %add3A_531 = arith.constant 1.000000e+00 : f32
      %add3A_532 = vector.broadcast %add3A_531 : f32 to vector<16xf32>
      %add3A_533 = arith.addf %add3A_532, %mul3A_530 : vector<16xf32>
      %broadcast_in_dim3A_534 = arith.constant -0.0103518479 : f32
      %broadcast_in_dim3A_535 = vector.broadcast %broadcast_in_dim3A_534 : f32 to vector<16xf32>
      %mul3A_536 = arith.mulf %broadcast_in_dim3A_535, %add3A_533 : vector<16xf32>
      %add3A_537 = arith.constant 0.0862722322 : f32
      %add3A_538 = vector.broadcast %add3A_537 : f32 to vector<16xf32>
      %add3A_539 = arith.addf %mul3A_536, %add3A_538 : vector<16xf32>
      %mul3A_540 = arith.mulf %add3A_539, %add3A_533 : vector<16xf32>
      %add3A_541 = arith.constant -0.316429496 : f32
      %add3A_542 = vector.broadcast %add3A_541 : f32 to vector<16xf32>
      %add3A_543 = arith.addf %mul3A_540, %add3A_542 : vector<16xf32>
      %mul3A_544 = arith.mulf %add3A_543, %add3A_533 : vector<16xf32>
      %add3A_545 = arith.constant 0.914854407 : f32
      %add3A_546 = vector.broadcast %add3A_545 : f32 to vector<16xf32>
      %add3A_547 = arith.addf %mul3A_544, %add3A_546 : vector<16xf32>
      %mul3A_548 = arith.mulf %add3A_547, %add3A_533 : vector<16xf32>
      %add3A_549 = arith.constant 0.325665832 : f32
      %add3A_550 = vector.broadcast %add3A_549 : f32 to vector<16xf32>
      %add3A_551 = arith.addf %mul3A_548, %add3A_550 : vector<16xf32>
      %mul3A_552 = arith.mulf %max3A_524, %add3A_551 : vector<16xf32>
      %add3A_553 = arith.addf %add3A_445, %mul3A_552 : vector<16xf32>
      %get3A_554 = arith.index_cast %scan3A_234 : i32 to index
      %get3A_555 = arith.constant 48 : index
      %get3A_556 = tpu.vector_load %arg13[%get3A_554, %get3A_555] {strides = array<i32>} : memref<128x64xf32, #tpu.memory_space<vmem>>, vector<16xf32>,
      %mul3A_557 = arith.constant 14.3615665 : f32
      %mul3A_558 = vector.broadcast %mul3A_557 : f32 to vector<16xf32>
      %mul3A_559 = arith.mulf %get3A_556, %mul3A_558 : vector<16xf32>
      %mul3A_560 = arith.mulf %mul3A_559, %mul3A_559 : vector<16xf32>
      %broadcast_in_dim3A_561 = arith.constant 1.72450676E-9 : f32
      %broadcast_in_dim3A_562 = vector.broadcast %broadcast_in_dim3A_561 : f32 to vector<16xf32>
      %mul3A_563 = arith.mulf %broadcast_in_dim3A_562, %mul3A_560 : vector<16xf32>
      %add3A_564 = arith.constant -2.70790252E-7 : f32
      %add3A_565 = vector.broadcast %add3A_564 : f32 to vector<16xf32>
      %add3A_566 = arith.addf %mul3A_563, %add3A_565 : vector<16xf32>
      %mul3A_567 = arith.mulf %add3A_566, %mul3A_560 : vector<16xf32>
      %add3A_568 = arith.constant 2.47698827E-5 : f32
      %add3A_569 = vector.broadcast %add3A_568 : f32 to vector<16xf32>
      %add3A_570 = arith.addf %mul3A_567, %add3A_569 : vector<16xf32>
      %mul3A_571 = arith.mulf %add3A_570, %mul3A_560 : vector<16xf32>
      %add3A_572 = arith.constant -0.00138878031 : f32
      %add3A_573 = vector.broadcast %add3A_572 : f32 to vector<16xf32>
      %add3A_574 = arith.addf %mul3A_571, %add3A_573 : vector<16xf32>
      %mul3A_575 = arith.mulf %add3A_574, %mul3A_560 : vector<16xf32>
      %add3A_576 = arith.constant 0.0416664891 : f32
      %add3A_577 = vector.broadcast %add3A_576 : f32 to vector<16xf32>
      %add3A_578 = arith.addf %mul3A_575, %add3A_577 : vector<16xf32>
      %mul3A_579 = arith.mulf %add3A_578, %mul3A_560 : vector<16xf32>
      %add3A_580 = arith.constant -0.499999881 : f32
      %add3A_581 = vector.broadcast %add3A_580 : f32 to vector<16xf32>
      %add3A_582 = arith.addf %mul3A_579, %add3A_581 : vector<16xf32>
      %mul3A_583 = arith.mulf %add3A_582, %mul3A_560 : vector<16xf32>
      %add3A_584 = arith.constant 1.000000e+00 : f32
      %add3A_585 = vector.broadcast %add3A_584 : f32 to vector<16xf32>
      %add3A_586 = arith.addf %mul3A_583, %add3A_585 : vector<16xf32>
      %broadcast_in_dim3A_587 = arith.constant -2.06980673E-8 : f32
      %broadcast_in_dim3A_588 = vector.broadcast %broadcast_in_dim3A_587 : f32 to vector<16xf32>
      %mul3A_589 = arith.mulf %broadcast_in_dim3A_588, %mul3A_560 : vector<16xf32>
      %add3A_590 = arith.constant 2.70882947E-6 : f32
      %add3A_591 = vector.broadcast %add3A_590 : f32 to vector<16xf32>
      %add3A_592 = arith.addf %mul3A_589, %add3A_591 : vector<16xf32>
      %mul3A_593 = arith.mulf %add3A_592, %mul3A_560 : vector<16xf32>
      %add3A_594 = arith.constant -1.98176291E-4 : f32
      %add3A_595 = vector.broadcast %add3A_594 : f32 to vector<16xf32>
      %add3A_596 = arith.addf %mul3A_593, %add3A_595 : vector<16xf32>
      %mul3A_597 = arith.mulf %add3A_596, %mul3A_560 : vector<16xf32>
      %add3A_598 = arith.constant 0.00833279174 : f32
      %add3A_599 = vector.broadcast %add3A_598 : f32 to vector<16xf32>
      %add3A_600 = arith.addf %mul3A_597, %add3A_599 : vector<16xf32>
      %mul3A_601 = arith.mulf %add3A_600, %mul3A_560 : vector<16xf32>
      %add3A_602 = arith.constant -0.16666621 : f32
      %add3A_603 = vector.broadcast %add3A_602 : f32 to vector<16xf32>
      %add3A_604 = arith.addf %mul3A_601, %add3A_603 : vector<16xf32>
      %mul3A_605 = arith.mulf %add3A_604, %mul3A_560 : vector<16xf32>
      %add3A_606 = arith.constant 0.99999994 : f32
      %add3A_607 = vector.broadcast %add3A_606 : f32 to vector<16xf32>
      %add3A_608 = arith.addf %mul3A_605, %add3A_607 : vector<16xf32>
      %mul3A_609 = arith.mulf %mul3A_559, %add3A_608 : vector<16xf32>
      %get3A_610 = arith.index_cast %scan3A_234 : i32 to index
      %get3A_611 = arith.constant 48 : index
      %get3A_612 = tpu.vector_load %arg12[%get3A_610, %get3A_611] {strides = array<i32>} : memref<128x128xf32, #tpu.memory_space<vmem>>, vector<16xf32>,
      %get3A_613 = arith.index_cast %scan3A_234 : i32 to index
      %get3A_614 = arith.constant 112 : index
      %get3A_615 = tpu.vector_load %arg12[%get3A_613, %get3A_614] {strides = array<i32>} : memref<128x128xf32, #tpu.memory_space<vmem>>, vector<16xf32>,
      %get3A_616 = arith.index_cast %scan3A_234 : i32 to index
      %get3A_617 = arith.constant 48 : index
      %get3A_618 = tpu.vector_load %arg11[%get3A_616, %get3A_617] {strides = array<i32>} : memref<128x128xf32, #tpu.memory_space<vmem>>, vector<16xf32>,
      %get3A_619 = arith.index_cast %scan3A_234 : i32 to index
      %get3A_620 = arith.constant 112 : index
      %get3A_621 = tpu.vector_load %arg11[%get3A_619, %get3A_620] {strides = array<i32>} : memref<128x128xf32, #tpu.memory_space<vmem>>, vector<16xf32>,
      %mul3A_622 = arith.mulf %add3A_586, %get3A_612 : vector<16xf32>
      %mul3A_623 = arith.mulf %mul3A_609, %get3A_615 : vector<16xf32>
      %add3A_624 = arith.addf %mul3A_622, %mul3A_623 : vector<16xf32>
      %sub3A_625 = arith.subf %add3A_624, %get3A_618 : vector<16xf32>
      %mul3A_626 = arith.mulf %add3A_586, %get3A_615 : vector<16xf32>
      %mul3A_627 = arith.mulf %mul3A_609, %get3A_612 : vector<16xf32>
      %sub3A_628 = arith.subf %mul3A_626, %mul3A_627 : vector<16xf32>
      %sub3A_629 = arith.subf %sub3A_628, %get3A_621 : vector<16xf32>
      %abs3A_630 = math.absf %sub3A_625 : vector<16xf32>
      %abs3A_631 = math.absf %sub3A_629 : vector<16xf32>
      %max3A_632 = arith.maximumf %abs3A_630, %abs3A_631 : vector<16xf32>
      %min3A_633 = arith.minimumf %abs3A_630, %abs3A_631 : vector<16xf32>
      %add3A_634 = arith.constant 1.000000e-30 : f32
      %add3A_635 = vector.broadcast %add3A_634 : f32 to vector<16xf32>
      %add3A_636 = arith.addf %max3A_632, %add3A_635 : vector<16xf32>
      %div3A_637 = arith.divf %min3A_633, %add3A_636 : vector<16xf32>
      %mul3A_638 = arith.mulf %div3A_637, %div3A_637 : vector<16xf32>
      %add3A_639 = arith.constant 1.000000e+00 : f32
      %add3A_640 = vector.broadcast %add3A_639 : f32 to vector<16xf32>
      %add3A_641 = arith.addf %add3A_640, %mul3A_638 : vector<16xf32>
      %broadcast_in_dim3A_642 = arith.constant -0.0103518479 : f32
      %broadcast_in_dim3A_643 = vector.broadcast %broadcast_in_dim3A_642 : f32 to vector<16xf32>
      %mul3A_644 = arith.mulf %broadcast_in_dim3A_643, %add3A_641 : vector<16xf32>
      %add3A_645 = arith.constant 0.0862722322 : f32
      %add3A_646 = vector.broadcast %add3A_645 : f32 to vector<16xf32>
      %add3A_647 = arith.addf %mul3A_644, %add3A_646 : vector<16xf32>
      %mul3A_648 = arith.mulf %add3A_647, %add3A_641 : vector<16xf32>
      %add3A_649 = arith.constant -0.316429496 : f32
      %add3A_650 = vector.broadcast %add3A_649 : f32 to vector<16xf32>
      %add3A_651 = arith.addf %mul3A_648, %add3A_650 : vector<16xf32>
      %mul3A_652 = arith.mulf %add3A_651, %add3A_641 : vector<16xf32>
      %add3A_653 = arith.constant 0.914854407 : f32
      %add3A_654 = vector.broadcast %add3A_653 : f32 to vector<16xf32>
      %add3A_655 = arith.addf %mul3A_652, %add3A_654 : vector<16xf32>
      %mul3A_656 = arith.mulf %add3A_655, %add3A_641 : vector<16xf32>
      %add3A_657 = arith.constant 0.325665832 : f32
      %add3A_658 = vector.broadcast %add3A_657 : f32 to vector<16xf32>
      %add3A_659 = arith.addf %mul3A_656, %add3A_658 : vector<16xf32>
      %mul3A_660 = arith.mulf %max3A_632, %add3A_659 : vector<16xf32>
      %add3A_661 = arith.addf %add3A_553, %mul3A_660 : vector<16xf32>
      %swap3A = arith.index_cast %scan3A_234 : i32 to index
      %swap3A_662 = arith.constant 0 : index
      %swap3A_663 = tpu.vector_load %arg14[%swap3A, %swap3A_662] {strides = array<i32>} : memref<128x16xf32, #tpu.memory_space<vmem>>, vector<16xf32>,
      tpu.vector_store %arg14[%swap3A, %swap3A_662], %add3A_661 {strides = array<i32>} : memref<128x16xf32, #tpu.memory_space<vmem>>, vector<16xf32>,
    }
    %scan3A_167 = arith.constant 32 : i32
    %dma_wait3A_168 = arith.constant 64 : i32
    %dma_wait3A_169 = arith.constant 0 : i32
    %dma_wait3A_170 = tpu.memref_slice %arg11[%dma_wait3A_168, %dma_wait3A_169] : memref<128x128xf32, #tpu.memory_space<vmem>> -> memref<32x128xf32, #tpu.memory_space<vmem>>
    %dma_wait3A_171 = arith.constant 64 : i32
    %dma_wait3A_172 = tpu.memref_slice %arg8[%dma_wait3A_171] : memref<128xi32, #tpu.memory_space<vmem>> -> memref<32xi32, #tpu.memory_space<vmem>>
    %dma_wait3A_173 = arith.constant 0 : i32
    %dma_wait3A_174 = arith.constant 0 : i32
    %dma_wait3A_175 = tpu.memref_slice %arg5[%dma_wait3A_173, %dma_wait3A_174] : memref<1000000x128xf32, #tpu.memory_space<hbm>> -> memref<1000000x128xf32, #tpu.memory_space<hbm>>
    tpu.wait_indirect_dma semaphore(%arg18 : memref<!tpu.dma_semaphore, #tpu.memory_space<semaphore_mem>>) src(%dma_wait3A_175 : memref<1000000x128xf32, #tpu.memory_space<hbm>>) dst(%dma_wait3A_170 : memref<32x128xf32, #tpu.memory_space<vmem>>)
    %dma_wait3A_176 = arith.constant 64 : i32
    %dma_wait3A_177 = arith.constant 0 : i32
    %dma_wait3A_178 = tpu.memref_slice %arg12[%dma_wait3A_176, %dma_wait3A_177] : memref<128x128xf32, #tpu.memory_space<vmem>> -> memref<32x128xf32, #tpu.memory_space<vmem>>
    %dma_wait3A_179 = arith.constant 64 : i32
    %dma_wait3A_180 = tpu.memref_slice %arg10[%dma_wait3A_179] : memref<128xi32, #tpu.memory_space<vmem>> -> memref<32xi32, #tpu.memory_space<vmem>>
    %dma_wait3A_181 = arith.constant 0 : i32
    %dma_wait3A_182 = arith.constant 0 : i32
    %dma_wait3A_183 = tpu.memref_slice %arg5[%dma_wait3A_181, %dma_wait3A_182] : memref<1000000x128xf32, #tpu.memory_space<hbm>> -> memref<1000000x128xf32, #tpu.memory_space<hbm>>
    tpu.wait_indirect_dma semaphore(%arg18 : memref<!tpu.dma_semaphore, #tpu.memory_space<semaphore_mem>>) src(%dma_wait3A_183 : memref<1000000x128xf32, #tpu.memory_space<hbm>>) dst(%dma_wait3A_178 : memref<32x128xf32, #tpu.memory_space<vmem>>)
    %dma_wait3A_184 = arith.constant 64 : i32
    %dma_wait3A_185 = arith.constant 0 : i32
    %dma_wait3A_186 = tpu.memref_slice %arg13[%dma_wait3A_184, %dma_wait3A_185] : memref<128x64xf32, #tpu.memory_space<vmem>> -> memref<32x64xf32, #tpu.memory_space<vmem>>
    %dma_wait3A_187 = arith.constant 64 : i32
    %dma_wait3A_188 = tpu.memref_slice %arg9[%dma_wait3A_187] : memref<128xi32, #tpu.memory_space<vmem>> -> memref<32xi32, #tpu.memory_space<vmem>>
    %dma_wait3A_189 = arith.constant 0 : i32
    %dma_wait3A_190 = arith.constant 0 : i32
    %dma_wait3A_191 = tpu.memref_slice %arg6[%dma_wait3A_189, %dma_wait3A_190] : memref<1000x64xf32, #tpu.memory_space<hbm>> -> memref<1000x64xf32, #tpu.memory_space<hbm>>
    tpu.wait_indirect_dma semaphore(%arg18 : memref<!tpu.dma_semaphore, #tpu.memory_space<semaphore_mem>>) src(%dma_wait3A_191 : memref<1000x64xf32, #tpu.memory_space<hbm>>) dst(%dma_wait3A_186 : memref<32x64xf32, #tpu.memory_space<vmem>>)
    %scan3A_192 = arith.constant 0 : i32
    %scan3A_193 = arith.constant 64 : i32
    %scan3A_194 = arith.constant 32 : i32
    %scan3A_195 = arith.addi %scan3A_193, %scan3A_194 : i32
    %scan3A_196 = arith.constant 1 : i32
    scf.for %scan3A_234 = %scan3A_193 to %scan3A_195 step %scan3A_196  : i32 {
      %broadcast_in_dim3A = arith.constant 0.000000e+00 : f32
      %broadcast_in_dim3A_235 = vector.broadcast %broadcast_in_dim3A : f32 to vector<16xf32>
      %get3A = arith.index_cast %scan3A_234 : i32 to index
      %get3A_236 = arith.constant 0 : index
      %get3A_237 = tpu.vector_load %arg13[%get3A, %get3A_236] {strides = array<i32>} : memref<128x64xf32, #tpu.memory_space<vmem>>, vector<16xf32>,
      %mul3A_238 = arith.constant 14.3615665 : f32
      %mul3A_239 = vector.broadcast %mul3A_238 : f32 to vector<16xf32>
      %mul3A_240 = arith.mulf %get3A_237, %mul3A_239 : vector<16xf32>
      %mul3A_241 = arith.mulf %mul3A_240, %mul3A_240 : vector<16xf32>
      %broadcast_in_dim3A_242 = arith.constant 1.72450676E-9 : f32
      %broadcast_in_dim3A_243 = vector.broadcast %broadcast_in_dim3A_242 : f32 to vector<16xf32>
      %mul3A_244 = arith.mulf %broadcast_in_dim3A_243, %mul3A_241 : vector<16xf32>
      %add3A_245 = arith.constant -2.70790252E-7 : f32
      %add3A_246 = vector.broadcast %add3A_245 : f32 to vector<16xf32>
      %add3A_247 = arith.addf %mul3A_244, %add3A_246 : vector<16xf32>
      %mul3A_248 = arith.mulf %add3A_247, %mul3A_241 : vector<16xf32>
      %add3A_249 = arith.constant 2.47698827E-5 : f32
      %add3A_250 = vector.broadcast %add3A_249 : f32 to vector<16xf32>
      %add3A_251 = arith.addf %mul3A_248, %add3A_250 : vector<16xf32>
      %mul3A_252 = arith.mulf %add3A_251, %mul3A_241 : vector<16xf32>
      %add3A_253 = arith.constant -0.00138878031 : f32
      %add3A_254 = vector.broadcast %add3A_253 : f32 to vector<16xf32>
      %add3A_255 = arith.addf %mul3A_252, %add3A_254 : vector<16xf32>
      %mul3A_256 = arith.mulf %add3A_255, %mul3A_241 : vector<16xf32>
      %add3A_257 = arith.constant 0.0416664891 : f32
      %add3A_258 = vector.broadcast %add3A_257 : f32 to vector<16xf32>
      %add3A_259 = arith.addf %mul3A_256, %add3A_258 : vector<16xf32>
      %mul3A_260 = arith.mulf %add3A_259, %mul3A_241 : vector<16xf32>
      %add3A_261 = arith.constant -0.499999881 : f32
      %add3A_262 = vector.broadcast %add3A_261 : f32 to vector<16xf32>
      %add3A_263 = arith.addf %mul3A_260, %add3A_262 : vector<16xf32>
      %mul3A_264 = arith.mulf %add3A_263, %mul3A_241 : vector<16xf32>
      %add3A_265 = arith.constant 1.000000e+00 : f32
      %add3A_266 = vector.broadcast %add3A_265 : f32 to vector<16xf32>
      %add3A_267 = arith.addf %mul3A_264, %add3A_266 : vector<16xf32>
      %broadcast_in_dim3A_268 = arith.constant -2.06980673E-8 : f32
      %broadcast_in_dim3A_269 = vector.broadcast %broadcast_in_dim3A_268 : f32 to vector<16xf32>
      %mul3A_270 = arith.mulf %broadcast_in_dim3A_269, %mul3A_241 : vector<16xf32>
      %add3A_271 = arith.constant 2.70882947E-6 : f32
      %add3A_272 = vector.broadcast %add3A_271 : f32 to vector<16xf32>
      %add3A_273 = arith.addf %mul3A_270, %add3A_272 : vector<16xf32>
      %mul3A_274 = arith.mulf %add3A_273, %mul3A_241 : vector<16xf32>
      %add3A_275 = arith.constant -1.98176291E-4 : f32
      %add3A_276 = vector.broadcast %add3A_275 : f32 to vector<16xf32>
      %add3A_277 = arith.addf %mul3A_274, %add3A_276 : vector<16xf32>
      %mul3A_278 = arith.mulf %add3A_277, %mul3A_241 : vector<16xf32>
      %add3A_279 = arith.constant 0.00833279174 : f32
      %add3A_280 = vector.broadcast %add3A_279 : f32 to vector<16xf32>
      %add3A_281 = arith.addf %mul3A_278, %add3A_280 : vector<16xf32>
      %mul3A_282 = arith.mulf %add3A_281, %mul3A_241 : vector<16xf32>
      %add3A_283 = arith.constant -0.16666621 : f32
      %add3A_284 = vector.broadcast %add3A_283 : f32 to vector<16xf32>
      %add3A_285 = arith.addf %mul3A_282, %add3A_284 : vector<16xf32>
      %mul3A_286 = arith.mulf %add3A_285, %mul3A_241 : vector<16xf32>
      %add3A_287 = arith.constant 0.99999994 : f32
      %add3A_288 = vector.broadcast %add3A_287 : f32 to vector<16xf32>
      %add3A_289 = arith.addf %mul3A_286, %add3A_288 : vector<16xf32>
      %mul3A_290 = arith.mulf %mul3A_240, %add3A_289 : vector<16xf32>
      %get3A_291 = arith.index_cast %scan3A_234 : i32 to index
      %get3A_292 = arith.constant 0 : index
      %get3A_293 = tpu.vector_load %arg12[%get3A_291, %get3A_292] {strides = array<i32>} : memref<128x128xf32, #tpu.memory_space<vmem>>, vector<16xf32>,
      %get3A_294 = arith.index_cast %scan3A_234 : i32 to index
      %get3A_295 = arith.constant 64 : index
      %get3A_296 = tpu.vector_load %arg12[%get3A_294, %get3A_295] {strides = array<i32>} : memref<128x128xf32, #tpu.memory_space<vmem>>, vector<16xf32>,
      %get3A_297 = arith.index_cast %scan3A_234 : i32 to index
      %get3A_298 = arith.constant 0 : index
      %get3A_299 = tpu.vector_load %arg11[%get3A_297, %get3A_298] {strides = array<i32>} : memref<128x128xf32, #tpu.memory_space<vmem>>, vector<16xf32>,
      %get3A_300 = arith.index_cast %scan3A_234 : i32 to index
      %get3A_301 = arith.constant 64 : index
      %get3A_302 = tpu.vector_load %arg11[%get3A_300, %get3A_301] {strides = array<i32>} : memref<128x128xf32, #tpu.memory_space<vmem>>, vector<16xf32>,
      %mul3A_303 = arith.mulf %add3A_267, %get3A_293 : vector<16xf32>
      %mul3A_304 = arith.mulf %mul3A_290, %get3A_296 : vector<16xf32>
      %add3A_305 = arith.addf %mul3A_303, %mul3A_304 : vector<16xf32>
      %sub3A = arith.subf %add3A_305, %get3A_299 : vector<16xf32>
      %mul3A_306 = arith.mulf %add3A_267, %get3A_296 : vector<16xf32>
      %mul3A_307 = arith.mulf %mul3A_290, %get3A_293 : vector<16xf32>
      %sub3A_308 = arith.subf %mul3A_306, %mul3A_307 : vector<16xf32>
      %sub3A_309 = arith.subf %sub3A_308, %get3A_302 : vector<16xf32>
      %abs3A = math.absf %sub3A : vector<16xf32>
      %abs3A_310 = math.absf %sub3A_309 : vector<16xf32>
      %max3A = arith.maximumf %abs3A, %abs3A_310 : vector<16xf32>
      %min3A = arith.minimumf %abs3A, %abs3A_310 : vector<16xf32>
      %add3A_311 = arith.constant 1.000000e-30 : f32
      %add3A_312 = vector.broadcast %add3A_311 : f32 to vector<16xf32>
      %add3A_313 = arith.addf %max3A, %add3A_312 : vector<16xf32>
      %div3A = arith.divf %min3A, %add3A_313 : vector<16xf32>
      %mul3A_314 = arith.mulf %div3A, %div3A : vector<16xf32>
      %add3A_315 = arith.constant 1.000000e+00 : f32
      %add3A_316 = vector.broadcast %add3A_315 : f32 to vector<16xf32>
      %add3A_317 = arith.addf %add3A_316, %mul3A_314 : vector<16xf32>
      %broadcast_in_dim3A_318 = arith.constant -0.0103518479 : f32
      %broadcast_in_dim3A_319 = vector.broadcast %broadcast_in_dim3A_318 : f32 to vector<16xf32>
      %mul3A_320 = arith.mulf %broadcast_in_dim3A_319, %add3A_317 : vector<16xf32>
      %add3A_321 = arith.constant 0.0862722322 : f32
      %add3A_322 = vector.broadcast %add3A_321 : f32 to vector<16xf32>
      %add3A_323 = arith.addf %mul3A_320, %add3A_322 : vector<16xf32>
      %mul3A_324 = arith.mulf %add3A_323, %add3A_317 : vector<16xf32>
      %add3A_325 = arith.constant -0.316429496 : f32
      %add3A_326 = vector.broadcast %add3A_325 : f32 to vector<16xf32>
      %add3A_327 = arith.addf %mul3A_324, %add3A_326 : vector<16xf32>
      %mul3A_328 = arith.mulf %add3A_327, %add3A_317 : vector<16xf32>
      %add3A_329 = arith.constant 0.914854407 : f32
      %add3A_330 = vector.broadcast %add3A_329 : f32 to vector<16xf32>
      %add3A_331 = arith.addf %mul3A_328, %add3A_330 : vector<16xf32>
      %mul3A_332 = arith.mulf %add3A_331, %add3A_317 : vector<16xf32>
      %add3A_333 = arith.constant 0.325665832 : f32
      %add3A_334 = vector.broadcast %add3A_333 : f32 to vector<16xf32>
      %add3A_335 = arith.addf %mul3A_332, %add3A_334 : vector<16xf32>
      %mul3A_336 = arith.mulf %max3A, %add3A_335 : vector<16xf32>
      %add3A_337 = arith.addf %broadcast_in_dim3A_235, %mul3A_336 : vector<16xf32>
      %get3A_338 = arith.index_cast %scan3A_234 : i32 to index
      %get3A_339 = arith.constant 16 : index
      %get3A_340 = tpu.vector_load %arg13[%get3A_338, %get3A_339] {strides = array<i32>} : memref<128x64xf32, #tpu.memory_space<vmem>>, vector<16xf32>,
      %mul3A_341 = arith.constant 14.3615665 : f32
      %mul3A_342 = vector.broadcast %mul3A_341 : f32 to vector<16xf32>
      %mul3A_343 = arith.mulf %get3A_340, %mul3A_342 : vector<16xf32>
      %mul3A_344 = arith.mulf %mul3A_343, %mul3A_343 : vector<16xf32>
      %broadcast_in_dim3A_345 = arith.constant 1.72450676E-9 : f32
      %broadcast_in_dim3A_346 = vector.broadcast %broadcast_in_dim3A_345 : f32 to vector<16xf32>
      %mul3A_347 = arith.mulf %broadcast_in_dim3A_346, %mul3A_344 : vector<16xf32>
      %add3A_348 = arith.constant -2.70790252E-7 : f32
      %add3A_349 = vector.broadcast %add3A_348 : f32 to vector<16xf32>
      %add3A_350 = arith.addf %mul3A_347, %add3A_349 : vector<16xf32>
      %mul3A_351 = arith.mulf %add3A_350, %mul3A_344 : vector<16xf32>
      %add3A_352 = arith.constant 2.47698827E-5 : f32
      %add3A_353 = vector.broadcast %add3A_352 : f32 to vector<16xf32>
      %add3A_354 = arith.addf %mul3A_351, %add3A_353 : vector<16xf32>
      %mul3A_355 = arith.mulf %add3A_354, %mul3A_344 : vector<16xf32>
      %add3A_356 = arith.constant -0.00138878031 : f32
      %add3A_357 = vector.broadcast %add3A_356 : f32 to vector<16xf32>
      %add3A_358 = arith.addf %mul3A_355, %add3A_357 : vector<16xf32>
      %mul3A_359 = arith.mulf %add3A_358, %mul3A_344 : vector<16xf32>
      %add3A_360 = arith.constant 0.0416664891 : f32
      %add3A_361 = vector.broadcast %add3A_360 : f32 to vector<16xf32>
      %add3A_362 = arith.addf %mul3A_359, %add3A_361 : vector<16xf32>
      %mul3A_363 = arith.mulf %add3A_362, %mul3A_344 : vector<16xf32>
      %add3A_364 = arith.constant -0.499999881 : f32
      %add3A_365 = vector.broadcast %add3A_364 : f32 to vector<16xf32>
      %add3A_366 = arith.addf %mul3A_363, %add3A_365 : vector<16xf32>
      %mul3A_367 = arith.mulf %add3A_366, %mul3A_344 : vector<16xf32>
      %add3A_368 = arith.constant 1.000000e+00 : f32
      %add3A_369 = vector.broadcast %add3A_368 : f32 to vector<16xf32>
      %add3A_370 = arith.addf %mul3A_367, %add3A_369 : vector<16xf32>
      %broadcast_in_dim3A_371 = arith.constant -2.06980673E-8 : f32
      %broadcast_in_dim3A_372 = vector.broadcast %broadcast_in_dim3A_371 : f32 to vector<16xf32>
      %mul3A_373 = arith.mulf %broadcast_in_dim3A_372, %mul3A_344 : vector<16xf32>
      %add3A_374 = arith.constant 2.70882947E-6 : f32
      %add3A_375 = vector.broadcast %add3A_374 : f32 to vector<16xf32>
      %add3A_376 = arith.addf %mul3A_373, %add3A_375 : vector<16xf32>
      %mul3A_377 = arith.mulf %add3A_376, %mul3A_344 : vector<16xf32>
      %add3A_378 = arith.constant -1.98176291E-4 : f32
      %add3A_379 = vector.broadcast %add3A_378 : f32 to vector<16xf32>
      %add3A_380 = arith.addf %mul3A_377, %add3A_379 : vector<16xf32>
      %mul3A_381 = arith.mulf %add3A_380, %mul3A_344 : vector<16xf32>
      %add3A_382 = arith.constant 0.00833279174 : f32
      %add3A_383 = vector.broadcast %add3A_382 : f32 to vector<16xf32>
      %add3A_384 = arith.addf %mul3A_381, %add3A_383 : vector<16xf32>
      %mul3A_385 = arith.mulf %add3A_384, %mul3A_344 : vector<16xf32>
      %add3A_386 = arith.constant -0.16666621 : f32
      %add3A_387 = vector.broadcast %add3A_386 : f32 to vector<16xf32>
      %add3A_388 = arith.addf %mul3A_385, %add3A_387 : vector<16xf32>
      %mul3A_389 = arith.mulf %add3A_388, %mul3A_344 : vector<16xf32>
      %add3A_390 = arith.constant 0.99999994 : f32
      %add3A_391 = vector.broadcast %add3A_390 : f32 to vector<16xf32>
      %add3A_392 = arith.addf %mul3A_389, %add3A_391 : vector<16xf32>
      %mul3A_393 = arith.mulf %mul3A_343, %add3A_392 : vector<16xf32>
      %get3A_394 = arith.index_cast %scan3A_234 : i32 to index
      %get3A_395 = arith.constant 16 : index
      %get3A_396 = tpu.vector_load %arg12[%get3A_394, %get3A_395] {strides = array<i32>} : memref<128x128xf32, #tpu.memory_space<vmem>>, vector<16xf32>,
      %get3A_397 = arith.index_cast %scan3A_234 : i32 to index
      %get3A_398 = arith.constant 80 : index
      %get3A_399 = tpu.vector_load %arg12[%get3A_397, %get3A_398] {strides = array<i32>} : memref<128x128xf32, #tpu.memory_space<vmem>>, vector<16xf32>,
      %get3A_400 = arith.index_cast %scan3A_234 : i32 to index
      %get3A_401 = arith.constant 16 : index
      %get3A_402 = tpu.vector_load %arg11[%get3A_400, %get3A_401] {strides = array<i32>} : memref<128x128xf32, #tpu.memory_space<vmem>>, vector<16xf32>,
      %get3A_403 = arith.index_cast %scan3A_234 : i32 to index
      %get3A_404 = arith.constant 80 : index
      %get3A_405 = tpu.vector_load %arg11[%get3A_403, %get3A_404] {strides = array<i32>} : memref<128x128xf32, #tpu.memory_space<vmem>>, vector<16xf32>,
      %mul3A_406 = arith.mulf %add3A_370, %get3A_396 : vector<16xf32>
      %mul3A_407 = arith.mulf %mul3A_393, %get3A_399 : vector<16xf32>
      %add3A_408 = arith.addf %mul3A_406, %mul3A_407 : vector<16xf32>
      %sub3A_409 = arith.subf %add3A_408, %get3A_402 : vector<16xf32>
      %mul3A_410 = arith.mulf %add3A_370, %get3A_399 : vector<16xf32>
      %mul3A_411 = arith.mulf %mul3A_393, %get3A_396 : vector<16xf32>
      %sub3A_412 = arith.subf %mul3A_410, %mul3A_411 : vector<16xf32>
      %sub3A_413 = arith.subf %sub3A_412, %get3A_405 : vector<16xf32>
      %abs3A_414 = math.absf %sub3A_409 : vector<16xf32>
      %abs3A_415 = math.absf %sub3A_413 : vector<16xf32>
      %max3A_416 = arith.maximumf %abs3A_414, %abs3A_415 : vector<16xf32>
      %min3A_417 = arith.minimumf %abs3A_414, %abs3A_415 : vector<16xf32>
      %add3A_418 = arith.constant 1.000000e-30 : f32
      %add3A_419 = vector.broadcast %add3A_418 : f32 to vector<16xf32>
      %add3A_420 = arith.addf %max3A_416, %add3A_419 : vector<16xf32>
      %div3A_421 = arith.divf %min3A_417, %add3A_420 : vector<16xf32>
      %mul3A_422 = arith.mulf %div3A_421, %div3A_421 : vector<16xf32>
      %add3A_423 = arith.constant 1.000000e+00 : f32
      %add3A_424 = vector.broadcast %add3A_423 : f32 to vector<16xf32>
      %add3A_425 = arith.addf %add3A_424, %mul3A_422 : vector<16xf32>
      %broadcast_in_dim3A_426 = arith.constant -0.0103518479 : f32
      %broadcast_in_dim3A_427 = vector.broadcast %broadcast_in_dim3A_426 : f32 to vector<16xf32>
      %mul3A_428 = arith.mulf %broadcast_in_dim3A_427, %add3A_425 : vector<16xf32>
      %add3A_429 = arith.constant 0.0862722322 : f32
      %add3A_430 = vector.broadcast %add3A_429 : f32 to vector<16xf32>
      %add3A_431 = arith.addf %mul3A_428, %add3A_430 : vector<16xf32>
      %mul3A_432 = arith.mulf %add3A_431, %add3A_425 : vector<16xf32>
      %add3A_433 = arith.constant -0.316429496 : f32
      %add3A_434 = vector.broadcast %add3A_433 : f32 to vector<16xf32>
      %add3A_435 = arith.addf %mul3A_432, %add3A_434 : vector<16xf32>
      %mul3A_436 = arith.mulf %add3A_435, %add3A_425 : vector<16xf32>
      %add3A_437 = arith.constant 0.914854407 : f32
      %add3A_438 = vector.broadcast %add3A_437 : f32 to vector<16xf32>
      %add3A_439 = arith.addf %mul3A_436, %add3A_438 : vector<16xf32>
      %mul3A_440 = arith.mulf %add3A_439, %add3A_425 : vector<16xf32>
      %add3A_441 = arith.constant 0.325665832 : f32
      %add3A_442 = vector.broadcast %add3A_441 : f32 to vector<16xf32>
      %add3A_443 = arith.addf %mul3A_440, %add3A_442 : vector<16xf32>
      %mul3A_444 = arith.mulf %max3A_416, %add3A_443 : vector<16xf32>
      %add3A_445 = arith.addf %add3A_337, %mul3A_444 : vector<16xf32>
      %get3A_446 = arith.index_cast %scan3A_234 : i32 to index
      %get3A_447 = arith.constant 32 : index
      %get3A_448 = tpu.vector_load %arg13[%get3A_446, %get3A_447] {strides = array<i32>} : memref<128x64xf32, #tpu.memory_space<vmem>>, vector<16xf32>,
      %mul3A_449 = arith.constant 14.3615665 : f32
      %mul3A_450 = vector.broadcast %mul3A_449 : f32 to vector<16xf32>
      %mul3A_451 = arith.mulf %get3A_448, %mul3A_450 : vector<16xf32>
      %mul3A_452 = arith.mulf %mul3A_451, %mul3A_451 : vector<16xf32>
      %broadcast_in_dim3A_453 = arith.constant 1.72450676E-9 : f32
      %broadcast_in_dim3A_454 = vector.broadcast %broadcast_in_dim3A_453 : f32 to vector<16xf32>
      %mul3A_455 = arith.mulf %broadcast_in_dim3A_454, %mul3A_452 : vector<16xf32>
      %add3A_456 = arith.constant -2.70790252E-7 : f32
      %add3A_457 = vector.broadcast %add3A_456 : f32 to vector<16xf32>
      %add3A_458 = arith.addf %mul3A_455, %add3A_457 : vector<16xf32>
      %mul3A_459 = arith.mulf %add3A_458, %mul3A_452 : vector<16xf32>
      %add3A_460 = arith.constant 2.47698827E-5 : f32
      %add3A_461 = vector.broadcast %add3A_460 : f32 to vector<16xf32>
      %add3A_462 = arith.addf %mul3A_459, %add3A_461 : vector<16xf32>
      %mul3A_463 = arith.mulf %add3A_462, %mul3A_452 : vector<16xf32>
      %add3A_464 = arith.constant -0.00138878031 : f32
      %add3A_465 = vector.broadcast %add3A_464 : f32 to vector<16xf32>
      %add3A_466 = arith.addf %mul3A_463, %add3A_465 : vector<16xf32>
      %mul3A_467 = arith.mulf %add3A_466, %mul3A_452 : vector<16xf32>
      %add3A_468 = arith.constant 0.0416664891 : f32
      %add3A_469 = vector.broadcast %add3A_468 : f32 to vector<16xf32>
      %add3A_470 = arith.addf %mul3A_467, %add3A_469 : vector<16xf32>
      %mul3A_471 = arith.mulf %add3A_470, %mul3A_452 : vector<16xf32>
      %add3A_472 = arith.constant -0.499999881 : f32
      %add3A_473 = vector.broadcast %add3A_472 : f32 to vector<16xf32>
      %add3A_474 = arith.addf %mul3A_471, %add3A_473 : vector<16xf32>
      %mul3A_475 = arith.mulf %add3A_474, %mul3A_452 : vector<16xf32>
      %add3A_476 = arith.constant 1.000000e+00 : f32
      %add3A_477 = vector.broadcast %add3A_476 : f32 to vector<16xf32>
      %add3A_478 = arith.addf %mul3A_475, %add3A_477 : vector<16xf32>
      %broadcast_in_dim3A_479 = arith.constant -2.06980673E-8 : f32
      %broadcast_in_dim3A_480 = vector.broadcast %broadcast_in_dim3A_479 : f32 to vector<16xf32>
      %mul3A_481 = arith.mulf %broadcast_in_dim3A_480, %mul3A_452 : vector<16xf32>
      %add3A_482 = arith.constant 2.70882947E-6 : f32
      %add3A_483 = vector.broadcast %add3A_482 : f32 to vector<16xf32>
      %add3A_484 = arith.addf %mul3A_481, %add3A_483 : vector<16xf32>
      %mul3A_485 = arith.mulf %add3A_484, %mul3A_452 : vector<16xf32>
      %add3A_486 = arith.constant -1.98176291E-4 : f32
      %add3A_487 = vector.broadcast %add3A_486 : f32 to vector<16xf32>
      %add3A_488 = arith.addf %mul3A_485, %add3A_487 : vector<16xf32>
      %mul3A_489 = arith.mulf %add3A_488, %mul3A_452 : vector<16xf32>
      %add3A_490 = arith.constant 0.00833279174 : f32
      %add3A_491 = vector.broadcast %add3A_490 : f32 to vector<16xf32>
      %add3A_492 = arith.addf %mul3A_489, %add3A_491 : vector<16xf32>
      %mul3A_493 = arith.mulf %add3A_492, %mul3A_452 : vector<16xf32>
      %add3A_494 = arith.constant -0.16666621 : f32
      %add3A_495 = vector.broadcast %add3A_494 : f32 to vector<16xf32>
      %add3A_496 = arith.addf %mul3A_493, %add3A_495 : vector<16xf32>
      %mul3A_497 = arith.mulf %add3A_496, %mul3A_452 : vector<16xf32>
      %add3A_498 = arith.constant 0.99999994 : f32
      %add3A_499 = vector.broadcast %add3A_498 : f32 to vector<16xf32>
      %add3A_500 = arith.addf %mul3A_497, %add3A_499 : vector<16xf32>
      %mul3A_501 = arith.mulf %mul3A_451, %add3A_500 : vector<16xf32>
      %get3A_502 = arith.index_cast %scan3A_234 : i32 to index
      %get3A_503 = arith.constant 32 : index
      %get3A_504 = tpu.vector_load %arg12[%get3A_502, %get3A_503] {strides = array<i32>} : memref<128x128xf32, #tpu.memory_space<vmem>>, vector<16xf32>,
      %get3A_505 = arith.index_cast %scan3A_234 : i32 to index
      %get3A_506 = arith.constant 96 : index
      %get3A_507 = tpu.vector_load %arg12[%get3A_505, %get3A_506] {strides = array<i32>} : memref<128x128xf32, #tpu.memory_space<vmem>>, vector<16xf32>,
      %get3A_508 = arith.index_cast %scan3A_234 : i32 to index
      %get3A_509 = arith.constant 32 : index
      %get3A_510 = tpu.vector_load %arg11[%get3A_508, %get3A_509] {strides = array<i32>} : memref<128x128xf32, #tpu.memory_space<vmem>>, vector<16xf32>,
      %get3A_511 = arith.index_cast %scan3A_234 : i32 to index
      %get3A_512 = arith.constant 96 : index
      %get3A_513 = tpu.vector_load %arg11[%get3A_511, %get3A_512] {strides = array<i32>} : memref<128x128xf32, #tpu.memory_space<vmem>>, vector<16xf32>,
      %mul3A_514 = arith.mulf %add3A_478, %get3A_504 : vector<16xf32>
      %mul3A_515 = arith.mulf %mul3A_501, %get3A_507 : vector<16xf32>
      %add3A_516 = arith.addf %mul3A_514, %mul3A_515 : vector<16xf32>
      %sub3A_517 = arith.subf %add3A_516, %get3A_510 : vector<16xf32>
      %mul3A_518 = arith.mulf %add3A_478, %get3A_507 : vector<16xf32>
      %mul3A_519 = arith.mulf %mul3A_501, %get3A_504 : vector<16xf32>
      %sub3A_520 = arith.subf %mul3A_518, %mul3A_519 : vector<16xf32>
      %sub3A_521 = arith.subf %sub3A_520, %get3A_513 : vector<16xf32>
      %abs3A_522 = math.absf %sub3A_517 : vector<16xf32>
      %abs3A_523 = math.absf %sub3A_521 : vector<16xf32>
      %max3A_524 = arith.maximumf %abs3A_522, %abs3A_523 : vector<16xf32>
      %min3A_525 = arith.minimumf %abs3A_522, %abs3A_523 : vector<16xf32>
      %add3A_526 = arith.constant 1.000000e-30 : f32
      %add3A_527 = vector.broadcast %add3A_526 : f32 to vector<16xf32>
      %add3A_528 = arith.addf %max3A_524, %add3A_527 : vector<16xf32>
      %div3A_529 = arith.divf %min3A_525, %add3A_528 : vector<16xf32>
      %mul3A_530 = arith.mulf %div3A_529, %div3A_529 : vector<16xf32>
      %add3A_531 = arith.constant 1.000000e+00 : f32
      %add3A_532 = vector.broadcast %add3A_531 : f32 to vector<16xf32>
      %add3A_533 = arith.addf %add3A_532, %mul3A_530 : vector<16xf32>
      %broadcast_in_dim3A_534 = arith.constant -0.0103518479 : f32
      %broadcast_in_dim3A_535 = vector.broadcast %broadcast_in_dim3A_534 : f32 to vector<16xf32>
      %mul3A_536 = arith.mulf %broadcast_in_dim3A_535, %add3A_533 : vector<16xf32>
      %add3A_537 = arith.constant 0.0862722322 : f32
      %add3A_538 = vector.broadcast %add3A_537 : f32 to vector<16xf32>
      %add3A_539 = arith.addf %mul3A_536, %add3A_538 : vector<16xf32>
      %mul3A_540 = arith.mulf %add3A_539, %add3A_533 : vector<16xf32>
      %add3A_541 = arith.constant -0.316429496 : f32
      %add3A_542 = vector.broadcast %add3A_541 : f32 to vector<16xf32>
      %add3A_543 = arith.addf %mul3A_540, %add3A_542 : vector<16xf32>
      %mul3A_544 = arith.mulf %add3A_543, %add3A_533 : vector<16xf32>
      %add3A_545 = arith.constant 0.914854407 : f32
      %add3A_546 = vector.broadcast %add3A_545 : f32 to vector<16xf32>
      %add3A_547 = arith.addf %mul3A_544, %add3A_546 : vector<16xf32>
      %mul3A_548 = arith.mulf %add3A_547, %add3A_533 : vector<16xf32>
      %add3A_549 = arith.constant 0.325665832 : f32
      %add3A_550 = vector.broadcast %add3A_549 : f32 to vector<16xf32>
      %add3A_551 = arith.addf %mul3A_548, %add3A_550 : vector<16xf32>
      %mul3A_552 = arith.mulf %max3A_524, %add3A_551 : vector<16xf32>
      %add3A_553 = arith.addf %add3A_445, %mul3A_552 : vector<16xf32>
      %get3A_554 = arith.index_cast %scan3A_234 : i32 to index
      %get3A_555 = arith.constant 48 : index
      %get3A_556 = tpu.vector_load %arg13[%get3A_554, %get3A_555] {strides = array<i32>} : memref<128x64xf32, #tpu.memory_space<vmem>>, vector<16xf32>,
      %mul3A_557 = arith.constant 14.3615665 : f32
      %mul3A_558 = vector.broadcast %mul3A_557 : f32 to vector<16xf32>
      %mul3A_559 = arith.mulf %get3A_556, %mul3A_558 : vector<16xf32>
      %mul3A_560 = arith.mulf %mul3A_559, %mul3A_559 : vector<16xf32>
      %broadcast_in_dim3A_561 = arith.constant 1.72450676E-9 : f32
      %broadcast_in_dim3A_562 = vector.broadcast %broadcast_in_dim3A_561 : f32 to vector<16xf32>
      %mul3A_563 = arith.mulf %broadcast_in_dim3A_562, %mul3A_560 : vector<16xf32>
      %add3A_564 = arith.constant -2.70790252E-7 : f32
      %add3A_565 = vector.broadcast %add3A_564 : f32 to vector<16xf32>
      %add3A_566 = arith.addf %mul3A_563, %add3A_565 : vector<16xf32>
      %mul3A_567 = arith.mulf %add3A_566, %mul3A_560 : vector<16xf32>
      %add3A_568 = arith.constant 2.47698827E-5 : f32
      %add3A_569 = vector.broadcast %add3A_568 : f32 to vector<16xf32>
      %add3A_570 = arith.addf %mul3A_567, %add3A_569 : vector<16xf32>
      %mul3A_571 = arith.mulf %add3A_570, %mul3A_560 : vector<16xf32>
      %add3A_572 = arith.constant -0.00138878031 : f32
      %add3A_573 = vector.broadcast %add3A_572 : f32 to vector<16xf32>
      %add3A_574 = arith.addf %mul3A_571, %add3A_573 : vector<16xf32>
      %mul3A_575 = arith.mulf %add3A_574, %mul3A_560 : vector<16xf32>
      %add3A_576 = arith.constant 0.0416664891 : f32
      %add3A_577 = vector.broadcast %add3A_576 : f32 to vector<16xf32>
      %add3A_578 = arith.addf %mul3A_575, %add3A_577 : vector<16xf32>
      %mul3A_579 = arith.mulf %add3A_578, %mul3A_560 : vector<16xf32>
      %add3A_580 = arith.constant -0.499999881 : f32
      %add3A_581 = vector.broadcast %add3A_580 : f32 to vector<16xf32>
      %add3A_582 = arith.addf %mul3A_579, %add3A_581 : vector<16xf32>
      %mul3A_583 = arith.mulf %add3A_582, %mul3A_560 : vector<16xf32>
      %add3A_584 = arith.constant 1.000000e+00 : f32
      %add3A_585 = vector.broadcast %add3A_584 : f32 to vector<16xf32>
      %add3A_586 = arith.addf %mul3A_583, %add3A_585 : vector<16xf32>
      %broadcast_in_dim3A_587 = arith.constant -2.06980673E-8 : f32
      %broadcast_in_dim3A_588 = vector.broadcast %broadcast_in_dim3A_587 : f32 to vector<16xf32>
      %mul3A_589 = arith.mulf %broadcast_in_dim3A_588, %mul3A_560 : vector<16xf32>
      %add3A_590 = arith.constant 2.70882947E-6 : f32
      %add3A_591 = vector.broadcast %add3A_590 : f32 to vector<16xf32>
      %add3A_592 = arith.addf %mul3A_589, %add3A_591 : vector<16xf32>
      %mul3A_593 = arith.mulf %add3A_592, %mul3A_560 : vector<16xf32>
      %add3A_594 = arith.constant -1.98176291E-4 : f32
      %add3A_595 = vector.broadcast %add3A_594 : f32 to vector<16xf32>
      %add3A_596 = arith.addf %mul3A_593, %add3A_595 : vector<16xf32>
      %mul3A_597 = arith.mulf %add3A_596, %mul3A_560 : vector<16xf32>
      %add3A_598 = arith.constant 0.00833279174 : f32
      %add3A_599 = vector.broadcast %add3A_598 : f32 to vector<16xf32>
      %add3A_600 = arith.addf %mul3A_597, %add3A_599 : vector<16xf32>
      %mul3A_601 = arith.mulf %add3A_600, %mul3A_560 : vector<16xf32>
      %add3A_602 = arith.constant -0.16666621 : f32
      %add3A_603 = vector.broadcast %add3A_602 : f32 to vector<16xf32>
      %add3A_604 = arith.addf %mul3A_601, %add3A_603 : vector<16xf32>
      %mul3A_605 = arith.mulf %add3A_604, %mul3A_560 : vector<16xf32>
      %add3A_606 = arith.constant 0.99999994 : f32
      %add3A_607 = vector.broadcast %add3A_606 : f32 to vector<16xf32>
      %add3A_608 = arith.addf %mul3A_605, %add3A_607 : vector<16xf32>
      %mul3A_609 = arith.mulf %mul3A_559, %add3A_608 : vector<16xf32>
      %get3A_610 = arith.index_cast %scan3A_234 : i32 to index
      %get3A_611 = arith.constant 48 : index
      %get3A_612 = tpu.vector_load %arg12[%get3A_610, %get3A_611] {strides = array<i32>} : memref<128x128xf32, #tpu.memory_space<vmem>>, vector<16xf32>,
      %get3A_613 = arith.index_cast %scan3A_234 : i32 to index
      %get3A_614 = arith.constant 112 : index
      %get3A_615 = tpu.vector_load %arg12[%get3A_613, %get3A_614] {strides = array<i32>} : memref<128x128xf32, #tpu.memory_space<vmem>>, vector<16xf32>,
      %get3A_616 = arith.index_cast %scan3A_234 : i32 to index
      %get3A_617 = arith.constant 48 : index
      %get3A_618 = tpu.vector_load %arg11[%get3A_616, %get3A_617] {strides = array<i32>} : memref<128x128xf32, #tpu.memory_space<vmem>>, vector<16xf32>,
      %get3A_619 = arith.index_cast %scan3A_234 : i32 to index
      %get3A_620 = arith.constant 112 : index
      %get3A_621 = tpu.vector_load %arg11[%get3A_619, %get3A_620] {strides = array<i32>} : memref<128x128xf32, #tpu.memory_space<vmem>>, vector<16xf32>,
      %mul3A_622 = arith.mulf %add3A_586, %get3A_612 : vector<16xf32>
      %mul3A_623 = arith.mulf %mul3A_609, %get3A_615 : vector<16xf32>
      %add3A_624 = arith.addf %mul3A_622, %mul3A_623 : vector<16xf32>
      %sub3A_625 = arith.subf %add3A_624, %get3A_618 : vector<16xf32>
      %mul3A_626 = arith.mulf %add3A_586, %get3A_615 : vector<16xf32>
      %mul3A_627 = arith.mulf %mul3A_609, %get3A_612 : vector<16xf32>
      %sub3A_628 = arith.subf %mul3A_626, %mul3A_627 : vector<16xf32>
      %sub3A_629 = arith.subf %sub3A_628, %get3A_621 : vector<16xf32>
      %abs3A_630 = math.absf %sub3A_625 : vector<16xf32>
      %abs3A_631 = math.absf %sub3A_629 : vector<16xf32>
      %max3A_632 = arith.maximumf %abs3A_630, %abs3A_631 : vector<16xf32>
      %min3A_633 = arith.minimumf %abs3A_630, %abs3A_631 : vector<16xf32>
      %add3A_634 = arith.constant 1.000000e-30 : f32
      %add3A_635 = vector.broadcast %add3A_634 : f32 to vector<16xf32>
      %add3A_636 = arith.addf %max3A_632, %add3A_635 : vector<16xf32>
      %div3A_637 = arith.divf %min3A_633, %add3A_636 : vector<16xf32>
      %mul3A_638 = arith.mulf %div3A_637, %div3A_637 : vector<16xf32>
      %add3A_639 = arith.constant 1.000000e+00 : f32
      %add3A_640 = vector.broadcast %add3A_639 : f32 to vector<16xf32>
      %add3A_641 = arith.addf %add3A_640, %mul3A_638 : vector<16xf32>
      %broadcast_in_dim3A_642 = arith.constant -0.0103518479 : f32
      %broadcast_in_dim3A_643 = vector.broadcast %broadcast_in_dim3A_642 : f32 to vector<16xf32>
      %mul3A_644 = arith.mulf %broadcast_in_dim3A_643, %add3A_641 : vector<16xf32>
      %add3A_645 = arith.constant 0.0862722322 : f32
      %add3A_646 = vector.broadcast %add3A_645 : f32 to vector<16xf32>
      %add3A_647 = arith.addf %mul3A_644, %add3A_646 : vector<16xf32>
      %mul3A_648 = arith.mulf %add3A_647, %add3A_641 : vector<16xf32>
      %add3A_649 = arith.constant -0.316429496 : f32
      %add3A_650 = vector.broadcast %add3A_649 : f32 to vector<16xf32>
      %add3A_651 = arith.addf %mul3A_648, %add3A_650 : vector<16xf32>
      %mul3A_652 = arith.mulf %add3A_651, %add3A_641 : vector<16xf32>
      %add3A_653 = arith.constant 0.914854407 : f32
      %add3A_654 = vector.broadcast %add3A_653 : f32 to vector<16xf32>
      %add3A_655 = arith.addf %mul3A_652, %add3A_654 : vector<16xf32>
      %mul3A_656 = arith.mulf %add3A_655, %add3A_641 : vector<16xf32>
      %add3A_657 = arith.constant 0.325665832 : f32
      %add3A_658 = vector.broadcast %add3A_657 : f32 to vector<16xf32>
      %add3A_659 = arith.addf %mul3A_656, %add3A_658 : vector<16xf32>
      %mul3A_660 = arith.mulf %max3A_632, %add3A_659 : vector<16xf32>
      %add3A_661 = arith.addf %add3A_553, %mul3A_660 : vector<16xf32>
      %swap3A = arith.index_cast %scan3A_234 : i32 to index
      %swap3A_662 = arith.constant 0 : index
      %swap3A_663 = tpu.vector_load %arg14[%swap3A, %swap3A_662] {strides = array<i32>} : memref<128x16xf32, #tpu.memory_space<vmem>>, vector<16xf32>,
      tpu.vector_store %arg14[%swap3A, %swap3A_662], %add3A_661 {strides = array<i32>} : memref<128x16xf32, #tpu.memory_space<vmem>>, vector<16xf32>,
    }
    %scan3A_197 = arith.constant 32 : i32
    %dma_wait3A_198 = arith.constant 96 : i32
    %dma_wait3A_199 = arith.constant 0 : i32
    %dma_wait3A_200 = tpu.memref_slice %arg11[%dma_wait3A_198, %dma_wait3A_199] : memref<128x128xf32, #tpu.memory_space<vmem>> -> memref<32x128xf32, #tpu.memory_space<vmem>>
    %dma_wait3A_201 = arith.constant 96 : i32
    %dma_wait3A_202 = tpu.memref_slice %arg8[%dma_wait3A_201] : memref<128xi32, #tpu.memory_space<vmem>> -> memref<32xi32, #tpu.memory_space<vmem>>
    %dma_wait3A_203 = arith.constant 0 : i32
    %dma_wait3A_204 = arith.constant 0 : i32
    %dma_wait3A_205 = tpu.memref_slice %arg5[%dma_wait3A_203, %dma_wait3A_204] : memref<1000000x128xf32, #tpu.memory_space<hbm>> -> memref<1000000x128xf32, #tpu.memory_space<hbm>>
    tpu.wait_indirect_dma semaphore(%arg19 : memref<!tpu.dma_semaphore, #tpu.memory_space<semaphore_mem>>) src(%dma_wait3A_205 : memref<1000000x128xf32, #tpu.memory_space<hbm>>) dst(%dma_wait3A_200 : memref<32x128xf32, #tpu.memory_space<vmem>>)
    %dma_wait3A_206 = arith.constant 96 : i32
    %dma_wait3A_207 = arith.constant 0 : i32
    %dma_wait3A_208 = tpu.memref_slice %arg12[%dma_wait3A_206, %dma_wait3A_207] : memref<128x128xf32, #tpu.memory_space<vmem>> -> memref<32x128xf32, #tpu.memory_space<vmem>>
    %dma_wait3A_209 = arith.constant 96 : i32
    %dma_wait3A_210 = tpu.memref_slice %arg10[%dma_wait3A_209] : memref<128xi32, #tpu.memory_space<vmem>> -> memref<32xi32, #tpu.memory_space<vmem>>
    %dma_wait3A_211 = arith.constant 0 : i32
    %dma_wait3A_212 = arith.constant 0 : i32
    %dma_wait3A_213 = tpu.memref_slice %arg5[%dma_wait3A_211, %dma_wait3A_212] : memref<1000000x128xf32, #tpu.memory_space<hbm>> -> memref<1000000x128xf32, #tpu.memory_space<hbm>>
    tpu.wait_indirect_dma semaphore(%arg19 : memref<!tpu.dma_semaphore, #tpu.memory_space<semaphore_mem>>) src(%dma_wait3A_213 : memref<1000000x128xf32, #tpu.memory_space<hbm>>) dst(%dma_wait3A_208 : memref<32x128xf32, #tpu.memory_space<vmem>>)
    %dma_wait3A_214 = arith.constant 96 : i32
    %dma_wait3A_215 = arith.constant 0 : i32
    %dma_wait3A_216 = tpu.memref_slice %arg13[%dma_wait3A_214, %dma_wait3A_215] : memref<128x64xf32, #tpu.memory_space<vmem>> -> memref<32x64xf32, #tpu.memory_space<vmem>>
    %dma_wait3A_217 = arith.constant 96 : i32
    %dma_wait3A_218 = tpu.memref_slice %arg9[%dma_wait3A_217] : memref<128xi32, #tpu.memory_space<vmem>> -> memref<32xi32, #tpu.memory_space<vmem>>
    %dma_wait3A_219 = arith.constant 0 : i32
    %dma_wait3A_220 = arith.constant 0 : i32
    %dma_wait3A_221 = tpu.memref_slice %arg6[%dma_wait3A_219, %dma_wait3A_220] : memref<1000x64xf32, #tpu.memory_space<hbm>> -> memref<1000x64xf32, #tpu.memory_space<hbm>>
    tpu.wait_indirect_dma semaphore(%arg19 : memref<!tpu.dma_semaphore, #tpu.memory_space<semaphore_mem>>) src(%dma_wait3A_221 : memref<1000x64xf32, #tpu.memory_space<hbm>>) dst(%dma_wait3A_216 : memref<32x64xf32, #tpu.memory_space<vmem>>)
    %scan3A_222 = arith.constant 0 : i32
    %scan3A_223 = arith.constant 96 : i32
    %scan3A_224 = arith.constant 32 : i32
    %scan3A_225 = arith.addi %scan3A_223, %scan3A_224 : i32
    %scan3A_226 = arith.constant 1 : i32
    scf.for %scan3A_234 = %scan3A_223 to %scan3A_225 step %scan3A_226  : i32 {
      %broadcast_in_dim3A = arith.constant 0.000000e+00 : f32
      %broadcast_in_dim3A_235 = vector.broadcast %broadcast_in_dim3A : f32 to vector<16xf32>
      %get3A = arith.index_cast %scan3A_234 : i32 to index
      %get3A_236 = arith.constant 0 : index
      %get3A_237 = tpu.vector_load %arg13[%get3A, %get3A_236] {strides = array<i32>} : memref<128x64xf32, #tpu.memory_space<vmem>>, vector<16xf32>,
      %mul3A_238 = arith.constant 14.3615665 : f32
      %mul3A_239 = vector.broadcast %mul3A_238 : f32 to vector<16xf32>
      %mul3A_240 = arith.mulf %get3A_237, %mul3A_239 : vector<16xf32>
      %mul3A_241 = arith.mulf %mul3A_240, %mul3A_240 : vector<16xf32>
      %broadcast_in_dim3A_242 = arith.constant 1.72450676E-9 : f32
      %broadcast_in_dim3A_243 = vector.broadcast %broadcast_in_dim3A_242 : f32 to vector<16xf32>
      %mul3A_244 = arith.mulf %broadcast_in_dim3A_243, %mul3A_241 : vector<16xf32>
      %add3A_245 = arith.constant -2.70790252E-7 : f32
      %add3A_246 = vector.broadcast %add3A_245 : f32 to vector<16xf32>
      %add3A_247 = arith.addf %mul3A_244, %add3A_246 : vector<16xf32>
      %mul3A_248 = arith.mulf %add3A_247, %mul3A_241 : vector<16xf32>
      %add3A_249 = arith.constant 2.47698827E-5 : f32
      %add3A_250 = vector.broadcast %add3A_249 : f32 to vector<16xf32>
      %add3A_251 = arith.addf %mul3A_248, %add3A_250 : vector<16xf32>
      %mul3A_252 = arith.mulf %add3A_251, %mul3A_241 : vector<16xf32>
      %add3A_253 = arith.constant -0.00138878031 : f32
      %add3A_254 = vector.broadcast %add3A_253 : f32 to vector<16xf32>
      %add3A_255 = arith.addf %mul3A_252, %add3A_254 : vector<16xf32>
      %mul3A_256 = arith.mulf %add3A_255, %mul3A_241 : vector<16xf32>
      %add3A_257 = arith.constant 0.0416664891 : f32
      %add3A_258 = vector.broadcast %add3A_257 : f32 to vector<16xf32>
      %add3A_259 = arith.addf %mul3A_256, %add3A_258 : vector<16xf32>
      %mul3A_260 = arith.mulf %add3A_259, %mul3A_241 : vector<16xf32>
      %add3A_261 = arith.constant -0.499999881 : f32
      %add3A_262 = vector.broadcast %add3A_261 : f32 to vector<16xf32>
      %add3A_263 = arith.addf %mul3A_260, %add3A_262 : vector<16xf32>
      %mul3A_264 = arith.mulf %add3A_263, %mul3A_241 : vector<16xf32>
      %add3A_265 = arith.constant 1.000000e+00 : f32
      %add3A_266 = vector.broadcast %add3A_265 : f32 to vector<16xf32>
      %add3A_267 = arith.addf %mul3A_264, %add3A_266 : vector<16xf32>
      %broadcast_in_dim3A_268 = arith.constant -2.06980673E-8 : f32
      %broadcast_in_dim3A_269 = vector.broadcast %broadcast_in_dim3A_268 : f32 to vector<16xf32>
      %mul3A_270 = arith.mulf %broadcast_in_dim3A_269, %mul3A_241 : vector<16xf32>
      %add3A_271 = arith.constant 2.70882947E-6 : f32
      %add3A_272 = vector.broadcast %add3A_271 : f32 to vector<16xf32>
      %add3A_273 = arith.addf %mul3A_270, %add3A_272 : vector<16xf32>
      %mul3A_274 = arith.mulf %add3A_273, %mul3A_241 : vector<16xf32>
      %add3A_275 = arith.constant -1.98176291E-4 : f32
      %add3A_276 = vector.broadcast %add3A_275 : f32 to vector<16xf32>
      %add3A_277 = arith.addf %mul3A_274, %add3A_276 : vector<16xf32>
      %mul3A_278 = arith.mulf %add3A_277, %mul3A_241 : vector<16xf32>
      %add3A_279 = arith.constant 0.00833279174 : f32
      %add3A_280 = vector.broadcast %add3A_279 : f32 to vector<16xf32>
      %add3A_281 = arith.addf %mul3A_278, %add3A_280 : vector<16xf32>
      %mul3A_282 = arith.mulf %add3A_281, %mul3A_241 : vector<16xf32>
      %add3A_283 = arith.constant -0.16666621 : f32
      %add3A_284 = vector.broadcast %add3A_283 : f32 to vector<16xf32>
      %add3A_285 = arith.addf %mul3A_282, %add3A_284 : vector<16xf32>
      %mul3A_286 = arith.mulf %add3A_285, %mul3A_241 : vector<16xf32>
      %add3A_287 = arith.constant 0.99999994 : f32
      %add3A_288 = vector.broadcast %add3A_287 : f32 to vector<16xf32>
      %add3A_289 = arith.addf %mul3A_286, %add3A_288 : vector<16xf32>
      %mul3A_290 = arith.mulf %mul3A_240, %add3A_289 : vector<16xf32>
      %get3A_291 = arith.index_cast %scan3A_234 : i32 to index
      %get3A_292 = arith.constant 0 : index
      %get3A_293 = tpu.vector_load %arg12[%get3A_291, %get3A_292] {strides = array<i32>} : memref<128x128xf32, #tpu.memory_space<vmem>>, vector<16xf32>,
      %get3A_294 = arith.index_cast %scan3A_234 : i32 to index
      %get3A_295 = arith.constant 64 : index
      %get3A_296 = tpu.vector_load %arg12[%get3A_294, %get3A_295] {strides = array<i32>} : memref<128x128xf32, #tpu.memory_space<vmem>>, vector<16xf32>,
      %get3A_297 = arith.index_cast %scan3A_234 : i32 to index
      %get3A_298 = arith.constant 0 : index
      %get3A_299 = tpu.vector_load %arg11[%get3A_297, %get3A_298] {strides = array<i32>} : memref<128x128xf32, #tpu.memory_space<vmem>>, vector<16xf32>,
      %get3A_300 = arith.index_cast %scan3A_234 : i32 to index
      %get3A_301 = arith.constant 64 : index
      %get3A_302 = tpu.vector_load %arg11[%get3A_300, %get3A_301] {strides = array<i32>} : memref<128x128xf32, #tpu.memory_space<vmem>>, vector<16xf32>,
      %mul3A_303 = arith.mulf %add3A_267, %get3A_293 : vector<16xf32>
      %mul3A_304 = arith.mulf %mul3A_290, %get3A_296 : vector<16xf32>
      %add3A_305 = arith.addf %mul3A_303, %mul3A_304 : vector<16xf32>
      %sub3A = arith.subf %add3A_305, %get3A_299 : vector<16xf32>
      %mul3A_306 = arith.mulf %add3A_267, %get3A_296 : vector<16xf32>
      %mul3A_307 = arith.mulf %mul3A_290, %get3A_293 : vector<16xf32>
      %sub3A_308 = arith.subf %mul3A_306, %mul3A_307 : vector<16xf32>
      %sub3A_309 = arith.subf %sub3A_308, %get3A_302 : vector<16xf32>
      %abs3A = math.absf %sub3A : vector<16xf32>
      %abs3A_310 = math.absf %sub3A_309 : vector<16xf32>
      %max3A = arith.maximumf %abs3A, %abs3A_310 : vector<16xf32>
      %min3A = arith.minimumf %abs3A, %abs3A_310 : vector<16xf32>
      %add3A_311 = arith.constant 1.000000e-30 : f32
      %add3A_312 = vector.broadcast %add3A_311 : f32 to vector<16xf32>
      %add3A_313 = arith.addf %max3A, %add3A_312 : vector<16xf32>
      %div3A = arith.divf %min3A, %add3A_313 : vector<16xf32>
      %mul3A_314 = arith.mulf %div3A, %div3A : vector<16xf32>
      %add3A_315 = arith.constant 1.000000e+00 : f32
      %add3A_316 = vector.broadcast %add3A_315 : f32 to vector<16xf32>
      %add3A_317 = arith.addf %add3A_316, %mul3A_314 : vector<16xf32>
      %broadcast_in_dim3A_318 = arith.constant -0.0103518479 : f32
      %broadcast_in_dim3A_319 = vector.broadcast %broadcast_in_dim3A_318 : f32 to vector<16xf32>
      %mul3A_320 = arith.mulf %broadcast_in_dim3A_319, %add3A_317 : vector<16xf32>
      %add3A_321 = arith.constant 0.0862722322 : f32
      %add3A_322 = vector.broadcast %add3A_321 : f32 to vector<16xf32>
      %add3A_323 = arith.addf %mul3A_320, %add3A_322 : vector<16xf32>
      %mul3A_324 = arith.mulf %add3A_323, %add3A_317 : vector<16xf32>
      %add3A_325 = arith.constant -0.316429496 : f32
      %add3A_326 = vector.broadcast %add3A_325 : f32 to vector<16xf32>
      %add3A_327 = arith.addf %mul3A_324, %add3A_326 : vector<16xf32>
      %mul3A_328 = arith.mulf %add3A_327, %add3A_317 : vector<16xf32>
      %add3A_329 = arith.constant 0.914854407 : f32
      %add3A_330 = vector.broadcast %add3A_329 : f32 to vector<16xf32>
      %add3A_331 = arith.addf %mul3A_328, %add3A_330 : vector<16xf32>
      %mul3A_332 = arith.mulf %add3A_331, %add3A_317 : vector<16xf32>
      %add3A_333 = arith.constant 0.325665832 : f32
      %add3A_334 = vector.broadcast %add3A_333 : f32 to vector<16xf32>
      %add3A_335 = arith.addf %mul3A_332, %add3A_334 : vector<16xf32>
      %mul3A_336 = arith.mulf %max3A, %add3A_335 : vector<16xf32>
      %add3A_337 = arith.addf %broadcast_in_dim3A_235, %mul3A_336 : vector<16xf32>
      %get3A_338 = arith.index_cast %scan3A_234 : i32 to index
      %get3A_339 = arith.constant 16 : index
      %get3A_340 = tpu.vector_load %arg13[%get3A_338, %get3A_339] {strides = array<i32>} : memref<128x64xf32, #tpu.memory_space<vmem>>, vector<16xf32>,
      %mul3A_341 = arith.constant 14.3615665 : f32
      %mul3A_342 = vector.broadcast %mul3A_341 : f32 to vector<16xf32>
      %mul3A_343 = arith.mulf %get3A_340, %mul3A_342 : vector<16xf32>
      %mul3A_344 = arith.mulf %mul3A_343, %mul3A_343 : vector<16xf32>
      %broadcast_in_dim3A_345 = arith.constant 1.72450676E-9 : f32
      %broadcast_in_dim3A_346 = vector.broadcast %broadcast_in_dim3A_345 : f32 to vector<16xf32>
      %mul3A_347 = arith.mulf %broadcast_in_dim3A_346, %mul3A_344 : vector<16xf32>
      %add3A_348 = arith.constant -2.70790252E-7 : f32
      %add3A_349 = vector.broadcast %add3A_348 : f32 to vector<16xf32>
      %add3A_350 = arith.addf %mul3A_347, %add3A_349 : vector<16xf32>
      %mul3A_351 = arith.mulf %add3A_350, %mul3A_344 : vector<16xf32>
      %add3A_352 = arith.constant 2.47698827E-5 : f32
      %add3A_353 = vector.broadcast %add3A_352 : f32 to vector<16xf32>
      %add3A_354 = arith.addf %mul3A_351, %add3A_353 : vector<16xf32>
      %mul3A_355 = arith.mulf %add3A_354, %mul3A_344 : vector<16xf32>
      %add3A_356 = arith.constant -0.00138878031 : f32
      %add3A_357 = vector.broadcast %add3A_356 : f32 to vector<16xf32>
      %add3A_358 = arith.addf %mul3A_355, %add3A_357 : vector<16xf32>
      %mul3A_359 = arith.mulf %add3A_358, %mul3A_344 : vector<16xf32>
      %add3A_360 = arith.constant 0.0416664891 : f32
      %add3A_361 = vector.broadcast %add3A_360 : f32 to vector<16xf32>
      %add3A_362 = arith.addf %mul3A_359, %add3A_361 : vector<16xf32>
      %mul3A_363 = arith.mulf %add3A_362, %mul3A_344 : vector<16xf32>
      %add3A_364 = arith.constant -0.499999881 : f32
      %add3A_365 = vector.broadcast %add3A_364 : f32 to vector<16xf32>
      %add3A_366 = arith.addf %mul3A_363, %add3A_365 : vector<16xf32>
      %mul3A_367 = arith.mulf %add3A_366, %mul3A_344 : vector<16xf32>
      %add3A_368 = arith.constant 1.000000e+00 : f32
      %add3A_369 = vector.broadcast %add3A_368 : f32 to vector<16xf32>
      %add3A_370 = arith.addf %mul3A_367, %add3A_369 : vector<16xf32>
      %broadcast_in_dim3A_371 = arith.constant -2.06980673E-8 : f32
      %broadcast_in_dim3A_372 = vector.broadcast %broadcast_in_dim3A_371 : f32 to vector<16xf32>
      %mul3A_373 = arith.mulf %broadcast_in_dim3A_372, %mul3A_344 : vector<16xf32>
      %add3A_374 = arith.constant 2.70882947E-6 : f32
      %add3A_375 = vector.broadcast %add3A_374 : f32 to vector<16xf32>
      %add3A_376 = arith.addf %mul3A_373, %add3A_375 : vector<16xf32>
      %mul3A_377 = arith.mulf %add3A_376, %mul3A_344 : vector<16xf32>
      %add3A_378 = arith.constant -1.98176291E-4 : f32
      %add3A_379 = vector.broadcast %add3A_378 : f32 to vector<16xf32>
      %add3A_380 = arith.addf %mul3A_377, %add3A_379 : vector<16xf32>
      %mul3A_381 = arith.mulf %add3A_380, %mul3A_344 : vector<16xf32>
      %add3A_382 = arith.constant 0.00833279174 : f32
      %add3A_383 = vector.broadcast %add3A_382 : f32 to vector<16xf32>
      %add3A_384 = arith.addf %mul3A_381, %add3A_383 : vector<16xf32>
      %mul3A_385 = arith.mulf %add3A_384, %mul3A_344 : vector<16xf32>
      %add3A_386 = arith.constant -0.16666621 : f32
      %add3A_387 = vector.broadcast %add3A_386 : f32 to vector<16xf32>
      %add3A_388 = arith.addf %mul3A_385, %add3A_387 : vector<16xf32>
      %mul3A_389 = arith.mulf %add3A_388, %mul3A_344 : vector<16xf32>
      %add3A_390 = arith.constant 0.99999994 : f32
      %add3A_391 = vector.broadcast %add3A_390 : f32 to vector<16xf32>
      %add3A_392 = arith.addf %mul3A_389, %add3A_391 : vector<16xf32>
      %mul3A_393 = arith.mulf %mul3A_343, %add3A_392 : vector<16xf32>
      %get3A_394 = arith.index_cast %scan3A_234 : i32 to index
      %get3A_395 = arith.constant 16 : index
      %get3A_396 = tpu.vector_load %arg12[%get3A_394, %get3A_395] {strides = array<i32>} : memref<128x128xf32, #tpu.memory_space<vmem>>, vector<16xf32>,
      %get3A_397 = arith.index_cast %scan3A_234 : i32 to index
      %get3A_398 = arith.constant 80 : index
      %get3A_399 = tpu.vector_load %arg12[%get3A_397, %get3A_398] {strides = array<i32>} : memref<128x128xf32, #tpu.memory_space<vmem>>, vector<16xf32>,
      %get3A_400 = arith.index_cast %scan3A_234 : i32 to index
      %get3A_401 = arith.constant 16 : index
      %get3A_402 = tpu.vector_load %arg11[%get3A_400, %get3A_401] {strides = array<i32>} : memref<128x128xf32, #tpu.memory_space<vmem>>, vector<16xf32>,
      %get3A_403 = arith.index_cast %scan3A_234 : i32 to index
      %get3A_404 = arith.constant 80 : index
      %get3A_405 = tpu.vector_load %arg11[%get3A_403, %get3A_404] {strides = array<i32>} : memref<128x128xf32, #tpu.memory_space<vmem>>, vector<16xf32>,
      %mul3A_406 = arith.mulf %add3A_370, %get3A_396 : vector<16xf32>
      %mul3A_407 = arith.mulf %mul3A_393, %get3A_399 : vector<16xf32>
      %add3A_408 = arith.addf %mul3A_406, %mul3A_407 : vector<16xf32>
      %sub3A_409 = arith.subf %add3A_408, %get3A_402 : vector<16xf32>
      %mul3A_410 = arith.mulf %add3A_370, %get3A_399 : vector<16xf32>
      %mul3A_411 = arith.mulf %mul3A_393, %get3A_396 : vector<16xf32>
      %sub3A_412 = arith.subf %mul3A_410, %mul3A_411 : vector<16xf32>
      %sub3A_413 = arith.subf %sub3A_412, %get3A_405 : vector<16xf32>
      %abs3A_414 = math.absf %sub3A_409 : vector<16xf32>
      %abs3A_415 = math.absf %sub3A_413 : vector<16xf32>
      %max3A_416 = arith.maximumf %abs3A_414, %abs3A_415 : vector<16xf32>
      %min3A_417 = arith.minimumf %abs3A_414, %abs3A_415 : vector<16xf32>
      %add3A_418 = arith.constant 1.000000e-30 : f32
      %add3A_419 = vector.broadcast %add3A_418 : f32 to vector<16xf32>
      %add3A_420 = arith.addf %max3A_416, %add3A_419 : vector<16xf32>
      %div3A_421 = arith.divf %min3A_417, %add3A_420 : vector<16xf32>
      %mul3A_422 = arith.mulf %div3A_421, %div3A_421 : vector<16xf32>
      %add3A_423 = arith.constant 1.000000e+00 : f32
      %add3A_424 = vector.broadcast %add3A_423 : f32 to vector<16xf32>
      %add3A_425 = arith.addf %add3A_424, %mul3A_422 : vector<16xf32>
      %broadcast_in_dim3A_426 = arith.constant -0.0103518479 : f32
      %broadcast_in_dim3A_427 = vector.broadcast %broadcast_in_dim3A_426 : f32 to vector<16xf32>
      %mul3A_428 = arith.mulf %broadcast_in_dim3A_427, %add3A_425 : vector<16xf32>
      %add3A_429 = arith.constant 0.0862722322 : f32
      %add3A_430 = vector.broadcast %add3A_429 : f32 to vector<16xf32>
      %add3A_431 = arith.addf %mul3A_428, %add3A_430 : vector<16xf32>
      %mul3A_432 = arith.mulf %add3A_431, %add3A_425 : vector<16xf32>
      %add3A_433 = arith.constant -0.316429496 : f32
      %add3A_434 = vector.broadcast %add3A_433 : f32 to vector<16xf32>
      %add3A_435 = arith.addf %mul3A_432, %add3A_434 : vector<16xf32>
      %mul3A_436 = arith.mulf %add3A_435, %add3A_425 : vector<16xf32>
      %add3A_437 = arith.constant 0.914854407 : f32
      %add3A_438 = vector.broadcast %add3A_437 : f32 to vector<16xf32>
      %add3A_439 = arith.addf %mul3A_436, %add3A_438 : vector<16xf32>
      %mul3A_440 = arith.mulf %add3A_439, %add3A_425 : vector<16xf32>
      %add3A_441 = arith.constant 0.325665832 : f32
      %add3A_442 = vector.broadcast %add3A_441 : f32 to vector<16xf32>
      %add3A_443 = arith.addf %mul3A_440, %add3A_442 : vector<16xf32>
      %mul3A_444 = arith.mulf %max3A_416, %add3A_443 : vector<16xf32>
      %add3A_445 = arith.addf %add3A_337, %mul3A_444 : vector<16xf32>
      %get3A_446 = arith.index_cast %scan3A_234 : i32 to index
      %get3A_447 = arith.constant 32 : index
      %get3A_448 = tpu.vector_load %arg13[%get3A_446, %get3A_447] {strides = array<i32>} : memref<128x64xf32, #tpu.memory_space<vmem>>, vector<16xf32>,
      %mul3A_449 = arith.constant 14.3615665 : f32
      %mul3A_450 = vector.broadcast %mul3A_449 : f32 to vector<16xf32>
      %mul3A_451 = arith.mulf %get3A_448, %mul3A_450 : vector<16xf32>
      %mul3A_452 = arith.mulf %mul3A_451, %mul3A_451 : vector<16xf32>
      %broadcast_in_dim3A_453 = arith.constant 1.72450676E-9 : f32
      %broadcast_in_dim3A_454 = vector.broadcast %broadcast_in_dim3A_453 : f32 to vector<16xf32>
      %mul3A_455 = arith.mulf %broadcast_in_dim3A_454, %mul3A_452 : vector<16xf32>
      %add3A_456 = arith.constant -2.70790252E-7 : f32
      %add3A_457 = vector.broadcast %add3A_456 : f32 to vector<16xf32>
      %add3A_458 = arith.addf %mul3A_455, %add3A_457 : vector<16xf32>
      %mul3A_459 = arith.mulf %add3A_458, %mul3A_452 : vector<16xf32>
      %add3A_460 = arith.constant 2.47698827E-5 : f32
      %add3A_461 = vector.broadcast %add3A_460 : f32 to vector<16xf32>
      %add3A_462 = arith.addf %mul3A_459, %add3A_461 : vector<16xf32>
      %mul3A_463 = arith.mulf %add3A_462, %mul3A_452 : vector<16xf32>
      %add3A_464 = arith.constant -0.00138878031 : f32
      %add3A_465 = vector.broadcast %add3A_464 : f32 to vector<16xf32>
      %add3A_466 = arith.addf %mul3A_463, %add3A_465 : vector<16xf32>
      %mul3A_467 = arith.mulf %add3A_466, %mul3A_452 : vector<16xf32>
      %add3A_468 = arith.constant 0.0416664891 : f32
      %add3A_469 = vector.broadcast %add3A_468 : f32 to vector<16xf32>
      %add3A_470 = arith.addf %mul3A_467, %add3A_469 : vector<16xf32>
      %mul3A_471 = arith.mulf %add3A_470, %mul3A_452 : vector<16xf32>
      %add3A_472 = arith.constant -0.499999881 : f32
      %add3A_473 = vector.broadcast %add3A_472 : f32 to vector<16xf32>
      %add3A_474 = arith.addf %mul3A_471, %add3A_473 : vector<16xf32>
      %mul3A_475 = arith.mulf %add3A_474, %mul3A_452 : vector<16xf32>
      %add3A_476 = arith.constant 1.000000e+00 : f32
      %add3A_477 = vector.broadcast %add3A_476 : f32 to vector<16xf32>
      %add3A_478 = arith.addf %mul3A_475, %add3A_477 : vector<16xf32>
      %broadcast_in_dim3A_479 = arith.constant -2.06980673E-8 : f32
      %broadcast_in_dim3A_480 = vector.broadcast %broadcast_in_dim3A_479 : f32 to vector<16xf32>
      %mul3A_481 = arith.mulf %broadcast_in_dim3A_480, %mul3A_452 : vector<16xf32>
      %add3A_482 = arith.constant 2.70882947E-6 : f32
      %add3A_483 = vector.broadcast %add3A_482 : f32 to vector<16xf32>
      %add3A_484 = arith.addf %mul3A_481, %add3A_483 : vector<16xf32>
      %mul3A_485 = arith.mulf %add3A_484, %mul3A_452 : vector<16xf32>
      %add3A_486 = arith.constant -1.98176291E-4 : f32
      %add3A_487 = vector.broadcast %add3A_486 : f32 to vector<16xf32>
      %add3A_488 = arith.addf %mul3A_485, %add3A_487 : vector<16xf32>
      %mul3A_489 = arith.mulf %add3A_488, %mul3A_452 : vector<16xf32>
      %add3A_490 = arith.constant 0.00833279174 : f32
      %add3A_491 = vector.broadcast %add3A_490 : f32 to vector<16xf32>
      %add3A_492 = arith.addf %mul3A_489, %add3A_491 : vector<16xf32>
      %mul3A_493 = arith.mulf %add3A_492, %mul3A_452 : vector<16xf32>
      %add3A_494 = arith.constant -0.16666621 : f32
      %add3A_495 = vector.broadcast %add3A_494 : f32 to vector<16xf32>
      %add3A_496 = arith.addf %mul3A_493, %add3A_495 : vector<16xf32>
      %mul3A_497 = arith.mulf %add3A_496, %mul3A_452 : vector<16xf32>
      %add3A_498 = arith.constant 0.99999994 : f32
      %add3A_499 = vector.broadcast %add3A_498 : f32 to vector<16xf32>
      %add3A_500 = arith.addf %mul3A_497, %add3A_499 : vector<16xf32>
      %mul3A_501 = arith.mulf %mul3A_451, %add3A_500 : vector<16xf32>
      %get3A_502 = arith.index_cast %scan3A_234 : i32 to index
      %get3A_503 = arith.constant 32 : index
      %get3A_504 = tpu.vector_load %arg12[%get3A_502, %get3A_503] {strides = array<i32>} : memref<128x128xf32, #tpu.memory_space<vmem>>, vector<16xf32>,
      %get3A_505 = arith.index_cast %scan3A_234 : i32 to index
      %get3A_506 = arith.constant 96 : index
      %get3A_507 = tpu.vector_load %arg12[%get3A_505, %get3A_506] {strides = array<i32>} : memref<128x128xf32, #tpu.memory_space<vmem>>, vector<16xf32>,
      %get3A_508 = arith.index_cast %scan3A_234 : i32 to index
      %get3A_509 = arith.constant 32 : index
      %get3A_510 = tpu.vector_load %arg11[%get3A_508, %get3A_509] {strides = array<i32>} : memref<128x128xf32, #tpu.memory_space<vmem>>, vector<16xf32>,
      %get3A_511 = arith.index_cast %scan3A_234 : i32 to index
      %get3A_512 = arith.constant 96 : index
      %get3A_513 = tpu.vector_load %arg11[%get3A_511, %get3A_512] {strides = array<i32>} : memref<128x128xf32, #tpu.memory_space<vmem>>, vector<16xf32>,
      %mul3A_514 = arith.mulf %add3A_478, %get3A_504 : vector<16xf32>
      %mul3A_515 = arith.mulf %mul3A_501, %get3A_507 : vector<16xf32>
      %add3A_516 = arith.addf %mul3A_514, %mul3A_515 : vector<16xf32>
      %sub3A_517 = arith.subf %add3A_516, %get3A_510 : vector<16xf32>
      %mul3A_518 = arith.mulf %add3A_478, %get3A_507 : vector<16xf32>
      %mul3A_519 = arith.mulf %mul3A_501, %get3A_504 : vector<16xf32>
      %sub3A_520 = arith.subf %mul3A_518, %mul3A_519 : vector<16xf32>
      %sub3A_521 = arith.subf %sub3A_520, %get3A_513 : vector<16xf32>
      %abs3A_522 = math.absf %sub3A_517 : vector<16xf32>
      %abs3A_523 = math.absf %sub3A_521 : vector<16xf32>
      %max3A_524 = arith.maximumf %abs3A_522, %abs3A_523 : vector<16xf32>
      %min3A_525 = arith.minimumf %abs3A_522, %abs3A_523 : vector<16xf32>
      %add3A_526 = arith.constant 1.000000e-30 : f32
      %add3A_527 = vector.broadcast %add3A_526 : f32 to vector<16xf32>
      %add3A_528 = arith.addf %max3A_524, %add3A_527 : vector<16xf32>
      %div3A_529 = arith.divf %min3A_525, %add3A_528 : vector<16xf32>
      %mul3A_530 = arith.mulf %div3A_529, %div3A_529 : vector<16xf32>
      %add3A_531 = arith.constant 1.000000e+00 : f32
      %add3A_532 = vector.broadcast %add3A_531 : f32 to vector<16xf32>
      %add3A_533 = arith.addf %add3A_532, %mul3A_530 : vector<16xf32>
      %broadcast_in_dim3A_534 = arith.constant -0.0103518479 : f32
      %broadcast_in_dim3A_535 = vector.broadcast %broadcast_in_dim3A_534 : f32 to vector<16xf32>
      %mul3A_536 = arith.mulf %broadcast_in_dim3A_535, %add3A_533 : vector<16xf32>
      %add3A_537 = arith.constant 0.0862722322 : f32
      %add3A_538 = vector.broadcast %add3A_537 : f32 to vector<16xf32>
      %add3A_539 = arith.addf %mul3A_536, %add3A_538 : vector<16xf32>
      %mul3A_540 = arith.mulf %add3A_539, %add3A_533 : vector<16xf32>
      %add3A_541 = arith.constant -0.316429496 : f32
      %add3A_542 = vector.broadcast %add3A_541 : f32 to vector<16xf32>
      %add3A_543 = arith.addf %mul3A_540, %add3A_542 : vector<16xf32>
      %mul3A_544 = arith.mulf %add3A_543, %add3A_533 : vector<16xf32>
      %add3A_545 = arith.constant 0.914854407 : f32
      %add3A_546 = vector.broadcast %add3A_545 : f32 to vector<16xf32>
      %add3A_547 = arith.addf %mul3A_544, %add3A_546 : vector<16xf32>
      %mul3A_548 = arith.mulf %add3A_547, %add3A_533 : vector<16xf32>
      %add3A_549 = arith.constant 0.325665832 : f32
      %add3A_550 = vector.broadcast %add3A_549 : f32 to vector<16xf32>
      %add3A_551 = arith.addf %mul3A_548, %add3A_550 : vector<16xf32>
      %mul3A_552 = arith.mulf %max3A_524, %add3A_551 : vector<16xf32>
      %add3A_553 = arith.addf %add3A_445, %mul3A_552 : vector<16xf32>
      %get3A_554 = arith.index_cast %scan3A_234 : i32 to index
      %get3A_555 = arith.constant 48 : index
      %get3A_556 = tpu.vector_load %arg13[%get3A_554, %get3A_555] {strides = array<i32>} : memref<128x64xf32, #tpu.memory_space<vmem>>, vector<16xf32>,
      %mul3A_557 = arith.constant 14.3615665 : f32
      %mul3A_558 = vector.broadcast %mul3A_557 : f32 to vector<16xf32>
      %mul3A_559 = arith.mulf %get3A_556, %mul3A_558 : vector<16xf32>
      %mul3A_560 = arith.mulf %mul3A_559, %mul3A_559 : vector<16xf32>
      %broadcast_in_dim3A_561 = arith.constant 1.72450676E-9 : f32
      %broadcast_in_dim3A_562 = vector.broadcast %broadcast_in_dim3A_561 : f32 to vector<16xf32>
      %mul3A_563 = arith.mulf %broadcast_in_dim3A_562, %mul3A_560 : vector<16xf32>
      %add3A_564 = arith.constant -2.70790252E-7 : f32
      %add3A_565 = vector.broadcast %add3A_564 : f32 to vector<16xf32>
      %add3A_566 = arith.addf %mul3A_563, %add3A_565 : vector<16xf32>
      %mul3A_567 = arith.mulf %add3A_566, %mul3A_560 : vector<16xf32>
      %add3A_568 = arith.constant 2.47698827E-5 : f32
      %add3A_569 = vector.broadcast %add3A_568 : f32 to vector<16xf32>
      %add3A_570 = arith.addf %mul3A_567, %add3A_569 : vector<16xf32>
      %mul3A_571 = arith.mulf %add3A_570, %mul3A_560 : vector<16xf32>
      %add3A_572 = arith.constant -0.00138878031 : f32
      %add3A_573 = vector.broadcast %add3A_572 : f32 to vector<16xf32>
      %add3A_574 = arith.addf %mul3A_571, %add3A_573 : vector<16xf32>
      %mul3A_575 = arith.mulf %add3A_574, %mul3A_560 : vector<16xf32>
      %add3A_576 = arith.constant 0.0416664891 : f32
      %add3A_577 = vector.broadcast %add3A_576 : f32 to vector<16xf32>
      %add3A_578 = arith.addf %mul3A_575, %add3A_577 : vector<16xf32>
      %mul3A_579 = arith.mulf %add3A_578, %mul3A_560 : vector<16xf32>
      %add3A_580 = arith.constant -0.499999881 : f32
      %add3A_581 = vector.broadcast %add3A_580 : f32 to vector<16xf32>
      %add3A_582 = arith.addf %mul3A_579, %add3A_581 : vector<16xf32>
      %mul3A_583 = arith.mulf %add3A_582, %mul3A_560 : vector<16xf32>
      %add3A_584 = arith.constant 1.000000e+00 : f32
      %add3A_585 = vector.broadcast %add3A_584 : f32 to vector<16xf32>
      %add3A_586 = arith.addf %mul3A_583, %add3A_585 : vector<16xf32>
      %broadcast_in_dim3A_587 = arith.constant -2.06980673E-8 : f32
      %broadcast_in_dim3A_588 = vector.broadcast %broadcast_in_dim3A_587 : f32 to vector<16xf32>
      %mul3A_589 = arith.mulf %broadcast_in_dim3A_588, %mul3A_560 : vector<16xf32>
      %add3A_590 = arith.constant 2.70882947E-6 : f32
      %add3A_591 = vector.broadcast %add3A_590 : f32 to vector<16xf32>
      %add3A_592 = arith.addf %mul3A_589, %add3A_591 : vector<16xf32>
      %mul3A_593 = arith.mulf %add3A_592, %mul3A_560 : vector<16xf32>
      %add3A_594 = arith.constant -1.98176291E-4 : f32
      %add3A_595 = vector.broadcast %add3A_594 : f32 to vector<16xf32>
      %add3A_596 = arith.addf %mul3A_593, %add3A_595 : vector<16xf32>
      %mul3A_597 = arith.mulf %add3A_596, %mul3A_560 : vector<16xf32>
      %add3A_598 = arith.constant 0.00833279174 : f32
      %add3A_599 = vector.broadcast %add3A_598 : f32 to vector<16xf32>
      %add3A_600 = arith.addf %mul3A_597, %add3A_599 : vector<16xf32>
      %mul3A_601 = arith.mulf %add3A_600, %mul3A_560 : vector<16xf32>
      %add3A_602 = arith.constant -0.16666621 : f32
      %add3A_603 = vector.broadcast %add3A_602 : f32 to vector<16xf32>
      %add3A_604 = arith.addf %mul3A_601, %add3A_603 : vector<16xf32>
      %mul3A_605 = arith.mulf %add3A_604, %mul3A_560 : vector<16xf32>
      %add3A_606 = arith.constant 0.99999994 : f32
      %add3A_607 = vector.broadcast %add3A_606 : f32 to vector<16xf32>
      %add3A_608 = arith.addf %mul3A_605, %add3A_607 : vector<16xf32>
      %mul3A_609 = arith.mulf %mul3A_559, %add3A_608 : vector<16xf32>
      %get3A_610 = arith.index_cast %scan3A_234 : i32 to index
      %get3A_611 = arith.constant 48 : index
      %get3A_612 = tpu.vector_load %arg12[%get3A_610, %get3A_611] {strides = array<i32>} : memref<128x128xf32, #tpu.memory_space<vmem>>, vector<16xf32>,
      %get3A_613 = arith.index_cast %scan3A_234 : i32 to index
      %get3A_614 = arith.constant 112 : index
      %get3A_615 = tpu.vector_load %arg12[%get3A_613, %get3A_614] {strides = array<i32>} : memref<128x128xf32, #tpu.memory_space<vmem>>, vector<16xf32>,
      %get3A_616 = arith.index_cast %scan3A_234 : i32 to index
      %get3A_617 = arith.constant 48 : index
      %get3A_618 = tpu.vector_load %arg11[%get3A_616, %get3A_617] {strides = array<i32>} : memref<128x128xf32, #tpu.memory_space<vmem>>, vector<16xf32>,
      %get3A_619 = arith.index_cast %scan3A_234 : i32 to index
      %get3A_620 = arith.constant 112 : index
      %get3A_621 = tpu.vector_load %arg11[%get3A_619, %get3A_620] {strides = array<i32>} : memref<128x128xf32, #tpu.memory_space<vmem>>, vector<16xf32>,
      %mul3A_622 = arith.mulf %add3A_586, %get3A_612 : vector<16xf32>
      %mul3A_623 = arith.mulf %mul3A_609, %get3A_615 : vector<16xf32>
      %add3A_624 = arith.addf %mul3A_622, %mul3A_623 : vector<16xf32>
      %sub3A_625 = arith.subf %add3A_624, %get3A_618 : vector<16xf32>
      %mul3A_626 = arith.mulf %add3A_586, %get3A_615 : vector<16xf32>
      %mul3A_627 = arith.mulf %mul3A_609, %get3A_612 : vector<16xf32>
      %sub3A_628 = arith.subf %mul3A_626, %mul3A_627 : vector<16xf32>
      %sub3A_629 = arith.subf %sub3A_628, %get3A_621 : vector<16xf32>
      %abs3A_630 = math.absf %sub3A_625 : vector<16xf32>
      %abs3A_631 = math.absf %sub3A_629 : vector<16xf32>
      %max3A_632 = arith.maximumf %abs3A_630, %abs3A_631 : vector<16xf32>
      %min3A_633 = arith.minimumf %abs3A_630, %abs3A_631 : vector<16xf32>
      %add3A_634 = arith.constant 1.000000e-30 : f32
      %add3A_635 = vector.broadcast %add3A_634 : f32 to vector<16xf32>
      %add3A_636 = arith.addf %max3A_632, %add3A_635 : vector<16xf32>
      %div3A_637 = arith.divf %min3A_633, %add3A_636 : vector<16xf32>
      %mul3A_638 = arith.mulf %div3A_637, %div3A_637 : vector<16xf32>
      %add3A_639 = arith.constant 1.000000e+00 : f32
      %add3A_640 = vector.broadcast %add3A_639 : f32 to vector<16xf32>
      %add3A_641 = arith.addf %add3A_640, %mul3A_638 : vector<16xf32>
      %broadcast_in_dim3A_642 = arith.constant -0.0103518479 : f32
      %broadcast_in_dim3A_643 = vector.broadcast %broadcast_in_dim3A_642 : f32 to vector<16xf32>
      %mul3A_644 = arith.mulf %broadcast_in_dim3A_643, %add3A_641 : vector<16xf32>
      %add3A_645 = arith.constant 0.0862722322 : f32
      %add3A_646 = vector.broadcast %add3A_645 : f32 to vector<16xf32>
      %add3A_647 = arith.addf %mul3A_644, %add3A_646 : vector<16xf32>
      %mul3A_648 = arith.mulf %add3A_647, %add3A_641 : vector<16xf32>
      %add3A_649 = arith.constant -0.316429496 : f32
      %add3A_650 = vector.broadcast %add3A_649 : f32 to vector<16xf32>
      %add3A_651 = arith.addf %mul3A_648, %add3A_650 : vector<16xf32>
      %mul3A_652 = arith.mulf %add3A_651, %add3A_641 : vector<16xf32>
      %add3A_653 = arith.constant 0.914854407 : f32
      %add3A_654 = vector.broadcast %add3A_653 : f32 to vector<16xf32>
      %add3A_655 = arith.addf %mul3A_652, %add3A_654 : vector<16xf32>
      %mul3A_656 = arith.mulf %add3A_655, %add3A_641 : vector<16xf32>
      %add3A_657 = arith.constant 0.325665832 : f32
      %add3A_658 = vector.broadcast %add3A_657 : f32 to vector<16xf32>
      %add3A_659 = arith.addf %mul3A_656, %add3A_658 : vector<16xf32>
      %mul3A_660 = arith.mulf %max3A_632, %add3A_659 : vector<16xf32>
      %add3A_661 = arith.addf %add3A_553, %mul3A_660 : vector<16xf32>
      %swap3A = arith.index_cast %scan3A_234 : i32 to index
      %swap3A_662 = arith.constant 0 : index
      %swap3A_663 = tpu.vector_load %arg14[%swap3A, %swap3A_662] {strides = array<i32>} : memref<128x16xf32, #tpu.memory_space<vmem>>, vector<16xf32>,
      tpu.vector_store %arg14[%swap3A, %swap3A_662], %add3A_661 {strides = array<i32>} : memref<128x16xf32, #tpu.memory_space<vmem>>, vector<16xf32>,
    }
    %scan3A_227 = arith.constant 32 : i32
    %iota3A = tpu.iota {dimensions = array<i32: 0>} : vector<16xi32>
    %scan3A_228 = arith.constant 0 : i32
    %scan3A_229 = arith.constant 0 : i32
    %scan3A_230 = arith.constant 8 : i32
    %scan3A_231 = arith.addi %scan3A_229, %scan3A_230 : i32
    %scan3A_232 = arith.constant 1 : i32
    scf.for %scan3A_234 = %scan3A_229 to %scan3A_231 step %scan3A_232  : i32 {
      %mul3A_235 = arith.constant 16 : i32
      %mul3A_236 = arith.muli %scan3A_234, %mul3A_235 : i32
      %add3A_237 = vector.broadcast %mul3A_236 : i32 to vector<16xi32>
      %add3A_238 = arith.addi %iota3A, %add3A_237 : vector<16xi32>
      %broadcast_in_dim3A = arith.constant 0.000000e+00 : f32
      %broadcast_in_dim3A_239 = vector.broadcast %broadcast_in_dim3A : f32 to vector<16xf32>
      %scan3A_240 = arith.constant 0 : i32
      %scan3A_241 = arith.constant 16 : i32
      %scan3A_242 = arith.addi %scan3A_240, %scan3A_241 : i32
      %scan3A_243 = arith.constant 1 : i32
      %scan3A_244 = scf.for %scan3A_251 = %scan3A_240 to %scan3A_242 step %scan3A_243 iter_args(%scan3A_252 = %broadcast_in_dim3A_239) -> (vector<16xf32>)  : i32 {
        %broadcast_in_dim3A_253 = vector.broadcast %scan3A_251 : i32 to vector<16xi32>
        %gather3A = tpu.vector_load_idx %arg14[%add3A_238, %broadcast_in_dim3A_253] : memref<128x16xf32, #tpu.memory_space<vmem>>[vector<16xi32>, vector<16xi32>], vector<16xf32>,
        %add3A_254 = arith.addf %scan3A_252, %gather3A : vector<16xf32>
        scf.yield %add3A_254 : vector<16xf32>
      }
      %scan3A_245 = arith.constant 16 : i32
      %neg3A = arith.constant 0.000000e+00 : f32
      %neg3A_246 = vector.broadcast %neg3A : f32 to vector<16xf32>
      %neg3A_247 = arith.subf %neg3A_246, %scan3A_244 : vector<16xf32>
      %mul3A_248 = arith.constant 16 : i32
      %mul3A_249 = arith.muli %scan3A_234, %mul3A_248 : i32
      %swap3A = arith.index_cast %mul3A_249 : i32 to index
      %swap3A_250 = tpu.vector_load %arg15[%swap3A] {strides = array<i32>} : memref<128xf32, #tpu.memory_space<vmem>>, vector<16xf32>,
      tpu.vector_store %arg15[%swap3A], %neg3A_247 {strides = array<i32>} : memref<128xf32, #tpu.memory_space<vmem>>, vector<16xf32>,
    }
    %scan3A_233 = arith.constant 8 : i32
    "tpu.region"() ({
      %run_scoped3A = tpu.sem_alloc : memref<!tpu.dma_semaphore, #tpu.memory_space<semaphore_mem>>
      %dma_start3A_234 = tpu.memref_slice %arg7[%mul3A_2] : memref<4096xf32, #tpu.memory_space<hbm>> -> memref<128xf32, #tpu.memory_space<hbm>>
      %dma_start3A_235 = tpu.memref_slice %arg7[%mul3A_2] : memref<4096xf32, #tpu.memory_space<hbm>> -> memref<128xf32, #tpu.memory_space<hbm>>
      tpu.enqueue_dma source(%arg15 : memref<128xf32, #tpu.memory_space<vmem>>) target(%dma_start3A_235 : memref<128xf32, #tpu.memory_space<hbm>>) target_semaphore(%run_scoped3A : memref<!tpu.dma_semaphore, #tpu.memory_space<semaphore_mem>>)
      %dma_wait3A_236 = tpu.memref_slice %arg7[%mul3A_2] : memref<4096xf32, #tpu.memory_space<hbm>> -> memref<128xf32, #tpu.memory_space<hbm>>
      %dma_wait3A_237 = tpu.memref_slice %arg7[%mul3A_2] : memref<4096xf32, #tpu.memory_space<hbm>> -> memref<128xf32, #tpu.memory_space<hbm>>
      tpu.wait_dma2 semaphore(%run_scoped3A : memref<!tpu.dma_semaphore, #tpu.memory_space<semaphore_mem>>) src(%arg15 : memref<128xf32, #tpu.memory_space<vmem>>) dst(%dma_wait3A_237 : memref<128xf32, #tpu.memory_space<hbm>>)
      tpu.yield
    }) : () -> ()
    return
  }
}

</mosaic_0001>

<sc_bundles>
// kernel: kernel.3.cloned.1.call-start
scs
__scs_entry_jumppad:
0x0: {  	(pc) =	sbr.rel $0x88, $3  }
0x1: {  	(tag) =	ssettag $0x0;
	lr =	simm.s32 $0x1  }
0x2: {  	[smem:$0x3F9C] =	sst lr;
	_ =	strace $0xD0000000  }
0x3: {  	_ = 	snop  }
0x4: {  	_ = 	snop  }
0x5: {  	_ = 	snop  }
0x6: {  	_ = 	snop  }
0x7: {  	_ = 	snop  }
__scs_overlays_trampoline_lowered:
0x8: {  	[smem:$0x3FAB] =	sst s0  }
0x9: {  	[smem:$0x3FAC] =	sst s1  }
0xa: {  	[smem:$0x3FAD] =	sst s2  }
0xb: {  	[smem:$0x3FAE] =	sst s3  }
0xc: {  	[smem:$0x3FAF] =	sst s4  }
0xd: {  	[smem:$0x3FB0] =	sst s5  }
0xe: {  	[smem:$0x3FB1] =	sst s6  }
0xf: {  	[smem:$0x3FB2] =	sst s7  }
0x10: {  	[smem:$0x3FB3] =	sst s8  }
0x11: {  	[smem:$0x3FB4] =	sst s9;
	s0 =	simm.s32 @!p0 $0x0  }
0x12: {  	s1 =	sld [smem:$0x3F9A];
	s0 =	simm.s32 @p0 $0x1  }
0x13: {  	[smem:$0x3FB5] =	sst s0;
	s0 =	simm.s32 @!p1 $0x0  }
0x14: {  	s2 =	sld [smem:$0x3F99];
	s0 =	simm.s32 @p1 $0x1  }
0x15: {  	[smem:$0x3FB6] =	sst s0;
	s0 =	simm.s32 @!p2 $0x0  }
0x16: {  	s3 =	sld [smem:$0x3FDB];
	s0 =	simm.s32 @p2 $0x1  }
0x17: {  	s4 =	simm.s32 $0x1BF5;
	[smem:$0x3FB8] =	sst s0  }
0x18: {  	s0 =	sld [smem:$0x3F9B];
	_ =	swait.ge [sflag:s4], $0x0  }
0x19: {  	s7 =	sld [smem:$0x3F9C]  }
0x1a: {  	s8 =	sadd.s32 $0xFFFFE003, lr  }
0x1b: {  	s9 =	sadd.s32 $0xFFFFFEF7, lr;
	s5 =	simm.s32 $0xFFFFFFFF;
	p2 =	slt.u32 s8, $0xFFFFF086  }
0x1c: {  	p1 =	slt.u32 s9, $0xF7A;
	s5 =	simm.s32 @!p2 $0x0  }
0x1d: {  	s5 =	simm.s32 @p1 $0x1;
	p0 =	seq.s32 s7, s2  }
0x1e: {  	s7 =	smul.u32 @!p0 $0xF7A, s2;
	p2 =	seq.s32 @!p0 s5, $0x0  }
0x1f: {  	s9 =	smul.u32 $0xF7A, s1;
	s8 =	simm.s32 @!p0 $0x1BF5;
	p2 =	por !p2, p0  }
0x20: {  	[sflag:s8] =	ssyncset.s32 @!p0 $0xFFFFF086;
	s6 =	sadd.s32 @!p0 s3, s7;
	s7 =	simm.s32 @!p0 $0x108  }
0x21: {  	s3 =	sadd.s32 s3, s9;
	s6 =	sadd.s32 @!p0 $0x88, s6;
	s7 =	simm.s32 @p2 $0x1082  }
0x22: {  	[simem:s7], [sflag:s8] =	dma.local @!p0 [hbm:s6], $0xF7A  }
0x23: {  	s9 =	sor.u32 $0xD0000000, s2;
	s6 =	simm.s32 $0x108;
	_ =	swait.ge @!p0 [sflag:s8], $0x0  }
0x24: {  	s3 =	sadd.s32 $0x88, s3;
	s6 =	simm.s32 @!p1 $0x1082;
	[sflag:s4] =	ssyncset.s32 $0xFFFFF086  }
0x25: {  	[simem:s6], [sflag:s4] =	dma.local [hbm:s3], $0xF7A  }
0x26: {  	[smem:$0x3F9C] =	sst s1;
	(tag) =	ssettag s2;
	_ =	strace s9  }
0x27: {  	s1 =	sld [smem:$0x3FAC]  }
0x28: {  	s2 =	sld [smem:$0x3FAD]  }
0x29: {  	s4 =	sld [smem:$0x3FAF]  }
0x2a: {  	p0 =	seq.s32 s5, $0x0;
	s5 =	sld [smem:$0x3FB0]  }
0x2b: {  	s6 =	sld [smem:$0x3FB1]  }
0x2c: {  	s7 =	sld [smem:$0x3FB2]  }
0x2d: {  	s3 =	simm.s32 $0x108;
	s8 =	sld [smem:$0x3FB3]  }
0x2e: {  	s3 =	simm.s32 @!p0 $0x1082;
	s9 =	sld [smem:$0x3FB4]  }
0x2f: {  	lr =	sadd.s32 s0, s3;
	s0 =	sld [smem:$0x3FAB]  }
0x30: {  	s3 =	sld [smem:$0x3FAE]  }
0x31: {  	[smem:$0x3FB7] =	sst s10  }
0x32: {  	s10 =	sld [smem:$0x3FB5];
	_ =	sdelay $0x3  }
0x33: {  	p0 =	seq.s32 s10, $0x1;
	s10 =	sld [smem:$0x3FB7];
	_ =	sdelay $0x3  }
0x34: {  	[smem:$0x3FB7] =	sst s10  }
0x35: {  	s10 =	sld [smem:$0x3FB6];
	_ =	sdelay $0x3  }
0x36: {  	p1 =	seq.s32 s10, $0x1;
	s10 =	sld [smem:$0x3FB7];
	_ =	sdelay $0x3  }
0x37: {  	[smem:$0x3FB7] =	sst s10  }
0x38: {  	s10 =	sld [smem:$0x3FB8]  }
0x39: {  	_ = 	snop;
	(pc) =	sbr.ind lr, $3  }
0x3a: {  	_ = 	snop  }
0x3b: {  	_ = 	snop  }
0x3c: {  	p2 =	seq.s32 s10, $0x1;
	s10 =	sld [smem:$0x3FB7]  }
0x3d: {  	_ =	shalt  }
0x3e: {  	_ =	shalt  }
0x3f: {  	_ =	shalt  }
0x40: {  	_ =	shalt  }
0x41: {  	_ =	shalt  }
0x42: {  	_ =	shalt  }
0x43: {  	_ =	shalt  }
0x44: {  	_ =	shalt  }
0x45: {  	_ =	shalt  }
0x46: {  	_ =	shalt  }
0x47: {  	_ =	shalt  }
0x48: {  	_ =	shalt  }
0x49: {  	_ =	shalt  }
0x4a: {  	_ =	shalt  }
0x4b: {  	_ =	shalt  }
0x4c: {  	_ =	shalt  }
0x4d: {  	_ =	shalt  }
0x4e: {  	_ =	shalt  }
0x4f: {  	_ =	shalt  }
0x50: {  	_ =	shalt  }
0x51: {  	_ =	shalt  }
0x52: {  	_ =	shalt  }
0x53: {  	_ =	shalt  }
0x54: {  	_ =	shalt  }
0x55: {  	_ =	shalt  }
0x56: {  	_ =	shalt  }
0x57: {  	_ =	shalt  }
0x58: {  	_ =	shalt  }
0x59: {  	_ =	shalt  }
0x5a: {  	_ =	shalt  }
0x5b: {  	_ =	shalt  }
0x5c: {  	_ =	shalt  }
0x5d: {  	_ =	shalt  }
0x5e: {  	_ =	shalt  }
0x5f: {  	_ =	shalt  }
0x60: {  	_ =	shalt  }
0x61: {  	_ =	shalt  }
0x62: {  	_ =	shalt  }
0x63: {  	_ =	shalt  }
0x64: {  	_ =	shalt  }
0x65: {  	_ =	shalt  }
0x66: {  	_ =	shalt  }
0x67: {  	_ =	shalt  }
0x68: {  	_ =	shalt  }
0x69: {  	_ =	shalt  }
0x6a: {  	_ =	shalt  }
0x6b: {  	_ =	shalt  }
0x6c: {  	_ =	shalt  }
0x6d: {  	_ =	shalt  }
0x6e: {  	_ =	shalt  }
0x6f: {  	_ =	shalt  }
0x70: {  	_ =	shalt  }
0x71: {  	_ =	shalt  }
0x72: {  	_ =	shalt  }
0x73: {  	_ =	shalt  }
0x74: {  	_ =	shalt  }
0x75: {  	_ =	shalt  }
0x76: {  	_ =	shalt  }
0x77: {  	_ =	shalt  }
0x78: {  	_ =	shalt  }
0x79: {  	_ =	shalt  }
0x7a: {  	_ =	shalt  }
0x7b: {  	_ =	shalt  }
0x7c: {  	_ =	shalt  }
0x7d: {  	_ =	shalt  }
0x7e: {  	_ =	shalt  }
0x7f: {  	_ =	shalt  }
0x80: {  	_ =	shalt  }
0x81: {  	_ =	shalt  }
0x82: {  	_ =	shalt  }
0x83: {  	_ =	shalt  }
0x84: {  	_ =	shalt  }
0x85: {  	_ =	shalt  }
0x86: {  	_ =	shalt  }
0x87: {  	_ =	shalt  }
.Lfunc_end0:
.L_simem_size_0:
called_computation_lowered:
.L_overlay_start_0:
0x88: {  	s2 =	sld [smem:$0x3FD9]  }
0x89: {  	s3 =	sld [smem:$0x3FFE];
	_ =	sdelay $0x1  }
0x8a: {  	s1 =	srdreg.scid  }
0x8b: {  	s0 =	sand.u32 $0x1, s1  }
0x8c: {  	s17 =	sshll.u32 s0, $0xA;
	s2 =	sadd.s32 s3, s2  }
0x8d: {  	s2 =	sadd.s32 s2, s17  }
0x8e: {  	[smem:$0x3FC3] =	sst s2  }
0x8f: {  	_ = 	snop  }
0x90: {  	s2 =	sld [smem:$0x3FC9]  }
0x91: {  	s18 =	sld [smem:$0x3FC8]  }
0x92: {  	s4 =	sld [smem:$0x3FC7]  }
0x93: {  	s5 =	sld [smem:$0x3FC6]  }
0x94: {  	s6 =	sld [smem:$0x3FD0];
	(tm) =	ssettm $0x1  }
0x95: {  	s7 =	sld [smem:$0x3FFB];
	_ =	sdelay $0x3  }
0x96: {  	_ =	strace s7  }
0x97: {  	s7 =	sld [smem:$0x3FFC];
	_ =	sdelay $0x3  }
0x98: {  	_ =	strace s7  }
0x99: {  	s7 =	sld [smem:$0x3FFD];
	_ =	sdelay $0x3  }
0x9a: {  	_ =	strace s7  }
0x9b: {  	_ =	strace $0x8FFFFFFF  }
0x9c: {  	s19 =	sld [smem:$0x3FDB];
	_ =	sdelay $0x1  }
0x9d: {  	s8 =	simm.s32 $_scs_section_size  }
0x9e: {  	s9 =	simm.s32 $_size__tile_overlayer_lowered;
	s10 =	simm.s32 $_tile_overlayer_lowered  }
0x9f: {  	s22 =	simm.s32 $0x1BFF;
	s21 =	sshll.u32 s10, $0x1;
	s7 =	sadd.s32 s8, s19  }
0xa0: {  	s11 =	simm.s32 $0x0;
	s20 =	sshll.u32 s9, $0x1;
	s9 =	sadd.s32 s21, s7  }
0xa1: {  	[timem:s11], [sflag:s22] =	dma.local [hbm:s9], s20  }
0xa2: {  	_ =	swait.ge [sflag:s22], s20  }
0xa3: {  	s8 =	ssub.s32 $0x0, s20;
	[sflag:s22] =	ssyncset.done $0x0  }
0xa4: {  	[sflag:s22] =	ssyncadd.s32 s8;
	_ =	sdelay $0x1  }
0xa5: {  	s23 =	simm.s32 $0x1B8B  }
0xa6: {  	_ =	swait.ge [sflag:s23], $0x1  }
0xa7: {  	[sflag:s23] =	ssyncset.done $0x0  }
0xa8: {  	s25 =	simm.s32 $0x1B8E;
	s24 =	sld [smem:$0x3FFE];
	[sflag:s23] =	ssyncadd.s32 $0xFFFFFFFF  }
0xa9: {  	s26 =	simm.s32 $execute0_lowered;
	[smem:$0x3FD2] =	sst s25  }
0xaa: {  	s9 =	sshll.u32 s26, $0x1;
	_ =	strace $0x80000046;
	[dreg:$0x1] =	wrdreg $0xFFFFFFFF  }
0xab: {  	s28 =	simm.s32 $_size_execute0_lowered;
	s7 =	sadd.s32 s7, s9;
	[dreg:$0x0] =	wrdreg $0x0  }
0xac: {  	s9 =	sshll.u32 s28, $0x1;
	[dreg:$0x2] =	wrdreg s7  }
0xad: {  	[dreg:$0x3] =	wrdreg s9  }
0xae: {  	[dreg:$0x4] =	wrdreg $0xC0  }
0xaf: {  	_ =	task [dreg:s11], $0x5FFFF  }
0xb0: {  	[dreg:$0x1] =	wrdreg $0xFFFFFFFF  }
0xb1: {  	[dreg:$0x0] =	wrdreg $0x60  }
0xb2: {  	[dreg:$0x2] =	wrdreg s2  }
0xb3: {  	[dreg:$0x3] =	wrdreg s18  }
0xb4: {  	[dreg:$0x4] =	wrdreg s4  }
0xb5: {  	[dreg:$0x5] =	wrdreg s5  }
0xb6: {  	[dreg:$0x6] =	wrdreg s24  }
0xb7: {  	[dreg:$0x7] =	wrdreg s6  }
0xb8: {  	[dreg:$0x8] =	wrdreg $0x9  }
0xb9: {  	_ =	task.clear_ibuf [dreg:s11], $0x9FFFF;
	_ =	strace $0x90000046  }
0xba: {  	s29 =	simm.s32 $0x9;
	_ =	strace $0x80000048  }
0xbb: {  	_ =	swait.ge [sflag:s29], $0x1  }
0xbc: {  	[sflag:s29] =	ssyncadd.s32 $0xFFFFFFFF  }
0xbd: {  	_ =	strace $0x90000048  }
0xbe: {  	_ =	sfence  }
0xbf: {  	s30 =	sld [smem:$0x0];
	_ =	sdelay $0x2  }
0xc0: {  	s31 =	sshll.u32 s1, $0xD;
	s1 =	sshrl.u32 s1, $0x2  }
0xc1: {  	s3 =	sand.u32 $0x4000, s31;
	s1 =	sadd.s32 s1, s30  }
0xc2: {  	s0 =	sor.u32 s3, s0;
	s1 =	sshll.u32 s1, $0x11  }
0xc3: {  	s0 =	sor.u32 s1, s0  }
0xc4: {  	s0 =	sadd.s32 $0x8F2B, s0  }
0xc5: {  	[sflag:s0] =	ssyncadd.remote.s32 $0x1  }
0xc6: {  	_ =	sfence.sel $0xFFFF  }
0xc7: {  	[dreg:$0x0] =	wrdreg $0xFFFFFFFF;
	(pc) =	sbr.abs _section_cstart, $3  }
0xc8: {  	[dreg:$0x1] =	wrdreg $0xFFFFFFFF  }
0xc9: {  	_ =	task.clear_ibuf [dreg:s11], $0x2FFFF;
	_ =	strace $0x9FFFFFFF  }
0xca: {  	(tm) =	ssettm $0x7FFFFFFF  }
0xcb: {  	_ =	shalt  }
tec
execute0_lowered:
.L_overlay_start_1:
0x0: {  	(tag) =	ssettag $0x1  }
0x1: {  	s0 =	rddreg [dreg:$0x0]  }
0x2: {  	s3 =	rddreg [dreg:$0x1]  }
0x3: {  	s6 =	rddreg [dreg:$0x2]  }
0x4: {  	s1 =	rddreg [dreg:$0x3]  }
0x5: {  	s4 =	rddreg [dreg:$0x4]  }
0x6: {  	s8 =	rddreg [dreg:$0x5];
	s2 =	simm.s32 $0x0;
	s5 =	srdreg.scid  }
0x7: {  	s10 =	stileid.u32;
	s11 =	simm.s32 $0x80;
	s12 =	simm.s32 $0x5  }
0x8: {  	s13 =	simm.s32 $0x20;
	s20 =	simm.s32 $0x6;
	s29 =	simm.s32 $0x7  }
0x9: {  	s14 =	simm.s32 $0x9180;
	s15 =	simm.s32 $0xE0;
	s16 =	simm.s32 $0x9980  }
0xa: {  	s17 =	simm.s32 $0x1;
	s18 =	simm.s32 $0x2;
	s19 =	simm.s32 $0x3  }
0xb: {  	s21 =	simm.s32 $0x4;
	s22 =	simm.s32 $0xA180;
	s23 =	simm.s32 $0xA980  }
0xc: {  	s24 =	simm.s32 $0x8;
	s25 =	simm.s32 $0x0;
	s5 =	sand.u32 $0x1, s5  }
0xd: {  	[smem:$0x7FF] =	sst s2;
	s10 =	sshll.u32 s10, $0x5;
	s7 =	ssub.s32 $0x2, s5  }
0xe: {  	s4 =	sadd.s32 $0x400, s4;
	s5 =	sshll.u32 s5, $0x4;
	s9 =	sshrl.u32 s7, $0x1  }
0xf: {  	_ =	strace $0x80000047;
	s10 =	sor.u32 s5, s10;
	s9 =	ssub.s32 s7, s9  }
0x10: {  	v0 =	vlaneseq.u32;
	s5 =	sadd.s32 s0, s10;
	s6 =	sadd.s32 s6, s10;
	s7 =	sadd.s32 s3, s10  }
0x11: {  	v0 =	vmul.u32 $0x10, v0;
	s8 =	sadd.s32 s8, s10;
	s10 =	simm.s32 $0x100;
	s9 =	smax.u32 s9, $0x1  }
.LBB2_1:
0x12: {  	[tilespmem:s2], [sflag:$0x5] =	stream.linear.gather [hbm4b:s5+s2], $0x80, $0x38;
	[tilespmem:$0xAA00] =	vst v63  }
0x13: {  	_ = 	snop  }
0x14: {  	[tilespmem:s10], [sflag:$0x6] =	stream.linear.gather [hbm4b:s6+s2], $0x80, $0x38;
	[tilespmem:$0xAA00] =	vst v63  }
0x15: {  	_ = 	snop  }
0x16: {  	[tilespmem:s11], [sflag:$0x7] =	stream.linear.gather [hbm4b:s7+s2], $0x80, $0x38;
	[tilespmem:$0xAA00] =	vst v63  }
0x17: {  	_ =	swait.ge [sflag:s12], $0x80  }
0x18: {  	[sflag:s12] =	ssyncset.done $0x0  }
0x19: {  	s0 =	simm.s32 $0x180;
	[sflag:s12] =	ssyncadd.s32 $0xFFFFFF80  }
0x1a: {  	[tilespmem:s0], [sflag:$0x1] =	stream.indirect.gather [hbm4b:s1+s13], $0x80, s2, s13, $0xb8;
	[tilespmem:$0xAA00] =	vst v63  }
0x1b: {  	s26 =	simm.s32 $0x1180  }
0x1c: {  	[tilespmem:s26], [sflag:$0x2] =	stream.indirect.gather [hbm4b:s1+s13], $0x80, s13, s13, $0xb8;
	[tilespmem:$0xAA00] =	vst v63  }
0x1d: {  	s31 =	simm.s32 $0x40;
	s3 =	simm.s32 $0x2180  }
0x1e: {  	[tilespmem:s3], [sflag:$0x3] =	stream.indirect.gather [hbm4b:s1+s13], $0x80, s31, s13, $0xb8;
	[tilespmem:$0xAA00] =	vst v63  }
0x1f: {  	s26 =	simm.s32 $0x60;
	s31 =	simm.s32 $0x3180  }
0x20: {  	[tilespmem:s31], [sflag:$0x4] =	stream.indirect.gather [hbm4b:s1+s13], $0x80, s26, s13, $0xb8;
	[tilespmem:$0xAA00] =	vst v63  }
0x21: {  	_ =	swait.ge [sflag:s20], $0x80  }
0x22: {  	[sflag:s20] =	ssyncset.done $0x0  }
0x23: {  	s3 =	simm.s32 $0x4180;
	[sflag:s20] =	ssyncadd.s32 $0xFFFFFF80  }
0x24: {  	[tilespmem:s3], [sflag:$0x1] =	stream.indirect.gather [hbm4b:s1+s13], $0x80, s10, s13, $0xb8;
	[tilespmem:$0xAA00] =	vst v63  }
0x25: {  	s26 =	simm.s32 $0x120;
	s31 =	simm.s32 $0x5180  }
0x26: {  	[tilespmem:s31], [sflag:$0x2] =	stream.indirect.gather [hbm4b:s1+s13], $0x80, s26, s13, $0xb8;
	[tilespmem:$0xAA00] =	vst v63  }
0x27: {  	s26 =	simm.s32 $0x140;
	s31 =	simm.s32 $0x6180  }
0x28: {  	[tilespmem:s31], [sflag:$0x3] =	stream.indirect.gather [hbm4b:s1+s13], $0x80, s26, s13, $0xb8;
	[tilespmem:$0xAA00] =	vst v63  }
0x29: {  	s26 =	simm.s32 $0x160;
	s31 =	simm.s32 $0x7180  }
0x2a: {  	[tilespmem:s31], [sflag:$0x4] =	stream.indirect.gather [hbm4b:s1+s13], $0x80, s26, s13, $0xb8;
	[tilespmem:$0xAA00] =	vst v63  }
0x2b: {  	_ =	swait.ge [sflag:s29], $0x80  }
0x2c: {  	[sflag:s29] =	ssyncset.done $0x0  }
0x2d: {  	s3 =	simm.s32 $0x8180;
	[sflag:s29] =	ssyncadd.s32 $0xFFFFFF80  }
0x2e: {  	[tilespmem:s3], [sflag:$0x1] =	stream.indirect.gather [hbm4b:s4+s13], $0x40, s11, s13, $0xb8;
	[tilespmem:$0xAA00] =	vst v63  }
0x2f: {  	s26 =	simm.s32 $0xA0;
	s31 =	simm.s32 $0x8980  }
0x30: {  	[tilespmem:s31], [sflag:$0x2] =	stream.indirect.gather [hbm4b:s4+s13], $0x40, s26, s13, $0xb8;
	[tilespmem:$0xAA00] =	vst v63  }
0x31: {  	s26 =	simm.s32 $0xC0  }
0x32: {  	[tilespmem:s14], [sflag:$0x3] =	stream.indirect.gather [hbm4b:s4+s13], $0x40, s26, s13, $0xb8;
	[tilespmem:$0xAA00] =	vst v63  }
0x33: {  	_ = 	snop  }
0x34: {  	[tilespmem:s16], [sflag:$0x4] =	stream.indirect.gather [hbm4b:s4+s13], $0x40, s15, s13, $0xb8;
	[tilespmem:$0xAA00] =	vst v63  }
0x35: {  	_ =	swait.ge [sflag:s17], $0x1000  }
0x36: {  	[sflag:s17] =	ssyncset.done $0x0  }
0x37: {  	[sflag:s17] =	ssyncadd.s32 $0xFFFFF000  }
0x38: {  	_ =	swait.ge [sflag:s17], $0x1000  }
0x39: {  	[sflag:s17] =	ssyncset.done $0x0  }
0x3a: {  	[sflag:s17] =	ssyncadd.s32 $0xFFFFF000  }
0x3b: {  	_ =	swait.ge [sflag:s17], $0x800  }
0x3c: {  	[sflag:s17] =	ssyncset.done $0x0  }
0x3d: {  	s26 =	simm.s32 $0x81A0;
	[sflag:s17] =	ssyncadd.s32 $0xFFFFF800  }
0x3e: {  	v1 =	vld [tilespmem:s26+$0x10]  }
0x3f: {  	v2 =	vld [tilespmem:s26+$0xFFFFFFE0]  }
0x40: {  	v3 =	vld [tilespmem:s26+$0xFFFFFFF0]  }
0x41: {  	v4 =	vld [tilespmem:s26+$0x0];
	_ =	sdelay $0x3  }
0x42: {  	v1 =	vmul.f32 $1.436156650e+01, v1;
	v2 =	vmul.f32 $1.436156650e+01, v2  }
0x43: {  	v3 =	vmul.f32 $1.436156650e+01, v3;
	v4 =	vmul.f32 $1.436156650e+01, v4  }
0x44: {  	v5 =	vmul.f32 v1, v1;
	v6 =	vmul.f32 v2, v2  }
0x45: {  	v9 =	vmul.f32 v3, v3;
	v14 =	vmul.f32 v4, v4  }
0x46: {  	v7 =	vmul.f32 $1.724506760e-09, v5;
	v8 =	vmul.f32 $1.724506760e-09, v6  }
0x47: {  	v10 =	vmul.f32 $2.069806730e-08, v6;
	v11 =	vmul.f32 $2.069806730e-08, v5  }
0x48: {  	v12 =	vmul.f32 $1.724506760e-09, v9;
	v13 =	vmul.f32 $2.069806730e-08, v9  }
0x49: {  	v15 =	vmul.f32 $2.069806730e-08, v14;
	v7 =	vadd.f32 $-2.707902520e-07, v7;
	v8 =	vadd.f32 $-2.707902520e-07, v8  }
0x4a: {  	v16 =	vmul.f32 $1.724506760e-09, v14;
	v10 =	vsub.f32 $2.708829470e-06, v10;
	v11 =	vsub.f32 $2.708829470e-06, v11  }
0x4b: {  	v12 =	vadd.f32 $-2.707902520e-07, v12;
	v13 =	vsub.f32 $2.708829470e-06, v13;
	v7 =	vmul.f32 v7, v5  }
0x4c: {  	v15 =	vsub.f32 $2.708829470e-06, v15;
	v10 =	vmul.f32 v10, v6;
	v11 =	vmul.f32 v11, v5  }
0x4d: {  	v16 =	vadd.f32 $-2.707902520e-07, v16;
	v8 =	vmul.f32 v8, v6;
	v12 =	vmul.f32 v12, v9  }
0x4e: {  	v13 =	vmul.f32 v13, v9;
	v10 =	vadd.f32 $-1.981762910e-04, v10;
	v7 =	vadd.f32 $2.476988270e-05, v7  }
0x4f: {  	v15 =	vmul.f32 v15, v14;
	v8 =	vadd.f32 $2.476988270e-05, v8;
	v12 =	vadd.f32 $2.476988270e-05, v12  }
0x50: {  	v16 =	vmul.f32 v16, v14;
	v13 =	vadd.f32 $-1.981762910e-04, v13;
	v11 =	vadd.f32 $-1.981762910e-04, v11  }
0x51: {  	v15 =	vadd.f32 $-1.981762910e-04, v15;
	v10 =	vmul.f32 v10, v6;
	v12 =	vmul.f32 v12, v9  }
0x52: {  	v16 =	vadd.f32 $2.476988270e-05, v16;
	v8 =	vmul.f32 v8, v6;
	v13 =	vmul.f32 v13, v9  }
0x53: {  	v7 =	vmul.f32 v7, v5;
	v15 =	vmul.f32 v15, v14;
	v12 =	vadd.f32 $-1.388780310e-03, v12  }
0x54: {  	v11 =	vmul.f32 v11, v5;
	v13 =	vadd.f32 $8.332791740e-03, v13;
	v10 =	vadd.f32 $8.332791740e-03, v10  }
0x55: {  	v16 =	vmul.f32 v16, v14;
	v8 =	vadd.f32 $-1.388780310e-03, v8;
	v15 =	vadd.f32 $8.332791740e-03, v15  }
0x56: {  	v7 =	vadd.f32 $-1.388780310e-03, v7;
	v12 =	vmul.f32 v12, v9;
	v13 =	vmul.f32 v13, v9  }
0x57: {  	v16 =	vadd.f32 $-1.388780310e-03, v16;
	v10 =	vmul.f32 v10, v6;
	v8 =	vmul.f32 v8, v6  }
0x58: {  	v11 =	vadd.f32 $8.332791740e-03, v11;
	v15 =	vmul.f32 v15, v14;
	v7 =	vmul.f32 v7, v5  }
0x59: {  	v16 =	vmul.f32 v16, v14;
	v13 =	vadd.f32 $-1.666662100e-01, v13;
	v10 =	vadd.f32 $-1.666662100e-01, v10  }
0x5a: {  	v11 =	vmul.f32 v11, v5;
	v8 =	vadd.f32 $4.166648910e-02, v8;
	v15 =	vadd.f32 $-1.666662100e-01, v15  }
0x5b: {  	v7 =	vadd.f32 $4.166648910e-02, v7;
	v16 =	vadd.f32 $4.166648910e-02, v16;
	v13 =	vmul.f32 v13, v9  }
0x5c: {  	v12 =	vadd.f32 $4.166648910e-02, v12;
	v10 =	vmul.f32 v10, v6;
	v8 =	vmul.f32 v8, v6  }
0x5d: {  	s31 =	simm.s32 $0x0;
	v7 =	vmul.f32 v7, v5;
	v16 =	vmul.f32 v16, v14;
	v13 =	vadd.f32 $9.999999400e-01, v13  }
0x5e: {  	v17 =	vld [tilespmem:s31+$0x4190];
	v12 =	vmul.f32 v12, v9;
	v10 =	vadd.f32 $9.999999400e-01, v10;
	v8 =	vadd.f32 $-4.999998810e-01, v8  }
0x5f: {  	v18 =	vld [tilespmem:s31+$0x41C0];
	v15 =	vmul.f32 v15, v14;
	v7 =	vadd.f32 $-4.999998810e-01, v7;
	v16 =	vadd.f32 $-4.999998810e-01, v16  }
0x60: {  	v47 =	vld [tilespmem:s31+$0x4180];
	v12 =	vadd.f32 $-4.999998810e-01, v12;
	v3 =	vmul.f32 v13, v3;
	v2 =	vmul.f32 v10, v2  }
0x61: {  	v19 =	vld [tilespmem:s31+$0x41E0];
	v11 =	vadd.f32 $-1.666662100e-01, v11;
	v6 =	vmul.f32 v8, v6;
	v7 =	vmul.f32 v7, v5  }
0x62: {  	v21 =	vld [tilespmem:s31+$0x180];
	v10 =	vadd.f32 $9.999999400e-01, v15;
	v14 =	vmul.f32 v16, v14;
	v9 =	vmul.f32 v12, v9  }
0x63: {  	v49 =	vld [tilespmem:s31+$0x41B0];
	v5 =	vmul.f32 v11, v5;
	v48 =	vmul.f32 v3, v17  }
0x64: {  	v8 =	vld [tilespmem:s31+$0x41D0];
	v4 =	vmul.f32 v10, v4;
	v6 =	vadd.f32 $1.000000000e+00, v6;
	v20 =	vmul.f32 v2, v18  }
0x65: {  	v54 =	vld [tilespmem:s31+$0x41F0];
	v2 =	vmul.f32 v2, v47;
	v53 =	vadd.f32 $1.000000000e+00, v14;
	v9 =	vadd.f32 $1.000000000e+00, v9  }
0x66: {  	v51 =	vld [tilespmem:s31+$0x1E0];
	v5 =	vadd.f32 $9.999999400e-01, v5;
	v22 =	vmul.f32 v6, v47;
	v52 =	vmul.f32 v4, v19  }
0x67: {  	v10 =	vld [tilespmem:s31+$0x41A0];
	v6 =	vmul.f32 v6, v18;
	v12 =	vmul.f32 v53, v19  }
0x68: {  	v23 =	vld [tilespmem:s31+$0x1C0];
	v7 =	vadd.f32 $1.000000000e+00, v7;
	v17 =	vmul.f32 v9, v17;
	v1 =	vmul.f32 v5, v1  }
0x69: {  	v55 =	vld [tilespmem:s31+$0x1A0];
	v3 =	vmul.f32 v3, v8;
	v8 =	vmul.f32 v9, v8  }
0x6a: {  	v56 =	vld [tilespmem:s31+$0x1D0];
	v2 =	vsub.f32 v6, v2;
	v6 =	vmul.f32 v7, v49;
	v7 =	vmul.f32 v7, v54  }
0x6b: {  	v11 =	vld [tilespmem:s31+$0x190];
	v50 =	vadd.f32 v22, v20;
	v58 =	vmul.f32 v1, v54;
	v59 =	vmul.f32 v1, v49  }
0x6c: {  	v57 =	vld [tilespmem:s31+$0x1B0];
	v4 =	vmul.f32 v4, v10;
	v3 =	vadd.f32 v17, v3;
	v8 =	vsub.f32 v8, v48  }
0x6d: {  	v5 =	vld [tilespmem:s31+$0x1F0];
	v10 =	vmul.f32 v53, v10;
	v13 =	vsub.f32 v50, v21;
	v2 =	vsub.f32 v2, v23  }
0x6e: {  	v6 =	vadd.f32 v6, v58;
	v7 =	vsub.f32 v7, v59  }
0x6f: {  	v9 =	vadd.f32 v10, v52;
	v4 =	vsub.f32 v12, v4  }
0x70: {  	v3 =	vsub.f32 v3, v11;
	v8 =	vsub.f32 v8, v56;
	v10 =	vand.u32 $0x7FFFFFFF, v13  }
0x71: {  	v11 =	vand.u32 $0x7FFFFFFF, v2;
	v9 =	vsub.f32 v9, v55;
	v4 =	vsub.f32 v4, v51  }
0x72: {  	v6 =	vsub.f32 v6, v57;
	v63 =	vsub.f32 v7, v5;
	v60 =	vand.u32 $0x7FFFFFFF, v3  }
0x73: {  	v2 =	vmax.f32 v10, v11;
	v9 =	vand.u32 $0x7FFFFFFF, v9;
	v4 =	vand.u32 $0x7FFFFFFF, v4  }
0x74: {  	v8 =	vand.u32 $0x7FFFFFFF, v8;
	v61 =	vadd.f32 $1.000000000e-30, v2;
	v1 =	vmax.f32 v9, v4  }
0x75: {  	v3 =	vmax.f32 v60, v8;
	v5 =	vmin.f32 v60, v8;
	v62 =	vadd.f32 $1.000000000e-30, v1  }
0x76: {  	v6 =	vand.u32 $0x7FFFFFFF, v6;
	v8 =	vadd.f32 $1.000000000e-30, v3;
	(erf) = vrcp.f32 v61  }
0x77: {  	v7 =	vmin.f32 v9, v4;
	v9 =	vand.u32 $0x7FFFFFFF, v63;
	(erf) = vrcp.f32 v62  }
0x78: {  	v4 =	vmax.f32 v6, v9;
	(erf) = vrcp.f32 v8  }
0x79: {  	s30 =	simm.s32 $0x200;
	s28 =	simm.s32 $0xA180;
	s0 =	simm.s32 $0xA180;
	v6 =	vmin.f32 v6, v9;
	v9 =	vadd.f32 $1.000000000e-30, v4;
	v8 =	vmin.f32 v10, v11  }
.LBB2_2:
0x7a: {  	_ = 	snop  }
0x7b: {  	p0 =	sne.s32 s30, $0x3E00;
	s26 =	sadd.s32 $0x40, s26;
	s0 =	sadd.s32 $0x10, s0  }
0x7c: {  	s31 =	smov.u32 s30;
	s30 =	sadd.s32 $0x200, s30;
	(erf) = vrcp.f32 v9;
	_ =	sdelay $0x2  }
0x7d: {  	v9 =	vpop (erf)  }
0x7e: {  	v8 =	vmul.f32 v9, v8;
	v9 =	vpop (erf)  }
0x7f: {  	v7 =	vmul.f32 v9, v7;
	v9 =	vpop (erf)  }
0x80: {  	v8 =	vmul.f32 v8, v8;
	v5 =	vmul.f32 v9, v5  }
0x81: {  	v7 =	vmul.f32 v7, v7  }
0x82: {  	v8 =	vadd.f32 $1.000000000e+00, v8;
	v5 =	vmul.f32 v5, v5  }
0x83: {  	v7 =	vadd.f32 $1.000000000e+00, v7;
	v9 =	vpop (erf)  }
0x84: {  	v10 =	vmul.f32 $1.035184790e-02, v8;
	v5 =	vadd.f32 $1.000000000e+00, v5;
	v6 =	vmul.f32 v9, v6  }
0x85: {  	v9 =	vmul.f32 $1.035184790e-02, v7  }
0x86: {  	v10 =	vsub.f32 $8.627223220e-02, v10;
	v11 =	vmul.f32 $1.035184790e-02, v5;
	v6 =	vmul.f32 v6, v6  }
0x87: {  	v9 =	vsub.f32 $8.627223220e-02, v9  }
0x88: {  	v10 =	vmul.f32 v10, v8;
	v11 =	vsub.f32 $8.627223220e-02, v11;
	v6 =	vadd.f32 $1.000000000e+00, v6  }
0x89: {  	v9 =	vmul.f32 v9, v7  }
0x8a: {  	v10 =	vadd.f32 $-3.164294960e-01, v10;
	v11 =	vmul.f32 v11, v5;
	v12 =	vmul.f32 $1.035184790e-02, v6  }
0x8b: {  	v9 =	vadd.f32 $-3.164294960e-01, v9  }
0x8c: {  	v10 =	vmul.f32 v10, v8;
	v11 =	vadd.f32 $-3.164294960e-01, v11;
	v12 =	vsub.f32 $8.627223220e-02, v12  }
0x8d: {  	v9 =	vmul.f32 v9, v7  }
0x8e: {  	v10 =	vadd.f32 $9.148544070e-01, v10;
	v11 =	vmul.f32 v11, v5;
	v12 =	vmul.f32 v12, v6  }
0x8f: {  	v9 =	vadd.f32 $9.148544070e-01, v9  }
0x90: {  	v8 =	vmul.f32 v10, v8;
	v10 =	vadd.f32 $9.148544070e-01, v11;
	v11 =	vadd.f32 $-3.164294960e-01, v12  }
0x91: {  	v7 =	vmul.f32 v9, v7  }
0x92: {  	v8 =	vadd.f32 $3.256658320e-01, v8;
	v5 =	vmul.f32 v10, v5;
	v9 =	vmul.f32 v11, v6  }
0x93: {  	v7 =	vadd.f32 $3.256658320e-01, v7  }
0x94: {  	v2 =	vmul.f32 v8, v2;
	v5 =	vadd.f32 $3.256658320e-01, v5;
	v8 =	vadd.f32 $9.148544070e-01, v9  }
0x95: {  	v1 =	vmul.f32 v7, v1  }
0x96: {  	v2 =	vadd.f32 $0.0e+00, v2;
	v3 =	vmul.f32 v5, v3;
	v5 =	vmul.f32 v8, v6;
	_ =	sdelay $0x1  }
0x97: {  	v2 =	vadd.f32 v3, v2;
	v3 =	vadd.f32 $3.256658320e-01, v5;
	_ =	sdelay $0x1  }
0x98: {  	v1 =	vadd.f32 v1, v2;
	v2 =	vmul.f32 v3, v4;
	_ =	sdelay $0x1  }
0x99: {  	v1 =	vadd.f32 v2, v1;
	_ =	sdelay $0x1  }
0x9a: {  	[tilespmem:s28+$0x0] =	vst v1;
	s28 =	smov.u32 s0  }
0x9b: {  	v1 =	vld [tilespmem:s26+$0x10]  }
0x9c: {  	v2 =	vld [tilespmem:s26+$0xFFFFFFE0];
	_ =	sdelay $0x1  }
0x9d: {  	v3 =	vld [tilespmem:s26+$0xFFFFFFF0];
	_ =	sdelay $0x1  }
0x9e: {  	v1 =	vmul.f32 $1.436156650e+01, v1  }
0x9f: {  	v4 =	vmul.f32 $1.436156650e+01, v2;
	v5 =	vld [tilespmem:s26+$0x0]  }
0xa0: {  	v2 =	vmul.f32 v1, v1  }
0xa1: {  	v6 =	vmul.f32 v4, v4;
	v7 =	vmul.f32 $1.436156650e+01, v3  }
0xa2: {  	v8 =	vmul.f32 $1.724506760e-09, v2;
	v9 =	vmul.f32 $2.069806730e-08, v2  }
0xa3: {  	v10 =	vmul.f32 $1.724506760e-09, v6;
	v3 =	vmul.f32 v7, v7  }
0xa4: {  	v11 =	vmul.f32 $2.069806730e-08, v6;
	v5 =	vmul.f32 $1.436156650e+01, v5;
	v8 =	vadd.f32 $-2.707902520e-07, v8  }
0xa5: {  	v9 =	vsub.f32 $2.708829470e-06, v9;
	v10 =	vadd.f32 $-2.707902520e-07, v10;
	v12 =	vmul.f32 $1.724506760e-09, v3  }
0xa6: {  	v11 =	vsub.f32 $2.708829470e-06, v11;
	v13 =	vmul.f32 $2.069806730e-08, v3;
	v8 =	vmul.f32 v8, v2  }
0xa7: {  	v14 =	vmul.f32 v5, v5;
	v9 =	vmul.f32 v9, v2;
	v12 =	vadd.f32 $-2.707902520e-07, v12  }
0xa8: {  	v10 =	vmul.f32 v10, v6;
	v11 =	vmul.f32 v11, v6;
	v13 =	vsub.f32 $2.708829470e-06, v13  }
0xa9: {  	v15 =	vmul.f32 $2.069806730e-08, v14;
	v8 =	vadd.f32 $2.476988270e-05, v8;
	v12 =	vmul.f32 v12, v3  }
0xaa: {  	v10 =	vadd.f32 $2.476988270e-05, v10;
	v11 =	vadd.f32 $-1.981762910e-04, v11;
	v13 =	vmul.f32 v13, v3  }
0xab: {  	v15 =	vsub.f32 $2.708829470e-06, v15;
	v12 =	vadd.f32 $2.476988270e-05, v12  }
0xac: {  	v16 =	vmul.f32 $1.724506760e-09, v14;
	v11 =	vmul.f32 v11, v6;
	v13 =	vadd.f32 $-1.981762910e-04, v13  }
0xad: {  	v9 =	vadd.f32 $-1.981762910e-04, v9;
	v15 =	vmul.f32 v15, v14;
	v12 =	vmul.f32 v12, v3  }
0xae: {  	v16 =	vadd.f32 $-2.707902520e-07, v16;
	v10 =	vmul.f32 v10, v6;
	v13 =	vmul.f32 v13, v3  }
0xaf: {  	v8 =	vmul.f32 v8, v2;
	v9 =	vmul.f32 v9, v2;
	v15 =	vadd.f32 $-1.981762910e-04, v15  }
0xb0: {  	v16 =	vmul.f32 v16, v14;
	v12 =	vadd.f32 $-1.388780310e-03, v12;
	v13 =	vadd.f32 $8.332791740e-03, v13  }
0xb1: {  	v9 =	vadd.f32 $8.332791740e-03, v9;
	v11 =	vadd.f32 $8.332791740e-03, v11;
	v15 =	vmul.f32 v15, v14  }
0xb2: {  	v10 =	vadd.f32 $-1.388780310e-03, v10;
	v12 =	vmul.f32 v12, v3;
	v13 =	vmul.f32 v13, v3  }
0xb3: {  	v16 =	vadd.f32 $2.476988270e-05, v16;
	v11 =	vmul.f32 v11, v6;
	v15 =	vadd.f32 $8.332791740e-03, v15  }
0xb4: {  	v8 =	vadd.f32 $-1.388780310e-03, v8;
	v10 =	vmul.f32 v10, v6;
	v13 =	vadd.f32 $-1.666662100e-01, v13  }
0xb5: {  	v16 =	vmul.f32 v16, v14;
	v11 =	vadd.f32 $-1.666662100e-01, v11;
	v15 =	vmul.f32 v15, v14  }
0xb6: {  	s3 =	sshra.s32 s31, $0x2;
	v8 =	vmul.f32 v8, v2;
	v10 =	vadd.f32 $4.166648910e-02, v10;
	v13 =	vmul.f32 v13, v3  }
0xb7: {  	v16 =	vadd.f32 $-1.388780310e-03, v16;
	v11 =	vmul.f32 v11, v6;
	v15 =	vadd.f32 $-1.666662100e-01, v15;
	v17 =	vld [tilespmem:s3+$0x4190]  }
0xb8: {  	v8 =	vadd.f32 $4.166648910e-02, v8;
	v10 =	vmul.f32 v10, v6;
	v13 =	vadd.f32 $9.999999400e-01, v13  }
0xb9: {  	v16 =	vmul.f32 v16, v14;
	v11 =	vadd.f32 $9.999999400e-01, v11;
	v15 =	vmul.f32 v15, v14;
	v18 =	vld [tilespmem:s3+$0x41C0]  }
0xba: {  	v8 =	vmul.f32 v8, v2;
	v10 =	vadd.f32 $-4.999998810e-01, v10;
	v7 =	vmul.f32 v13, v7;
	v13 =	vld [tilespmem:s3+$0x41D0]  }
0xbb: {  	v16 =	vadd.f32 $4.166648910e-02, v16;
	v4 =	vmul.f32 v11, v4;
	v15 =	vadd.f32 $9.999999400e-01, v15;
	v11 =	vld [tilespmem:s3+$0x4180]  }
0xbc: {  	v6 =	vmul.f32 v10, v6;
	v10 =	vadd.f32 $4.166648910e-02, v12;
	v12 =	vmul.f32 v7, v17;
	v19 =	vld [tilespmem:s3+$0x41E0]  }
0xbd: {  	v8 =	vadd.f32 $-4.999998810e-01, v8;
	v16 =	vmul.f32 v16, v14;
	v5 =	vmul.f32 v15, v5;
	v15 =	vld [tilespmem:s3+$0x41A0]  }
0xbe: {  	v6 =	vadd.f32 $1.000000000e+00, v6;
	v10 =	vmul.f32 v10, v3;
	v20 =	vmul.f32 v4, v18  }
0xbf: {  	v9 =	vmul.f32 v9, v2;
	v8 =	vmul.f32 v8, v2;
	v16 =	vadd.f32 $-4.999998810e-01, v16;
	v21 =	vld [tilespmem:s3+$0x180]  }
0xc0: {  	v7 =	vmul.f32 v7, v13;
	v22 =	vmul.f32 v6, v11  }
0xc1: {  	v10 =	vadd.f32 $-4.999998810e-01, v10;
	v4 =	vmul.f32 v4, v11;
	v11 =	vmul.f32 v16, v14;
	v14 =	vld [tilespmem:s3+$0x41B0]  }
0xc2: {  	v16 =	vadd.f32 v22, v20;
	v20 =	vld [tilespmem:s3+$0x1E0];
	v22 =	vmul.f32 v5, v19;
	v5 =	vmul.f32 v5, v15  }
0xc3: {  	v9 =	vadd.f32 $-1.666662100e-01, v9;
	v3 =	vmul.f32 v10, v3;
	v10 =	vadd.f32 $1.000000000e+00, v11;
	v11 =	vld [tilespmem:s3+$0x41F0]  }
0xc4: {  	v8 =	vadd.f32 $1.000000000e+00, v8;
	v6 =	vmul.f32 v6, v18;
	v23 =	vld [tilespmem:s3+$0x1C0];
	v16 =	vsub.f32 v16, v21  }
0xc5: {  	v2 =	vmul.f32 v9, v2;
	v3 =	vadd.f32 $1.000000000e+00, v3;
	v15 =	vmul.f32 v10, v15;
	v18 =	vld [tilespmem:s3+$0x1A0]  }
0xc6: {  	v4 =	vsub.f32 v6, v4;
	v9 =	vmul.f32 v10, v19;
	v6 =	vld [tilespmem:s3+$0x190];
	v10 =	vmul.f32 v8, v14  }
0xc7: {  	v17 =	vmul.f32 v3, v17;
	v3 =	vmul.f32 v3, v13;
	v13 =	vadd.f32 v15, v22;
	v19 =	vld [tilespmem:s3+$0x1D0]  }
0xc8: {  	v2 =	vadd.f32 $9.999999400e-01, v2;
	v5 =	vsub.f32 v9, v5;
	v8 =	vmul.f32 v8, v11  }
0xc9: {  	v7 =	vadd.f32 v17, v7;
	v4 =	vsub.f32 v4, v23  }
0xca: {  	v3 =	vsub.f32 v3, v12;
	v9 =	vand.u32 $0x7FFFFFFF, v16;
	v12 =	vsub.f32 v13, v18  }
0xcb: {  	v1 =	vmul.f32 v2, v1;
	v13 =	vand.u32 $0x7FFFFFFF, v4;
	v4 =	vsub.f32 v7, v6;
	v6 =	vld [tilespmem:s3+$0x1F0]  }
0xcc: {  	v5 =	vsub.f32 v5, v20;
	v3 =	vsub.f32 v3, v19;
	v7 =	vand.u32 $0x7FFFFFFF, v12;
	v12 =	vld [tilespmem:s3+$0x1B0]  }
0xcd: {  	v14 =	vmul.f32 v1, v14;
	v11 =	vmul.f32 v1, v11;
	v4 =	vand.u32 $0x7FFFFFFF, v4  }
0xce: {  	v16 =	vand.u32 $0x7FFFFFFF, v5;
	v2 =	vmax.f32 v9, v13;
	v15 =	vand.u32 $0x7FFFFFFF, v3  }
0xcf: {  	v10 =	vadd.f32 v10, v11;
	v8 =	vsub.f32 v8, v14;
	v1 =	vmax.f32 v7, v16  }
0xd0: {  	v11 =	vadd.f32 $1.000000000e-30, v2;
	v14 =	vadd.f32 $1.000000000e-30, v1;
	v3 =	vmax.f32 v4, v15  }
.Ltmp0:
0xd1: {  	v5 =	vmin.f32 v4, v15;
	v6 =	vsub.f32 v8, v6;
	v4 =	vsub.f32 v10, v12;
	(pc) =	sbr.rel @p0 .LBB2_2-.Ltmp0, $4  }
0xd2: {  	v7 =	vmin.f32 v7, v16;
	v8 =	vadd.f32 $1.000000000e-30, v3;
	(erf) = vrcp.f32 v11  }
0xd3: {  	v6 =	vand.u32 $0x7FFFFFFF, v6;
	v10 =	vand.u32 $0x7FFFFFFF, v4;
	(erf) = vrcp.f32 v14  }
0xd4: {  	v4 =	vmax.f32 v10, v6;
	v6 =	vmin.f32 v10, v6;
	(erf) = vrcp.f32 v8  }
0xd5: {  	v8 =	vmin.f32 v9, v13;
	v9 =	vadd.f32 $1.000000000e-30, v4  }
0xd6: {  	_ =	sdelay $0x1  }
0xd7: {  	(erf) = vrcp.f32 v9;
	_ =	sdelay $0x2  }
0xd8: {  	v9 =	vpop (erf)  }
0xd9: {  	v8 =	vmul.f32 v9, v8;
	v9 =	vpop (erf)  }
0xda: {  	v10 =	vpop (erf)  }
0xdb: {  	v8 =	vmul.f32 v8, v8;
	v5 =	vmul.f32 v10, v5  }
0xdc: {  	v7 =	vmul.f32 v9, v7  }
0xdd: {  	v8 =	vadd.f32 $1.000000000e+00, v8;
	v5 =	vmul.f32 v5, v5  }
0xde: {  	v7 =	vmul.f32 v7, v7;
	v9 =	vpop (erf)  }
0xdf: {  	v6 =	vmul.f32 v9, v6;
	v10 =	vmul.f32 $1.035184790e-02, v8;
	v5 =	vadd.f32 $1.000000000e+00, v5  }
0xe0: {  	v7 =	vadd.f32 $1.000000000e+00, v7  }
0xe1: {  	v6 =	vmul.f32 v6, v6;
	v9 =	vsub.f32 $8.627223220e-02, v10;
	v10 =	vmul.f32 $1.035184790e-02, v5  }
0xe2: {  	v11 =	vmul.f32 $1.035184790e-02, v7  }
0xe3: {  	v6 =	vadd.f32 $1.000000000e+00, v6;
	v9 =	vmul.f32 v9, v8;
	v10 =	vsub.f32 $8.627223220e-02, v10  }
0xe4: {  	v11 =	vsub.f32 $8.627223220e-02, v11  }
0xe5: {  	v12 =	vmul.f32 $1.035184790e-02, v6;
	v9 =	vadd.f32 $-3.164294960e-01, v9;
	v10 =	vmul.f32 v10, v5  }
0xe6: {  	v11 =	vmul.f32 v11, v7  }
0xe7: {  	v12 =	vsub.f32 $8.627223220e-02, v12;
	v9 =	vmul.f32 v9, v8;
	v10 =	vadd.f32 $-3.164294960e-01, v10  }
0xe8: {  	v11 =	vadd.f32 $-3.164294960e-01, v11  }
0xe9: {  	v12 =	vmul.f32 v12, v6;
	v9 =	vadd.f32 $9.148544070e-01, v9;
	v10 =	vmul.f32 v10, v5  }
0xea: {  	v11 =	vmul.f32 v11, v7  }
0xeb: {  	v8 =	vmul.f32 v9, v8;
	v9 =	vadd.f32 $9.148544070e-01, v10;
	v10 =	vadd.f32 $-3.164294960e-01, v12  }
0xec: {  	v11 =	vadd.f32 $9.148544070e-01, v11  }
0xed: {  	v8 =	vadd.f32 $3.256658320e-01, v8;
	v5 =	vmul.f32 v9, v5;
	v9 =	vmul.f32 v10, v6  }
0xee: {  	v7 =	vmul.f32 v11, v7  }
0xef: {  	v2 =	vmul.f32 v8, v2;
	v5 =	vadd.f32 $3.256658320e-01, v5;
	v8 =	vadd.f32 $9.148544070e-01, v9  }
0xf0: {  	v7 =	vadd.f32 $3.256658320e-01, v7  }
0xf1: {  	v2 =	vadd.f32 $0.0e+00, v2;
	v3 =	vmul.f32 v5, v3;
	v5 =	vmul.f32 v8, v6;
	_ =	sdelay $0x1  }
0xf2: {  	v1 =	vmul.f32 v7, v1;
	v2 =	vadd.f32 v3, v2;
	v3 =	vadd.f32 $3.256658320e-01, v5;
	_ =	sdelay $0x1  }
0xf3: {  	v1 =	vadd.f32 v1, v2;
	v2 =	vmul.f32 v3, v4;
	_ =	sdelay $0x1  }
0xf4: {  	v1 =	vadd.f32 v2, v1;
	_ =	sdelay $0x1  }
0xf5: {  	[tilespmem:s28+$0x0] =	vst v1  }
0xf6: {  	_ =	swait.ge [sflag:s18], $0x1000  }
0xf7: {  	[sflag:s18] =	ssyncset.done $0x0  }
0xf8: {  	[sflag:s18] =	ssyncadd.s32 $0xFFFFF000  }
0xf9: {  	_ =	swait.ge [sflag:s18], $0x1000  }
0xfa: {  	[sflag:s18] =	ssyncset.done $0x0  }
0xfb: {  	[sflag:s18] =	ssyncadd.s32 $0xFFFFF000  }
0xfc: {  	_ =	swait.ge [sflag:s18], $0x800  }
0xfd: {  	[sflag:s18] =	ssyncset.done $0x0  }
0xfe: {  	s26 =	simm.s32 $0x89B0;
	[sflag:s18] =	ssyncadd.s32 $0xFFFFF800  }
0xff: {  	v1 =	vld [tilespmem:s26+$0x0]  }
0x100: {  	v2 =	vld [tilespmem:s26+$0xFFFFFFD0]  }
0x101: {  	v3 =	vld [tilespmem:s26+$0xFFFFFFE0]  }
0x102: {  	v4 =	vld [tilespmem:s26+$0xFFFFFFF0];
	_ =	sdelay $0x3  }
0x103: {  	v1 =	vmul.f32 $1.436156650e+01, v1;
	v2 =	vmul.f32 $1.436156650e+01, v2  }
0x104: {  	v3 =	vmul.f32 $1.436156650e+01, v3;
	v4 =	vmul.f32 $1.436156650e+01, v4  }
0x105: {  	v5 =	vmul.f32 v1, v1;
	v6 =	vmul.f32 v2, v2  }
0x106: {  	v9 =	vmul.f32 v3, v3;
	v14 =	vmul.f32 v4, v4  }
0x107: {  	v7 =	vmul.f32 $1.724506760e-09, v5;
	v8 =	vmul.f32 $1.724506760e-09, v6  }
0x108: {  	v10 =	vmul.f32 $2.069806730e-08, v6;
	v11 =	vmul.f32 $2.069806730e-08, v5  }
0x109: {  	v46 =	vmul.f32 $1.724506760e-09, v9;
	v13 =	vmul.f32 $2.069806730e-08, v9  }
0x10a: {  	v15 =	vmul.f32 $2.069806730e-08, v14;
	v7 =	vadd.f32 $-2.707902520e-07, v7;
	v8 =	vadd.f32 $-2.707902520e-07, v8  }
0x10b: {  	v16 =	vmul.f32 $1.724506760e-09, v14;
	v10 =	vsub.f32 $2.708829470e-06, v10;
	v11 =	vsub.f32 $2.708829470e-06, v11  }
0x10c: {  	v12 =	vadd.f32 $-2.707902520e-07, v46;
	v13 =	vsub.f32 $2.708829470e-06, v13;
	v7 =	vmul.f32 v7, v5  }
0x10d: {  	v15 =	vsub.f32 $2.708829470e-06, v15;
	v10 =	vmul.f32 v10, v6;
	v11 =	vmul.f32 v11, v5  }
0x10e: {  	v16 =	vadd.f32 $-2.707902520e-07, v16;
	v8 =	vmul.f32 v8, v6;
	v12 =	vmul.f32 v12, v9  }
0x10f: {  	v13 =	vmul.f32 v13, v9;
	v10 =	vadd.f32 $-1.981762910e-04, v10;
	v7 =	vadd.f32 $2.476988270e-05, v7  }
0x110: {  	v15 =	vmul.f32 v15, v14;
	v8 =	vadd.f32 $2.476988270e-05, v8;
	v12 =	vadd.f32 $2.476988270e-05, v12  }
0x111: {  	v16 =	vmul.f32 v16, v14;
	v13 =	vadd.f32 $-1.981762910e-04, v13;
	v11 =	vadd.f32 $-1.981762910e-04, v11  }
0x112: {  	v15 =	vadd.f32 $-1.981762910e-04, v15;
	v10 =	vmul.f32 v10, v6;
	v12 =	vmul.f32 v12, v9  }
0x113: {  	v16 =	vadd.f32 $2.476988270e-05, v16;
	v8 =	vmul.f32 v8, v6;
	v13 =	vmul.f32 v13, v9  }
0x114: {  	v7 =	vmul.f32 v7, v5;
	v15 =	vmul.f32 v15, v14;
	v12 =	vadd.f32 $-1.388780310e-03, v12  }
0x115: {  	v11 =	vmul.f32 v11, v5;
	v13 =	vadd.f32 $8.332791740e-03, v13;
	v10 =	vadd.f32 $8.332791740e-03, v10  }
0x116: {  	v16 =	vmul.f32 v16, v14;
	v8 =	vadd.f32 $-1.388780310e-03, v8;
	v15 =	vadd.f32 $8.332791740e-03, v15  }
0x117: {  	v7 =	vadd.f32 $-1.388780310e-03, v7;
	v12 =	vmul.f32 v12, v9;
	v13 =	vmul.f32 v13, v9  }
0x118: {  	v16 =	vadd.f32 $-1.388780310e-03, v16;
	v10 =	vmul.f32 v10, v6;
	v8 =	vmul.f32 v8, v6  }
0x119: {  	v11 =	vadd.f32 $8.332791740e-03, v11;
	v15 =	vmul.f32 v15, v14;
	v7 =	vmul.f32 v7, v5  }
0x11a: {  	v16 =	vmul.f32 v16, v14;
	v13 =	vadd.f32 $-1.666662100e-01, v13;
	v10 =	vadd.f32 $-1.666662100e-01, v10  }
0x11b: {  	v11 =	vmul.f32 v11, v5;
	v8 =	vadd.f32 $4.166648910e-02, v8;
	v15 =	vadd.f32 $-1.666662100e-01, v15  }
0x11c: {  	v7 =	vadd.f32 $4.166648910e-02, v7;
	v16 =	vadd.f32 $4.166648910e-02, v16;
	v13 =	vmul.f32 v13, v9  }
0x11d: {  	v12 =	vadd.f32 $4.166648910e-02, v12;
	v10 =	vmul.f32 v10, v6;
	v8 =	vmul.f32 v8, v6  }
0x11e: {  	s0 =	simm.s32 $0x0;
	v7 =	vmul.f32 v7, v5;
	v16 =	vmul.f32 v16, v14;
	v13 =	vadd.f32 $9.999999400e-01, v13  }
0x11f: {  	v17 =	vld [tilespmem:s0+$0x5190];
	v12 =	vmul.f32 v12, v9;
	v10 =	vadd.f32 $9.999999400e-01, v10;
	v8 =	vadd.f32 $-4.999998810e-01, v8  }
0x120: {  	v18 =	vld [tilespmem:s0+$0x51C0];
	v15 =	vmul.f32 v15, v14;
	v7 =	vadd.f32 $-4.999998810e-01, v7;
	v16 =	vadd.f32 $-4.999998810e-01, v16  }
0x121: {  	v47 =	vld [tilespmem:s0+$0x5180];
	v12 =	vadd.f32 $-4.999998810e-01, v12;
	v3 =	vmul.f32 v13, v3;
	v2 =	vmul.f32 v10, v2  }
0x122: {  	v19 =	vld [tilespmem:s0+$0x51E0];
	v11 =	vadd.f32 $-1.666662100e-01, v11;
	v6 =	vmul.f32 v8, v6;
	v7 =	vmul.f32 v7, v5  }
0x123: {  	v21 =	vld [tilespmem:s0+$0x1180];
	v10 =	vadd.f32 $9.999999400e-01, v15;
	v14 =	vmul.f32 v16, v14;
	v9 =	vmul.f32 v12, v9  }
0x124: {  	v49 =	vld [tilespmem:s0+$0x51B0];
	v5 =	vmul.f32 v11, v5;
	v48 =	vmul.f32 v3, v17  }
0x125: {  	v8 =	vld [tilespmem:s0+$0x51D0];
	v4 =	vmul.f32 v10, v4;
	v6 =	vadd.f32 $1.000000000e+00, v6;
	v20 =	vmul.f32 v2, v18  }
0x126: {  	v54 =	vld [tilespmem:s0+$0x51F0];
	v2 =	vmul.f32 v2, v47;
	v53 =	vadd.f32 $1.000000000e+00, v14;
	v9 =	vadd.f32 $1.000000000e+00, v9  }
0x127: {  	v51 =	vld [tilespmem:s0+$0x11E0];
	v5 =	vadd.f32 $9.999999400e-01, v5;
	v22 =	vmul.f32 v6, v47;
	v52 =	vmul.f32 v4, v19  }
0x128: {  	v10 =	vld [tilespmem:s0+$0x51A0];
	v6 =	vmul.f32 v6, v18;
	v12 =	vmul.f32 v53, v19  }
0x129: {  	v23 =	vld [tilespmem:s0+$0x11C0];
	v7 =	vadd.f32 $1.000000000e+00, v7;
	v17 =	vmul.f32 v9, v17;
	v1 =	vmul.f32 v5, v1  }
0x12a: {  	v55 =	vld [tilespmem:s0+$0x11A0];
	v3 =	vmul.f32 v3, v8;
	v8 =	vmul.f32 v9, v8  }
0x12b: {  	v56 =	vld [tilespmem:s0+$0x11D0];
	v2 =	vsub.f32 v6, v2;
	v6 =	vmul.f32 v7, v49;
	v7 =	vmul.f32 v7, v54  }
0x12c: {  	v11 =	vld [tilespmem:s0+$0x1190];
	v50 =	vadd.f32 v22, v20;
	v58 =	vmul.f32 v1, v54;
	v59 =	vmul.f32 v1, v49  }
0x12d: {  	v57 =	vld [tilespmem:s0+$0x11B0];
	v4 =	vmul.f32 v4, v10;
	v3 =	vadd.f32 v17, v3;
	v8 =	vsub.f32 v8, v48  }
0x12e: {  	v5 =	vld [tilespmem:s0+$0x11F0];
	v10 =	vmul.f32 v53, v10;
	v13 =	vsub.f32 v50, v21;
	v2 =	vsub.f32 v2, v23  }
0x12f: {  	v6 =	vadd.f32 v6, v58;
	v7 =	vsub.f32 v7, v59  }
0x130: {  	v9 =	vadd.f32 v10, v52;
	v4 =	vsub.f32 v12, v4  }
0x131: {  	v3 =	vsub.f32 v3, v11;
	v8 =	vsub.f32 v8, v56;
	v10 =	vand.u32 $0x7FFFFFFF, v13  }
0x132: {  	v11 =	vand.u32 $0x7FFFFFFF, v2;
	v9 =	vsub.f32 v9, v55;
	v4 =	vsub.f32 v4, v51  }
0x133: {  	v6 =	vsub.f32 v6, v57;
	v63 =	vsub.f32 v7, v5;
	v60 =	vand.u32 $0x7FFFFFFF, v3  }
0x134: {  	v2 =	vmax.f32 v10, v11;
	v9 =	vand.u32 $0x7FFFFFFF, v9;
	v4 =	vand.u32 $0x7FFFFFFF, v4  }
0x135: {  	v8 =	vand.u32 $0x7FFFFFFF, v8;
	v61 =	vadd.f32 $1.000000000e-30, v2;
	v1 =	vmax.f32 v9, v4  }
0x136: {  	v3 =	vmax.f32 v60, v8;
	v5 =	vmin.f32 v60, v8;
	v62 =	vadd.f32 $1.000000000e-30, v1  }
0x137: {  	v6 =	vand.u32 $0x7FFFFFFF, v6;
	v8 =	vadd.f32 $1.000000000e-30, v3;
	(erf) = vrcp.f32 v61  }
0x138: {  	v7 =	vmin.f32 v9, v4;
	v9 =	vand.u32 $0x7FFFFFFF, v63;
	(erf) = vrcp.f32 v62  }
0x139: {  	v4 =	vmax.f32 v6, v9;
	(erf) = vrcp.f32 v8  }
0x13a: {  	s30 =	simm.s32 $0xA380;
	s31 =	simm.s32 $0x200;
	s28 =	simm.s32 $0xA380;
	v6 =	vmin.f32 v6, v9;
	v9 =	vadd.f32 $1.000000000e-30, v4;
	v8 =	vmin.f32 v10, v11  }
.LBB2_4:
0x13b: {  	_ = 	snop  }
0x13c: {  	p0 =	sne.s32 s31, $0x3E00;
	s26 =	sadd.s32 $0x40, s26;
	s30 =	sadd.s32 $0x10, s30  }
0x13d: {  	s0 =	smov.u32 s31;
	s31 =	sadd.s32 $0x200, s31;
	(erf) = vrcp.f32 v9;
	_ =	sdelay $0x2  }
0x13e: {  	v9 =	vpop (erf)  }
0x13f: {  	v8 =	vmul.f32 v9, v8;
	v9 =	vpop (erf)  }
0x140: {  	v7 =	vmul.f32 v9, v7;
	v9 =	vpop (erf)  }
0x141: {  	v8 =	vmul.f32 v8, v8;
	v5 =	vmul.f32 v9, v5  }
0x142: {  	v7 =	vmul.f32 v7, v7  }
0x143: {  	v8 =	vadd.f32 $1.000000000e+00, v8;
	v5 =	vmul.f32 v5, v5  }
0x144: {  	v7 =	vadd.f32 $1.000000000e+00, v7;
	v9 =	vpop (erf)  }
0x145: {  	v10 =	vmul.f32 $1.035184790e-02, v8;
	v5 =	vadd.f32 $1.000000000e+00, v5;
	v6 =	vmul.f32 v9, v6  }
0x146: {  	v9 =	vmul.f32 $1.035184790e-02, v7  }
0x147: {  	v10 =	vsub.f32 $8.627223220e-02, v10;
	v11 =	vmul.f32 $1.035184790e-02, v5;
	v6 =	vmul.f32 v6, v6  }
0x148: {  	v9 =	vsub.f32 $8.627223220e-02, v9  }
0x149: {  	v10 =	vmul.f32 v10, v8;
	v11 =	vsub.f32 $8.627223220e-02, v11;
	v6 =	vadd.f32 $1.000000000e+00, v6  }
0x14a: {  	v9 =	vmul.f32 v9, v7  }
0x14b: {  	v10 =	vadd.f32 $-3.164294960e-01, v10;
	v11 =	vmul.f32 v11, v5;
	v12 =	vmul.f32 $1.035184790e-02, v6  }
0x14c: {  	v9 =	vadd.f32 $-3.164294960e-01, v9  }
0x14d: {  	v10 =	vmul.f32 v10, v8;
	v11 =	vadd.f32 $-3.164294960e-01, v11;
	v12 =	vsub.f32 $8.627223220e-02, v12  }
0x14e: {  	v9 =	vmul.f32 v9, v7  }
0x14f: {  	v10 =	vadd.f32 $9.148544070e-01, v10;
	v11 =	vmul.f32 v11, v5;
	v12 =	vmul.f32 v12, v6  }
0x150: {  	v9 =	vadd.f32 $9.148544070e-01, v9  }
0x151: {  	v8 =	vmul.f32 v10, v8;
	v10 =	vadd.f32 $9.148544070e-01, v11;
	v11 =	vadd.f32 $-3.164294960e-01, v12  }
0x152: {  	v7 =	vmul.f32 v9, v7  }
0x153: {  	v8 =	vadd.f32 $3.256658320e-01, v8;
	v5 =	vmul.f32 v10, v5;
	v9 =	vmul.f32 v11, v6  }
0x154: {  	v7 =	vadd.f32 $3.256658320e-01, v7  }
0x155: {  	v2 =	vmul.f32 v8, v2;
	v5 =	vadd.f32 $3.256658320e-01, v5;
	v8 =	vadd.f32 $9.148544070e-01, v9  }
0x156: {  	v1 =	vmul.f32 v7, v1  }
0x157: {  	v2 =	vadd.f32 $0.0e+00, v2;
	v3 =	vmul.f32 v5, v3;
	v5 =	vmul.f32 v8, v6;
	_ =	sdelay $0x1  }
0x158: {  	v2 =	vadd.f32 v3, v2;
	v3 =	vadd.f32 $3.256658320e-01, v5;
	_ =	sdelay $0x1  }
0x159: {  	v1 =	vadd.f32 v1, v2;
	v2 =	vmul.f32 v3, v4;
	_ =	sdelay $0x1  }
0x15a: {  	v1 =	vadd.f32 v2, v1;
	_ =	sdelay $0x1  }
0x15b: {  	[tilespmem:s28+$0x0] =	vst v1;
	s28 =	smov.u32 s30  }
0x15c: {  	v1 =	vld [tilespmem:s26+$0x0]  }
0x15d: {  	v2 =	vld [tilespmem:s26+$0xFFFFFFD0];
	_ =	sdelay $0x1  }
0x15e: {  	v3 =	vld [tilespmem:s26+$0xFFFFFFE0];
	_ =	sdelay $0x1  }
0x15f: {  	v1 =	vmul.f32 $1.436156650e+01, v1  }
0x160: {  	v4 =	vmul.f32 $1.436156650e+01, v2;
	v5 =	vld [tilespmem:s26+$0xFFFFFFF0]  }
0x161: {  	v2 =	vmul.f32 v1, v1  }
0x162: {  	v6 =	vmul.f32 v4, v4;
	v7 =	vmul.f32 $1.436156650e+01, v3  }
0x163: {  	v8 =	vmul.f32 $1.724506760e-09, v2;
	v9 =	vmul.f32 $2.069806730e-08, v2  }
0x164: {  	v10 =	vmul.f32 $1.724506760e-09, v6;
	v3 =	vmul.f32 v7, v7  }
0x165: {  	v11 =	vmul.f32 $2.069806730e-08, v6;
	v5 =	vmul.f32 $1.436156650e+01, v5;
	v8 =	vadd.f32 $-2.707902520e-07, v8  }
0x166: {  	v9 =	vsub.f32 $2.708829470e-06, v9;
	v10 =	vadd.f32 $-2.707902520e-07, v10;
	v12 =	vmul.f32 $1.724506760e-09, v3  }
0x167: {  	v11 =	vsub.f32 $2.708829470e-06, v11;
	v13 =	vmul.f32 $2.069806730e-08, v3;
	v8 =	vmul.f32 v8, v2  }
0x168: {  	v14 =	vmul.f32 v5, v5;
	v9 =	vmul.f32 v9, v2;
	v12 =	vadd.f32 $-2.707902520e-07, v12  }
0x169: {  	v10 =	vmul.f32 v10, v6;
	v11 =	vmul.f32 v11, v6;
	v13 =	vsub.f32 $2.708829470e-06, v13  }
0x16a: {  	v15 =	vmul.f32 $2.069806730e-08, v14;
	v8 =	vadd.f32 $2.476988270e-05, v8;
	v12 =	vmul.f32 v12, v3  }
0x16b: {  	v10 =	vadd.f32 $2.476988270e-05, v10;
	v11 =	vadd.f32 $-1.981762910e-04, v11;
	v13 =	vmul.f32 v13, v3  }
0x16c: {  	v15 =	vsub.f32 $2.708829470e-06, v15;
	v12 =	vadd.f32 $2.476988270e-05, v12  }
0x16d: {  	v16 =	vmul.f32 $1.724506760e-09, v14;
	v11 =	vmul.f32 v11, v6;
	v13 =	vadd.f32 $-1.981762910e-04, v13  }
0x16e: {  	v9 =	vadd.f32 $-1.981762910e-04, v9;
	v15 =	vmul.f32 v15, v14;
	v12 =	vmul.f32 v12, v3  }
0x16f: {  	v16 =	vadd.f32 $-2.707902520e-07, v16;
	v10 =	vmul.f32 v10, v6;
	v13 =	vmul.f32 v13, v3  }
0x170: {  	v8 =	vmul.f32 v8, v2;
	v9 =	vmul.f32 v9, v2;
	v15 =	vadd.f32 $-1.981762910e-04, v15  }
0x171: {  	v16 =	vmul.f32 v16, v14;
	v12 =	vadd.f32 $-1.388780310e-03, v12;
	v13 =	vadd.f32 $8.332791740e-03, v13  }
0x172: {  	v9 =	vadd.f32 $8.332791740e-03, v9;
	v11 =	vadd.f32 $8.332791740e-03, v11;
	v15 =	vmul.f32 v15, v14  }
0x173: {  	v10 =	vadd.f32 $-1.388780310e-03, v10;
	v12 =	vmul.f32 v12, v3;
	v13 =	vmul.f32 v13, v3  }
0x174: {  	v16 =	vadd.f32 $2.476988270e-05, v16;
	v11 =	vmul.f32 v11, v6;
	v15 =	vadd.f32 $8.332791740e-03, v15  }
0x175: {  	v8 =	vadd.f32 $-1.388780310e-03, v8;
	v10 =	vmul.f32 v10, v6;
	v13 =	vadd.f32 $-1.666662100e-01, v13  }
0x176: {  	v16 =	vmul.f32 v16, v14;
	v11 =	vadd.f32 $-1.666662100e-01, v11;
	v15 =	vmul.f32 v15, v14  }
0x177: {  	s0 =	sshra.s32 s0, $0x2;
	v8 =	vmul.f32 v8, v2;
	v10 =	vadd.f32 $4.166648910e-02, v10;
	v13 =	vmul.f32 v13, v3  }
0x178: {  	v16 =	vadd.f32 $-1.388780310e-03, v16;
	v11 =	vmul.f32 v11, v6;
	v15 =	vadd.f32 $-1.666662100e-01, v15;
	v17 =	vld [tilespmem:s0+$0x5190]  }
0x179: {  	v8 =	vadd.f32 $4.166648910e-02, v8;
	v10 =	vmul.f32 v10, v6;
	v13 =	vadd.f32 $9.999999400e-01, v13  }
0x17a: {  	v16 =	vmul.f32 v16, v14;
	v11 =	vadd.f32 $9.999999400e-01, v11;
	v15 =	vmul.f32 v15, v14;
	v18 =	vld [tilespmem:s0+$0x51C0]  }
0x17b: {  	v8 =	vmul.f32 v8, v2;
	v10 =	vadd.f32 $-4.999998810e-01, v10;
	v7 =	vmul.f32 v13, v7;
	v13 =	vld [tilespmem:s0+$0x51D0]  }
0x17c: {  	v16 =	vadd.f32 $4.166648910e-02, v16;
	v4 =	vmul.f32 v11, v4;
	v15 =	vadd.f32 $9.999999400e-01, v15;
	v11 =	vld [tilespmem:s0+$0x5180]  }
0x17d: {  	v6 =	vmul.f32 v10, v6;
	v10 =	vadd.f32 $4.166648910e-02, v12;
	v12 =	vmul.f32 v7, v17;
	v19 =	vld [tilespmem:s0+$0x51E0]  }
0x17e: {  	v8 =	vadd.f32 $-4.999998810e-01, v8;
	v16 =	vmul.f32 v16, v14;
	v5 =	vmul.f32 v15, v5;
	v15 =	vld [tilespmem:s0+$0x51A0]  }
0x17f: {  	v6 =	vadd.f32 $1.000000000e+00, v6;
	v10 =	vmul.f32 v10, v3;
	v20 =	vmul.f32 v4, v18  }
0x180: {  	v9 =	vmul.f32 v9, v2;
	v8 =	vmul.f32 v8, v2;
	v16 =	vadd.f32 $-4.999998810e-01, v16;
	v21 =	vld [tilespmem:s0+$0x1180]  }
0x181: {  	v7 =	vmul.f32 v7, v13;
	v22 =	vmul.f32 v6, v11  }
0x182: {  	v10 =	vadd.f32 $-4.999998810e-01, v10;
	v4 =	vmul.f32 v4, v11;
	v11 =	vmul.f32 v16, v14;
	v14 =	vld [tilespmem:s0+$0x51B0]  }
0x183: {  	v16 =	vadd.f32 v22, v20;
	v20 =	vld [tilespmem:s0+$0x11E0];
	v22 =	vmul.f32 v5, v19;
	v5 =	vmul.f32 v5, v15  }
0x184: {  	v9 =	vadd.f32 $-1.666662100e-01, v9;
	v3 =	vmul.f32 v10, v3;
	v10 =	vadd.f32 $1.000000000e+00, v11;
	v11 =	vld [tilespmem:s0+$0x51F0]  }
0x185: {  	v8 =	vadd.f32 $1.000000000e+00, v8;
	v6 =	vmul.f32 v6, v18;
	v23 =	vld [tilespmem:s0+$0x11C0];
	v16 =	vsub.f32 v16, v21  }
0x186: {  	v2 =	vmul.f32 v9, v2;
	v3 =	vadd.f32 $1.000000000e+00, v3;
	v15 =	vmul.f32 v10, v15;
	v18 =	vld [tilespmem:s0+$0x11A0]  }
0x187: {  	v4 =	vsub.f32 v6, v4;
	v9 =	vmul.f32 v10, v19;
	v6 =	vld [tilespmem:s0+$0x1190];
	v10 =	vmul.f32 v8, v14  }
0x188: {  	v17 =	vmul.f32 v3, v17;
	v3 =	vmul.f32 v3, v13;
	v13 =	vadd.f32 v15, v22;
	v19 =	vld [tilespmem:s0+$0x11D0]  }
0x189: {  	v2 =	vadd.f32 $9.999999400e-01, v2;
	v5 =	vsub.f32 v9, v5;
	v8 =	vmul.f32 v8, v11  }
0x18a: {  	v7 =	vadd.f32 v17, v7;
	v4 =	vsub.f32 v4, v23  }
0x18b: {  	v3 =	vsub.f32 v3, v12;
	v9 =	vand.u32 $0x7FFFFFFF, v16;
	v12 =	vsub.f32 v13, v18  }
0x18c: {  	v1 =	vmul.f32 v2, v1;
	v13 =	vand.u32 $0x7FFFFFFF, v4;
	v4 =	vsub.f32 v7, v6;
	v6 =	vld [tilespmem:s0+$0x11F0]  }
0x18d: {  	v5 =	vsub.f32 v5, v20;
	v3 =	vsub.f32 v3, v19;
	v7 =	vand.u32 $0x7FFFFFFF, v12;
	v12 =	vld [tilespmem:s0+$0x11B0]  }
0x18e: {  	v14 =	vmul.f32 v1, v14;
	v11 =	vmul.f32 v1, v11;
	v4 =	vand.u32 $0x7FFFFFFF, v4  }
0x18f: {  	v16 =	vand.u32 $0x7FFFFFFF, v5;
	v2 =	vmax.f32 v9, v13;
	v15 =	vand.u32 $0x7FFFFFFF, v3  }
0x190: {  	v10 =	vadd.f32 v10, v11;
	v8 =	vsub.f32 v8, v14;
	v1 =	vmax.f32 v7, v16  }
0x191: {  	v11 =	vadd.f32 $1.000000000e-30, v2;
	v14 =	vadd.f32 $1.000000000e-30, v1;
	v3 =	vmax.f32 v4, v15  }
.Ltmp1:
0x192: {  	v5 =	vmin.f32 v4, v15;
	v6 =	vsub.f32 v8, v6;
	v4 =	vsub.f32 v10, v12;
	(pc) =	sbr.rel @p0 .LBB2_4-.Ltmp1, $4  }
0x193: {  	v7 =	vmin.f32 v7, v16;
	v8 =	vadd.f32 $1.000000000e-30, v3;
	(erf) = vrcp.f32 v11  }
0x194: {  	v6 =	vand.u32 $0x7FFFFFFF, v6;
	v10 =	vand.u32 $0x7FFFFFFF, v4;
	(erf) = vrcp.f32 v14  }
0x195: {  	v4 =	vmax.f32 v10, v6;
	v6 =	vmin.f32 v10, v6;
	(erf) = vrcp.f32 v8  }
0x196: {  	v8 =	vmin.f32 v9, v13;
	v9 =	vadd.f32 $1.000000000e-30, v4  }
0x197: {  	_ =	sdelay $0x1  }
0x198: {  	(erf) = vrcp.f32 v9;
	_ =	sdelay $0x2  }
0x199: {  	v9 =	vpop (erf)  }
0x19a: {  	v8 =	vmul.f32 v9, v8;
	v9 =	vpop (erf)  }
0x19b: {  	v10 =	vpop (erf)  }
0x19c: {  	v8 =	vmul.f32 v8, v8;
	v5 =	vmul.f32 v10, v5  }
0x19d: {  	v7 =	vmul.f32 v9, v7  }
0x19e: {  	v8 =	vadd.f32 $1.000000000e+00, v8;
	v5 =	vmul.f32 v5, v5  }
0x19f: {  	v7 =	vmul.f32 v7, v7;
	v9 =	vpop (erf)  }
0x1a0: {  	v6 =	vmul.f32 v9, v6;
	v10 =	vmul.f32 $1.035184790e-02, v8;
	v5 =	vadd.f32 $1.000000000e+00, v5  }
0x1a1: {  	v7 =	vadd.f32 $1.000000000e+00, v7  }
0x1a2: {  	v6 =	vmul.f32 v6, v6;
	v9 =	vsub.f32 $8.627223220e-02, v10;
	v10 =	vmul.f32 $1.035184790e-02, v5  }
0x1a3: {  	v11 =	vmul.f32 $1.035184790e-02, v7  }
0x1a4: {  	v6 =	vadd.f32 $1.000000000e+00, v6;
	v9 =	vmul.f32 v9, v8;
	v10 =	vsub.f32 $8.627223220e-02, v10  }
0x1a5: {  	v11 =	vsub.f32 $8.627223220e-02, v11  }
0x1a6: {  	v12 =	vmul.f32 $1.035184790e-02, v6;
	v9 =	vadd.f32 $-3.164294960e-01, v9;
	v10 =	vmul.f32 v10, v5  }
0x1a7: {  	v11 =	vmul.f32 v11, v7  }
0x1a8: {  	v12 =	vsub.f32 $8.627223220e-02, v12;
	v9 =	vmul.f32 v9, v8;
	v10 =	vadd.f32 $-3.164294960e-01, v10  }
0x1a9: {  	v11 =	vadd.f32 $-3.164294960e-01, v11  }
0x1aa: {  	v12 =	vmul.f32 v12, v6;
	v9 =	vadd.f32 $9.148544070e-01, v9;
	v10 =	vmul.f32 v10, v5  }
0x1ab: {  	v11 =	vmul.f32 v11, v7  }
0x1ac: {  	v8 =	vmul.f32 v9, v8;
	v9 =	vadd.f32 $9.148544070e-01, v10;
	v10 =	vadd.f32 $-3.164294960e-01, v12  }
0x1ad: {  	v11 =	vadd.f32 $9.148544070e-01, v11  }
0x1ae: {  	v8 =	vadd.f32 $3.256658320e-01, v8;
	v5 =	vmul.f32 v9, v5;
	v9 =	vmul.f32 v10, v6  }
0x1af: {  	v7 =	vmul.f32 v11, v7  }
0x1b0: {  	v2 =	vmul.f32 v8, v2;
	v5 =	vadd.f32 $3.256658320e-01, v5;
	v8 =	vadd.f32 $9.148544070e-01, v9  }
0x1b1: {  	v7 =	vadd.f32 $3.256658320e-01, v7  }
0x1b2: {  	v2 =	vadd.f32 $0.0e+00, v2;
	v3 =	vmul.f32 v5, v3;
	v5 =	vmul.f32 v8, v6;
	_ =	sdelay $0x1  }
0x1b3: {  	v1 =	vmul.f32 v7, v1;
	v2 =	vadd.f32 v3, v2;
	v3 =	vadd.f32 $3.256658320e-01, v5;
	_ =	sdelay $0x1  }
0x1b4: {  	v1 =	vadd.f32 v1, v2;
	v2 =	vmul.f32 v3, v4;
	_ =	sdelay $0x1  }
0x1b5: {  	v1 =	vadd.f32 v2, v1;
	_ =	sdelay $0x1  }
0x1b6: {  	[tilespmem:s28+$0x0] =	vst v1  }
0x1b7: {  	_ =	swait.ge [sflag:s19], $0x1000  }
0x1b8: {  	[sflag:s19] =	ssyncset.done $0x0  }
0x1b9: {  	[sflag:s19] =	ssyncadd.s32 $0xFFFFF000  }
0x1ba: {  	_ =	swait.ge [sflag:s19], $0x1000  }
0x1bb: {  	[sflag:s19] =	ssyncset.done $0x0  }
0x1bc: {  	[sflag:s19] =	ssyncadd.s32 $0xFFFFF000  }
0x1bd: {  	_ =	swait.ge [sflag:s19], $0x800  }
0x1be: {  	[sflag:s19] =	ssyncset.done $0x0  }
0x1bf: {  	s26 =	simm.s32 $0x91B0;
	[sflag:s19] =	ssyncadd.s32 $0xFFFFF800  }
0x1c0: {  	v1 =	vld [tilespmem:s26+$0x0]  }
0x1c1: {  	v2 =	vld [tilespmem:s26+$0xFFFFFFD0]  }
0x1c2: {  	v3 =	vld [tilespmem:s26+$0xFFFFFFE0]  }
0x1c3: {  	v4 =	vld [tilespmem:s26+$0xFFFFFFF0];
	_ =	sdelay $0x3  }
0x1c4: {  	v1 =	vmul.f32 $1.436156650e+01, v1;
	v2 =	vmul.f32 $1.436156650e+01, v2  }
0x1c5: {  	v3 =	vmul.f32 $1.436156650e+01, v3;
	v4 =	vmul.f32 $1.436156650e+01, v4  }
0x1c6: {  	v5 =	vmul.f32 v1, v1;
	v6 =	vmul.f32 v2, v2  }
0x1c7: {  	v9 =	vmul.f32 v3, v3;
	v14 =	vmul.f32 v4, v4  }
0x1c8: {  	v7 =	vmul.f32 $1.724506760e-09, v5;
	v8 =	vmul.f32 $1.724506760e-09, v6  }
0x1c9: {  	v10 =	vmul.f32 $2.069806730e-08, v6;
	v11 =	vmul.f32 $2.069806730e-08, v5  }
0x1ca: {  	v46 =	vmul.f32 $1.724506760e-09, v9;
	v13 =	vmul.f32 $2.069806730e-08, v9  }
0x1cb: {  	v15 =	vmul.f32 $2.069806730e-08, v14;
	v7 =	vadd.f32 $-2.707902520e-07, v7;
	v8 =	vadd.f32 $-2.707902520e-07, v8  }
0x1cc: {  	v16 =	vmul.f32 $1.724506760e-09, v14;
	v10 =	vsub.f32 $2.708829470e-06, v10;
	v11 =	vsub.f32 $2.708829470e-06, v11  }
0x1cd: {  	v12 =	vadd.f32 $-2.707902520e-07, v46;
	v13 =	vsub.f32 $2.708829470e-06, v13;
	v7 =	vmul.f32 v7, v5  }
0x1ce: {  	v15 =	vsub.f32 $2.708829470e-06, v15;
	v10 =	vmul.f32 v10, v6;
	v11 =	vmul.f32 v11, v5  }
0x1cf: {  	v16 =	vadd.f32 $-2.707902520e-07, v16;
	v8 =	vmul.f32 v8, v6;
	v12 =	vmul.f32 v12, v9  }
0x1d0: {  	v13 =	vmul.f32 v13, v9;
	v10 =	vadd.f32 $-1.981762910e-04, v10;
	v7 =	vadd.f32 $2.476988270e-05, v7  }
0x1d1: {  	v15 =	vmul.f32 v15, v14;
	v8 =	vadd.f32 $2.476988270e-05, v8;
	v12 =	vadd.f32 $2.476988270e-05, v12  }
0x1d2: {  	v16 =	vmul.f32 v16, v14;
	v13 =	vadd.f32 $-1.981762910e-04, v13;
	v11 =	vadd.f32 $-1.981762910e-04, v11  }
0x1d3: {  	v15 =	vadd.f32 $-1.981762910e-04, v15;
	v10 =	vmul.f32 v10, v6;
	v12 =	vmul.f32 v12, v9  }
0x1d4: {  	v16 =	vadd.f32 $2.476988270e-05, v16;
	v8 =	vmul.f32 v8, v6;
	v13 =	vmul.f32 v13, v9  }
0x1d5: {  	v7 =	vmul.f32 v7, v5;
	v15 =	vmul.f32 v15, v14;
	v12 =	vadd.f32 $-1.388780310e-03, v12  }
0x1d6: {  	v11 =	vmul.f32 v11, v5;
	v13 =	vadd.f32 $8.332791740e-03, v13;
	v10 =	vadd.f32 $8.332791740e-03, v10  }
0x1d7: {  	v16 =	vmul.f32 v16, v14;
	v8 =	vadd.f32 $-1.388780310e-03, v8;
	v15 =	vadd.f32 $8.332791740e-03, v15  }
0x1d8: {  	v7 =	vadd.f32 $-1.388780310e-03, v7;
	v12 =	vmul.f32 v12, v9;
	v13 =	vmul.f32 v13, v9  }
0x1d9: {  	v16 =	vadd.f32 $-1.388780310e-03, v16;
	v10 =	vmul.f32 v10, v6;
	v8 =	vmul.f32 v8, v6  }
0x1da: {  	v11 =	vadd.f32 $8.332791740e-03, v11;
	v15 =	vmul.f32 v15, v14;
	v7 =	vmul.f32 v7, v5  }
0x1db: {  	v16 =	vmul.f32 v16, v14;
	v13 =	vadd.f32 $-1.666662100e-01, v13;
	v10 =	vadd.f32 $-1.666662100e-01, v10  }
0x1dc: {  	v11 =	vmul.f32 v11, v5;
	v8 =	vadd.f32 $4.166648910e-02, v8;
	v15 =	vadd.f32 $-1.666662100e-01, v15  }
0x1dd: {  	v7 =	vadd.f32 $4.166648910e-02, v7;
	v16 =	vadd.f32 $4.166648910e-02, v16;
	v13 =	vmul.f32 v13, v9  }
0x1de: {  	v12 =	vadd.f32 $4.166648910e-02, v12;
	v10 =	vmul.f32 v10, v6;
	v8 =	vmul.f32 v8, v6  }
0x1df: {  	s0 =	simm.s32 $0x0;
	v7 =	vmul.f32 v7, v5;
	v16 =	vmul.f32 v16, v14;
	v13 =	vadd.f32 $9.999999400e-01, v13  }
0x1e0: {  	v17 =	vld [tilespmem:s0+$0x6190];
	v12 =	vmul.f32 v12, v9;
	v10 =	vadd.f32 $9.999999400e-01, v10;
	v8 =	vadd.f32 $-4.999998810e-01, v8  }
0x1e1: {  	v18 =	vld [tilespmem:s0+$0x61C0];
	v15 =	vmul.f32 v15, v14;
	v7 =	vadd.f32 $-4.999998810e-01, v7;
	v16 =	vadd.f32 $-4.999998810e-01, v16  }
0x1e2: {  	v47 =	vld [tilespmem:s0+$0x6180];
	v12 =	vadd.f32 $-4.999998810e-01, v12;
	v3 =	vmul.f32 v13, v3;
	v2 =	vmul.f32 v10, v2  }
0x1e3: {  	v19 =	vld [tilespmem:s0+$0x61E0];
	v11 =	vadd.f32 $-1.666662100e-01, v11;
	v6 =	vmul.f32 v8, v6;
	v7 =	vmul.f32 v7, v5  }
0x1e4: {  	v21 =	vld [tilespmem:s0+$0x2180];
	v10 =	vadd.f32 $9.999999400e-01, v15;
	v14 =	vmul.f32 v16, v14;
	v9 =	vmul.f32 v12, v9  }
0x1e5: {  	v49 =	vld [tilespmem:s0+$0x61B0];
	v5 =	vmul.f32 v11, v5;
	v48 =	vmul.f32 v3, v17  }
0x1e6: {  	v8 =	vld [tilespmem:s0+$0x61D0];
	v4 =	vmul.f32 v10, v4;
	v6 =	vadd.f32 $1.000000000e+00, v6;
	v20 =	vmul.f32 v2, v18  }
0x1e7: {  	v54 =	vld [tilespmem:s0+$0x61F0];
	v2 =	vmul.f32 v2, v47;
	v53 =	vadd.f32 $1.000000000e+00, v14;
	v9 =	vadd.f32 $1.000000000e+00, v9  }
0x1e8: {  	v51 =	vld [tilespmem:s0+$0x21E0];
	v5 =	vadd.f32 $9.999999400e-01, v5;
	v22 =	vmul.f32 v6, v47;
	v52 =	vmul.f32 v4, v19  }
0x1e9: {  	v10 =	vld [tilespmem:s0+$0x61A0];
	v6 =	vmul.f32 v6, v18;
	v12 =	vmul.f32 v53, v19  }
0x1ea: {  	v23 =	vld [tilespmem:s0+$0x21C0];
	v7 =	vadd.f32 $1.000000000e+00, v7;
	v17 =	vmul.f32 v9, v17;
	v1 =	vmul.f32 v5, v1  }
0x1eb: {  	v55 =	vld [tilespmem:s0+$0x21A0];
	v3 =	vmul.f32 v3, v8;
	v8 =	vmul.f32 v9, v8  }
0x1ec: {  	v56 =	vld [tilespmem:s0+$0x21D0];
	v2 =	vsub.f32 v6, v2;
	v6 =	vmul.f32 v7, v49;
	v7 =	vmul.f32 v7, v54  }
0x1ed: {  	v11 =	vld [tilespmem:s0+$0x2190];
	v50 =	vadd.f32 v22, v20;
	v58 =	vmul.f32 v1, v54;
	v59 =	vmul.f32 v1, v49  }
0x1ee: {  	v57 =	vld [tilespmem:s0+$0x21B0];
	v4 =	vmul.f32 v4, v10;
	v3 =	vadd.f32 v17, v3;
	v8 =	vsub.f32 v8, v48  }
0x1ef: {  	v5 =	vld [tilespmem:s0+$0x21F0];
	v10 =	vmul.f32 v53, v10;
	v13 =	vsub.f32 v50, v21;
	v2 =	vsub.f32 v2, v23  }
0x1f0: {  	v6 =	vadd.f32 v6, v58;
	v7 =	vsub.f32 v7, v59  }
0x1f1: {  	v9 =	vadd.f32 v10, v52;
	v4 =	vsub.f32 v12, v4  }
0x1f2: {  	v3 =	vsub.f32 v3, v11;
	v8 =	vsub.f32 v8, v56;
	v10 =	vand.u32 $0x7FFFFFFF, v13  }
0x1f3: {  	v11 =	vand.u32 $0x7FFFFFFF, v2;
	v9 =	vsub.f32 v9, v55;
	v4 =	vsub.f32 v4, v51  }
0x1f4: {  	v6 =	vsub.f32 v6, v57;
	v63 =	vsub.f32 v7, v5;
	v60 =	vand.u32 $0x7FFFFFFF, v3  }
0x1f5: {  	v2 =	vmax.f32 v10, v11;
	v9 =	vand.u32 $0x7FFFFFFF, v9;
	v4 =	vand.u32 $0x7FFFFFFF, v4  }
0x1f6: {  	v8 =	vand.u32 $0x7FFFFFFF, v8;
	v61 =	vadd.f32 $1.000000000e-30, v2;
	v1 =	vmax.f32 v9, v4  }
0x1f7: {  	v3 =	vmax.f32 v60, v8;
	v5 =	vmin.f32 v60, v8;
	v62 =	vadd.f32 $1.000000000e-30, v1  }
0x1f8: {  	v6 =	vand.u32 $0x7FFFFFFF, v6;
	v8 =	vadd.f32 $1.000000000e-30, v3;
	(erf) = vrcp.f32 v61  }
0x1f9: {  	v7 =	vmin.f32 v9, v4;
	v9 =	vand.u32 $0x7FFFFFFF, v63;
	(erf) = vrcp.f32 v62  }
0x1fa: {  	v4 =	vmax.f32 v6, v9;
	(erf) = vrcp.f32 v8  }
0x1fb: {  	s30 =	simm.s32 $0xA580;
	s31 =	simm.s32 $0x200;
	s28 =	simm.s32 $0xA580;
	v6 =	vmin.f32 v6, v9;
	v9 =	vadd.f32 $1.000000000e-30, v4;
	v8 =	vmin.f32 v10, v11  }
.LBB2_6:
0x1fc: {  	_ = 	snop  }
0x1fd: {  	p0 =	sne.s32 s31, $0x3E00;
	s26 =	sadd.s32 $0x40, s26;
	s30 =	sadd.s32 $0x10, s30  }
0x1fe: {  	s0 =	smov.u32 s31;
	s31 =	sadd.s32 $0x200, s31;
	(erf) = vrcp.f32 v9;
	_ =	sdelay $0x2  }
0x1ff: {  	v9 =	vpop (erf)  }
0x200: {  	v8 =	vmul.f32 v9, v8;
	v9 =	vpop (erf)  }
0x201: {  	v7 =	vmul.f32 v9, v7;
	v9 =	vpop (erf)  }
0x202: {  	v8 =	vmul.f32 v8, v8;
	v5 =	vmul.f32 v9, v5  }
0x203: {  	v7 =	vmul.f32 v7, v7  }
0x204: {  	v8 =	vadd.f32 $1.000000000e+00, v8;
	v5 =	vmul.f32 v5, v5  }
0x205: {  	v7 =	vadd.f32 $1.000000000e+00, v7;
	v9 =	vpop (erf)  }
0x206: {  	v10 =	vmul.f32 $1.035184790e-02, v8;
	v5 =	vadd.f32 $1.000000000e+00, v5;
	v6 =	vmul.f32 v9, v6  }
0x207: {  	v9 =	vmul.f32 $1.035184790e-02, v7  }
0x208: {  	v10 =	vsub.f32 $8.627223220e-02, v10;
	v11 =	vmul.f32 $1.035184790e-02, v5;
	v6 =	vmul.f32 v6, v6  }
0x209: {  	v9 =	vsub.f32 $8.627223220e-02, v9  }
0x20a: {  	v10 =	vmul.f32 v10, v8;
	v11 =	vsub.f32 $8.627223220e-02, v11;
	v6 =	vadd.f32 $1.000000000e+00, v6  }
0x20b: {  	v9 =	vmul.f32 v9, v7  }
0x20c: {  	v10 =	vadd.f32 $-3.164294960e-01, v10;
	v11 =	vmul.f32 v11, v5;
	v12 =	vmul.f32 $1.035184790e-02, v6  }
0x20d: {  	v9 =	vadd.f32 $-3.164294960e-01, v9  }
0x20e: {  	v10 =	vmul.f32 v10, v8;
	v11 =	vadd.f32 $-3.164294960e-01, v11;
	v12 =	vsub.f32 $8.627223220e-02, v12  }
0x20f: {  	v9 =	vmul.f32 v9, v7  }
0x210: {  	v10 =	vadd.f32 $9.148544070e-01, v10;
	v11 =	vmul.f32 v11, v5;
	v12 =	vmul.f32 v12, v6  }
0x211: {  	v9 =	vadd.f32 $9.148544070e-01, v9  }
0x212: {  	v8 =	vmul.f32 v10, v8;
	v10 =	vadd.f32 $9.148544070e-01, v11;
	v11 =	vadd.f32 $-3.164294960e-01, v12  }
0x213: {  	v7 =	vmul.f32 v9, v7  }
0x214: {  	v8 =	vadd.f32 $3.256658320e-01, v8;
	v5 =	vmul.f32 v10, v5;
	v9 =	vmul.f32 v11, v6  }
0x215: {  	v7 =	vadd.f32 $3.256658320e-01, v7  }
0x216: {  	v2 =	vmul.f32 v8, v2;
	v5 =	vadd.f32 $3.256658320e-01, v5;
	v8 =	vadd.f32 $9.148544070e-01, v9  }
0x217: {  	v1 =	vmul.f32 v7, v1  }
0x218: {  	v2 =	vadd.f32 $0.0e+00, v2;
	v3 =	vmul.f32 v5, v3;
	v5 =	vmul.f32 v8, v6;
	_ =	sdelay $0x1  }
0x219: {  	v2 =	vadd.f32 v3, v2;
	v3 =	vadd.f32 $3.256658320e-01, v5;
	_ =	sdelay $0x1  }
0x21a: {  	v1 =	vadd.f32 v1, v2;
	v2 =	vmul.f32 v3, v4;
	_ =	sdelay $0x1  }
0x21b: {  	v1 =	vadd.f32 v2, v1;
	_ =	sdelay $0x1  }
0x21c: {  	[tilespmem:s28+$0x0] =	vst v1;
	s28 =	smov.u32 s30  }
0x21d: {  	v1 =	vld [tilespmem:s26+$0x0]  }
0x21e: {  	v2 =	vld [tilespmem:s26+$0xFFFFFFD0];
	_ =	sdelay $0x1  }
0x21f: {  	v3 =	vld [tilespmem:s26+$0xFFFFFFE0];
	_ =	sdelay $0x1  }
0x220: {  	v1 =	vmul.f32 $1.436156650e+01, v1  }
0x221: {  	v4 =	vmul.f32 $1.436156650e+01, v2;
	v5 =	vld [tilespmem:s26+$0xFFFFFFF0]  }
0x222: {  	v2 =	vmul.f32 v1, v1  }
0x223: {  	v6 =	vmul.f32 v4, v4;
	v7 =	vmul.f32 $1.436156650e+01, v3  }
0x224: {  	v8 =	vmul.f32 $1.724506760e-09, v2;
	v9 =	vmul.f32 $2.069806730e-08, v2  }
0x225: {  	v10 =	vmul.f32 $1.724506760e-09, v6;
	v3 =	vmul.f32 v7, v7  }
0x226: {  	v11 =	vmul.f32 $2.069806730e-08, v6;
	v5 =	vmul.f32 $1.436156650e+01, v5;
	v8 =	vadd.f32 $-2.707902520e-07, v8  }
0x227: {  	v9 =	vsub.f32 $2.708829470e-06, v9;
	v10 =	vadd.f32 $-2.707902520e-07, v10;
	v12 =	vmul.f32 $1.724506760e-09, v3  }
0x228: {  	v11 =	vsub.f32 $2.708829470e-06, v11;
	v13 =	vmul.f32 $2.069806730e-08, v3;
	v8 =	vmul.f32 v8, v2  }
0x229: {  	v14 =	vmul.f32 v5, v5;
	v9 =	vmul.f32 v9, v2;
	v12 =	vadd.f32 $-2.707902520e-07, v12  }
0x22a: {  	v10 =	vmul.f32 v10, v6;
	v11 =	vmul.f32 v11, v6;
	v13 =	vsub.f32 $2.708829470e-06, v13  }
0x22b: {  	v15 =	vmul.f32 $2.069806730e-08, v14;
	v8 =	vadd.f32 $2.476988270e-05, v8;
	v12 =	vmul.f32 v12, v3  }
0x22c: {  	v10 =	vadd.f32 $2.476988270e-05, v10;
	v11 =	vadd.f32 $-1.981762910e-04, v11;
	v13 =	vmul.f32 v13, v3  }
0x22d: {  	v15 =	vsub.f32 $2.708829470e-06, v15;
	v12 =	vadd.f32 $2.476988270e-05, v12  }
0x22e: {  	v16 =	vmul.f32 $1.724506760e-09, v14;
	v11 =	vmul.f32 v11, v6;
	v13 =	vadd.f32 $-1.981762910e-04, v13  }
0x22f: {  	v9 =	vadd.f32 $-1.981762910e-04, v9;
	v15 =	vmul.f32 v15, v14;
	v12 =	vmul.f32 v12, v3  }
0x230: {  	v16 =	vadd.f32 $-2.707902520e-07, v16;
	v10 =	vmul.f32 v10, v6;
	v13 =	vmul.f32 v13, v3  }
0x231: {  	v8 =	vmul.f32 v8, v2;
	v9 =	vmul.f32 v9, v2;
	v15 =	vadd.f32 $-1.981762910e-04, v15  }
0x232: {  	v16 =	vmul.f32 v16, v14;
	v12 =	vadd.f32 $-1.388780310e-03, v12;
	v13 =	vadd.f32 $8.332791740e-03, v13  }
0x233: {  	v9 =	vadd.f32 $8.332791740e-03, v9;
	v11 =	vadd.f32 $8.332791740e-03, v11;
	v15 =	vmul.f32 v15, v14  }
0x234: {  	v10 =	vadd.f32 $-1.388780310e-03, v10;
	v12 =	vmul.f32 v12, v3;
	v13 =	vmul.f32 v13, v3  }
0x235: {  	v16 =	vadd.f32 $2.476988270e-05, v16;
	v11 =	vmul.f32 v11, v6;
	v15 =	vadd.f32 $8.332791740e-03, v15  }
0x236: {  	v8 =	vadd.f32 $-1.388780310e-03, v8;
	v10 =	vmul.f32 v10, v6;
	v13 =	vadd.f32 $-1.666662100e-01, v13  }
0x237: {  	v16 =	vmul.f32 v16, v14;
	v11 =	vadd.f32 $-1.666662100e-01, v11;
	v15 =	vmul.f32 v15, v14  }
0x238: {  	s0 =	sshra.s32 s0, $0x2;
	v8 =	vmul.f32 v8, v2;
	v10 =	vadd.f32 $4.166648910e-02, v10;
	v13 =	vmul.f32 v13, v3  }
0x239: {  	v16 =	vadd.f32 $-1.388780310e-03, v16;
	v11 =	vmul.f32 v11, v6;
	v15 =	vadd.f32 $-1.666662100e-01, v15;
	v17 =	vld [tilespmem:s0+$0x6190]  }
0x23a: {  	v8 =	vadd.f32 $4.166648910e-02, v8;
	v10 =	vmul.f32 v10, v6;
	v13 =	vadd.f32 $9.999999400e-01, v13  }
0x23b: {  	v16 =	vmul.f32 v16, v14;
	v11 =	vadd.f32 $9.999999400e-01, v11;
	v15 =	vmul.f32 v15, v14;
	v18 =	vld [tilespmem:s0+$0x61C0]  }
0x23c: {  	v8 =	vmul.f32 v8, v2;
	v10 =	vadd.f32 $-4.999998810e-01, v10;
	v7 =	vmul.f32 v13, v7;
	v13 =	vld [tilespmem:s0+$0x61D0]  }
0x23d: {  	v16 =	vadd.f32 $4.166648910e-02, v16;
	v4 =	vmul.f32 v11, v4;
	v15 =	vadd.f32 $9.999999400e-01, v15;
	v11 =	vld [tilespmem:s0+$0x6180]  }
0x23e: {  	v6 =	vmul.f32 v10, v6;
	v10 =	vadd.f32 $4.166648910e-02, v12;
	v12 =	vmul.f32 v7, v17;
	v19 =	vld [tilespmem:s0+$0x61E0]  }
0x23f: {  	v8 =	vadd.f32 $-4.999998810e-01, v8;
	v16 =	vmul.f32 v16, v14;
	v5 =	vmul.f32 v15, v5;
	v15 =	vld [tilespmem:s0+$0x61A0]  }
0x240: {  	v6 =	vadd.f32 $1.000000000e+00, v6;
	v10 =	vmul.f32 v10, v3;
	v20 =	vmul.f32 v4, v18  }
0x241: {  	v9 =	vmul.f32 v9, v2;
	v8 =	vmul.f32 v8, v2;
	v16 =	vadd.f32 $-4.999998810e-01, v16;
	v21 =	vld [tilespmem:s0+$0x2180]  }
0x242: {  	v7 =	vmul.f32 v7, v13;
	v22 =	vmul.f32 v6, v11  }
0x243: {  	v10 =	vadd.f32 $-4.999998810e-01, v10;
	v4 =	vmul.f32 v4, v11;
	v11 =	vmul.f32 v16, v14;
	v14 =	vld [tilespmem:s0+$0x61B0]  }
0x244: {  	v16 =	vadd.f32 v22, v20;
	v20 =	vld [tilespmem:s0+$0x21E0];
	v22 =	vmul.f32 v5, v19;
	v5 =	vmul.f32 v5, v15  }
0x245: {  	v9 =	vadd.f32 $-1.666662100e-01, v9;
	v3 =	vmul.f32 v10, v3;
	v10 =	vadd.f32 $1.000000000e+00, v11;
	v11 =	vld [tilespmem:s0+$0x61F0]  }
0x246: {  	v8 =	vadd.f32 $1.000000000e+00, v8;
	v6 =	vmul.f32 v6, v18;
	v23 =	vld [tilespmem:s0+$0x21C0];
	v16 =	vsub.f32 v16, v21  }
0x247: {  	v2 =	vmul.f32 v9, v2;
	v3 =	vadd.f32 $1.000000000e+00, v3;
	v15 =	vmul.f32 v10, v15;
	v18 =	vld [tilespmem:s0+$0x21A0]  }
0x248: {  	v4 =	vsub.f32 v6, v4;
	v9 =	vmul.f32 v10, v19;
	v6 =	vld [tilespmem:s0+$0x2190];
	v10 =	vmul.f32 v8, v14  }
0x249: {  	v17 =	vmul.f32 v3, v17;
	v3 =	vmul.f32 v3, v13;
	v13 =	vadd.f32 v15, v22;
	v19 =	vld [tilespmem:s0+$0x21D0]  }
0x24a: {  	v2 =	vadd.f32 $9.999999400e-01, v2;
	v5 =	vsub.f32 v9, v5;
	v8 =	vmul.f32 v8, v11  }
0x24b: {  	v7 =	vadd.f32 v17, v7;
	v4 =	vsub.f32 v4, v23  }
0x24c: {  	v3 =	vsub.f32 v3, v12;
	v9 =	vand.u32 $0x7FFFFFFF, v16;
	v12 =	vsub.f32 v13, v18  }
0x24d: {  	v1 =	vmul.f32 v2, v1;
	v13 =	vand.u32 $0x7FFFFFFF, v4;
	v4 =	vsub.f32 v7, v6;
	v6 =	vld [tilespmem:s0+$0x21F0]  }
0x24e: {  	v5 =	vsub.f32 v5, v20;
	v3 =	vsub.f32 v3, v19;
	v7 =	vand.u32 $0x7FFFFFFF, v12;
	v12 =	vld [tilespmem:s0+$0x21B0]  }
0x24f: {  	v14 =	vmul.f32 v1, v14;
	v11 =	vmul.f32 v1, v11;
	v4 =	vand.u32 $0x7FFFFFFF, v4  }
0x250: {  	v16 =	vand.u32 $0x7FFFFFFF, v5;
	v2 =	vmax.f32 v9, v13;
	v15 =	vand.u32 $0x7FFFFFFF, v3  }
0x251: {  	v10 =	vadd.f32 v10, v11;
	v8 =	vsub.f32 v8, v14;
	v1 =	vmax.f32 v7, v16  }
0x252: {  	v11 =	vadd.f32 $1.000000000e-30, v2;
	v14 =	vadd.f32 $1.000000000e-30, v1;
	v3 =	vmax.f32 v4, v15  }
.Ltmp2:
0x253: {  	v5 =	vmin.f32 v4, v15;
	v6 =	vsub.f32 v8, v6;
	v4 =	vsub.f32 v10, v12;
	(pc) =	sbr.rel @p0 .LBB2_6-.Ltmp2, $4  }
0x254: {  	v7 =	vmin.f32 v7, v16;
	v8 =	vadd.f32 $1.000000000e-30, v3;
	(erf) = vrcp.f32 v11  }
0x255: {  	v6 =	vand.u32 $0x7FFFFFFF, v6;
	v10 =	vand.u32 $0x7FFFFFFF, v4;
	(erf) = vrcp.f32 v14  }
0x256: {  	v4 =	vmax.f32 v10, v6;
	v6 =	vmin.f32 v10, v6;
	(erf) = vrcp.f32 v8  }
0x257: {  	v8 =	vmin.f32 v9, v13;
	v9 =	vadd.f32 $1.000000000e-30, v4  }
0x258: {  	_ =	sdelay $0x1  }
0x259: {  	(erf) = vrcp.f32 v9;
	_ =	sdelay $0x2  }
0x25a: {  	v9 =	vpop (erf)  }
0x25b: {  	v8 =	vmul.f32 v9, v8;
	v9 =	vpop (erf)  }
0x25c: {  	v10 =	vpop (erf)  }
0x25d: {  	v8 =	vmul.f32 v8, v8;
	v5 =	vmul.f32 v10, v5  }
0x25e: {  	v7 =	vmul.f32 v9, v7  }
0x25f: {  	v8 =	vadd.f32 $1.000000000e+00, v8;
	v5 =	vmul.f32 v5, v5  }
0x260: {  	v7 =	vmul.f32 v7, v7;
	v9 =	vpop (erf)  }
0x261: {  	v6 =	vmul.f32 v9, v6;
	v10 =	vmul.f32 $1.035184790e-02, v8;
	v5 =	vadd.f32 $1.000000000e+00, v5  }
0x262: {  	v7 =	vadd.f32 $1.000000000e+00, v7  }
0x263: {  	v6 =	vmul.f32 v6, v6;
	v9 =	vsub.f32 $8.627223220e-02, v10;
	v10 =	vmul.f32 $1.035184790e-02, v5  }
0x264: {  	v11 =	vmul.f32 $1.035184790e-02, v7  }
0x265: {  	v6 =	vadd.f32 $1.000000000e+00, v6;
	v9 =	vmul.f32 v9, v8;
	v10 =	vsub.f32 $8.627223220e-02, v10  }
0x266: {  	v11 =	vsub.f32 $8.627223220e-02, v11  }
0x267: {  	v12 =	vmul.f32 $1.035184790e-02, v6;
	v9 =	vadd.f32 $-3.164294960e-01, v9;
	v10 =	vmul.f32 v10, v5  }
0x268: {  	v11 =	vmul.f32 v11, v7  }
0x269: {  	v12 =	vsub.f32 $8.627223220e-02, v12;
	v9 =	vmul.f32 v9, v8;
	v10 =	vadd.f32 $-3.164294960e-01, v10  }
0x26a: {  	v11 =	vadd.f32 $-3.164294960e-01, v11  }
0x26b: {  	v12 =	vmul.f32 v12, v6;
	v9 =	vadd.f32 $9.148544070e-01, v9;
	v10 =	vmul.f32 v10, v5  }
0x26c: {  	v11 =	vmul.f32 v11, v7  }
0x26d: {  	v8 =	vmul.f32 v9, v8;
	v9 =	vadd.f32 $9.148544070e-01, v10;
	v10 =	vadd.f32 $-3.164294960e-01, v12  }
0x26e: {  	v11 =	vadd.f32 $9.148544070e-01, v11  }
0x26f: {  	v8 =	vadd.f32 $3.256658320e-01, v8;
	v5 =	vmul.f32 v9, v5;
	v9 =	vmul.f32 v10, v6  }
0x270: {  	v7 =	vmul.f32 v11, v7  }
0x271: {  	v2 =	vmul.f32 v8, v2;
	v5 =	vadd.f32 $3.256658320e-01, v5;
	v8 =	vadd.f32 $9.148544070e-01, v9  }
0x272: {  	v7 =	vadd.f32 $3.256658320e-01, v7  }
0x273: {  	v2 =	vadd.f32 $0.0e+00, v2;
	v3 =	vmul.f32 v5, v3;
	v5 =	vmul.f32 v8, v6;
	_ =	sdelay $0x1  }
0x274: {  	v1 =	vmul.f32 v7, v1;
	v2 =	vadd.f32 v3, v2;
	v3 =	vadd.f32 $3.256658320e-01, v5;
	_ =	sdelay $0x1  }
0x275: {  	v1 =	vadd.f32 v1, v2;
	v2 =	vmul.f32 v3, v4;
	_ =	sdelay $0x1  }
0x276: {  	v1 =	vadd.f32 v2, v1;
	_ =	sdelay $0x1  }
0x277: {  	[tilespmem:s28+$0x0] =	vst v1  }
0x278: {  	_ =	swait.ge [sflag:s21], $0x1000  }
0x279: {  	[sflag:s21] =	ssyncset.done $0x0  }
0x27a: {  	[sflag:s21] =	ssyncadd.s32 $0xFFFFF000  }
0x27b: {  	_ =	swait.ge [sflag:s21], $0x1000  }
0x27c: {  	[sflag:s21] =	ssyncset.done $0x0  }
0x27d: {  	[sflag:s21] =	ssyncadd.s32 $0xFFFFF000  }
0x27e: {  	_ =	swait.ge [sflag:s21], $0x800  }
0x27f: {  	[sflag:s21] =	ssyncset.done $0x0  }
0x280: {  	s26 =	simm.s32 $0x99B0;
	[sflag:s21] =	ssyncadd.s32 $0xFFFFF800  }
0x281: {  	v1 =	vld [tilespmem:s26+$0x0]  }
0x282: {  	v2 =	vld [tilespmem:s26+$0xFFFFFFD0]  }
0x283: {  	v3 =	vld [tilespmem:s26+$0xFFFFFFE0]  }
0x284: {  	v4 =	vld [tilespmem:s26+$0xFFFFFFF0];
	_ =	sdelay $0x3  }
0x285: {  	v1 =	vmul.f32 $1.436156650e+01, v1;
	v2 =	vmul.f32 $1.436156650e+01, v2  }
0x286: {  	v3 =	vmul.f32 $1.436156650e+01, v3;
	v4 =	vmul.f32 $1.436156650e+01, v4  }
0x287: {  	v5 =	vmul.f32 v1, v1;
	v6 =	vmul.f32 v2, v2  }
0x288: {  	v9 =	vmul.f32 v3, v3;
	v14 =	vmul.f32 v4, v4  }
0x289: {  	v7 =	vmul.f32 $1.724506760e-09, v5;
	v8 =	vmul.f32 $1.724506760e-09, v6  }
0x28a: {  	v10 =	vmul.f32 $2.069806730e-08, v6;
	v11 =	vmul.f32 $2.069806730e-08, v5  }
0x28b: {  	v46 =	vmul.f32 $1.724506760e-09, v9;
	v13 =	vmul.f32 $2.069806730e-08, v9  }
0x28c: {  	v15 =	vmul.f32 $2.069806730e-08, v14;
	v7 =	vadd.f32 $-2.707902520e-07, v7;
	v8 =	vadd.f32 $-2.707902520e-07, v8  }
0x28d: {  	v16 =	vmul.f32 $1.724506760e-09, v14;
	v10 =	vsub.f32 $2.708829470e-06, v10;
	v11 =	vsub.f32 $2.708829470e-06, v11  }
0x28e: {  	v12 =	vadd.f32 $-2.707902520e-07, v46;
	v13 =	vsub.f32 $2.708829470e-06, v13;
	v7 =	vmul.f32 v7, v5  }
0x28f: {  	v15 =	vsub.f32 $2.708829470e-06, v15;
	v10 =	vmul.f32 v10, v6;
	v11 =	vmul.f32 v11, v5  }
0x290: {  	v16 =	vadd.f32 $-2.707902520e-07, v16;
	v8 =	vmul.f32 v8, v6;
	v12 =	vmul.f32 v12, v9  }
0x291: {  	v13 =	vmul.f32 v13, v9;
	v10 =	vadd.f32 $-1.981762910e-04, v10;
	v7 =	vadd.f32 $2.476988270e-05, v7  }
0x292: {  	v15 =	vmul.f32 v15, v14;
	v8 =	vadd.f32 $2.476988270e-05, v8;
	v12 =	vadd.f32 $2.476988270e-05, v12  }
0x293: {  	v16 =	vmul.f32 v16, v14;
	v13 =	vadd.f32 $-1.981762910e-04, v13;
	v11 =	vadd.f32 $-1.981762910e-04, v11  }
0x294: {  	v15 =	vadd.f32 $-1.981762910e-04, v15;
	v10 =	vmul.f32 v10, v6;
	v12 =	vmul.f32 v12, v9  }
0x295: {  	v16 =	vadd.f32 $2.476988270e-05, v16;
	v8 =	vmul.f32 v8, v6;
	v13 =	vmul.f32 v13, v9  }
0x296: {  	v7 =	vmul.f32 v7, v5;
	v15 =	vmul.f32 v15, v14;
	v12 =	vadd.f32 $-1.388780310e-03, v12  }
0x297: {  	v11 =	vmul.f32 v11, v5;
	v13 =	vadd.f32 $8.332791740e-03, v13;
	v10 =	vadd.f32 $8.332791740e-03, v10  }
0x298: {  	v16 =	vmul.f32 v16, v14;
	v8 =	vadd.f32 $-1.388780310e-03, v8;
	v15 =	vadd.f32 $8.332791740e-03, v15  }
0x299: {  	v7 =	vadd.f32 $-1.388780310e-03, v7;
	v12 =	vmul.f32 v12, v9;
	v13 =	vmul.f32 v13, v9  }
0x29a: {  	v16 =	vadd.f32 $-1.388780310e-03, v16;
	v10 =	vmul.f32 v10, v6;
	v8 =	vmul.f32 v8, v6  }
0x29b: {  	v11 =	vadd.f32 $8.332791740e-03, v11;
	v15 =	vmul.f32 v15, v14;
	v7 =	vmul.f32 v7, v5  }
0x29c: {  	v16 =	vmul.f32 v16, v14;
	v13 =	vadd.f32 $-1.666662100e-01, v13;
	v10 =	vadd.f32 $-1.666662100e-01, v10  }
0x29d: {  	v11 =	vmul.f32 v11, v5;
	v8 =	vadd.f32 $4.166648910e-02, v8;
	v15 =	vadd.f32 $-1.666662100e-01, v15  }
0x29e: {  	v7 =	vadd.f32 $4.166648910e-02, v7;
	v16 =	vadd.f32 $4.166648910e-02, v16;
	v13 =	vmul.f32 v13, v9  }
0x29f: {  	v12 =	vadd.f32 $4.166648910e-02, v12;
	v10 =	vmul.f32 v10, v6;
	v8 =	vmul.f32 v8, v6  }
0x2a0: {  	s0 =	simm.s32 $0x0;
	v7 =	vmul.f32 v7, v5;
	v16 =	vmul.f32 v16, v14;
	v13 =	vadd.f32 $9.999999400e-01, v13  }
0x2a1: {  	v17 =	vld [tilespmem:s0+$0x7190];
	v12 =	vmul.f32 v12, v9;
	v10 =	vadd.f32 $9.999999400e-01, v10;
	v8 =	vadd.f32 $-4.999998810e-01, v8  }
0x2a2: {  	v18 =	vld [tilespmem:s0+$0x71C0];
	v15 =	vmul.f32 v15, v14;
	v7 =	vadd.f32 $-4.999998810e-01, v7;
	v16 =	vadd.f32 $-4.999998810e-01, v16  }
0x2a3: {  	v47 =	vld [tilespmem:s0+$0x7180];
	v12 =	vadd.f32 $-4.999998810e-01, v12;
	v3 =	vmul.f32 v13, v3;
	v2 =	vmul.f32 v10, v2  }
0x2a4: {  	v19 =	vld [tilespmem:s0+$0x71E0];
	v11 =	vadd.f32 $-1.666662100e-01, v11;
	v6 =	vmul.f32 v8, v6;
	v7 =	vmul.f32 v7, v5  }
0x2a5: {  	v21 =	vld [tilespmem:s0+$0x3180];
	v10 =	vadd.f32 $9.999999400e-01, v15;
	v14 =	vmul.f32 v16, v14;
	v9 =	vmul.f32 v12, v9  }
0x2a6: {  	v49 =	vld [tilespmem:s0+$0x71B0];
	v5 =	vmul.f32 v11, v5;
	v48 =	vmul.f32 v3, v17  }
0x2a7: {  	v8 =	vld [tilespmem:s0+$0x71D0];
	v4 =	vmul.f32 v10, v4;
	v6 =	vadd.f32 $1.000000000e+00, v6;
	v20 =	vmul.f32 v2, v18  }
0x2a8: {  	v54 =	vld [tilespmem:s0+$0x71F0];
	v2 =	vmul.f32 v2, v47;
	v53 =	vadd.f32 $1.000000000e+00, v14;
	v9 =	vadd.f32 $1.000000000e+00, v9  }
0x2a9: {  	v51 =	vld [tilespmem:s0+$0x31E0];
	v5 =	vadd.f32 $9.999999400e-01, v5;
	v22 =	vmul.f32 v6, v47;
	v52 =	vmul.f32 v4, v19  }
0x2aa: {  	v10 =	vld [tilespmem:s0+$0x71A0];
	v6 =	vmul.f32 v6, v18;
	v12 =	vmul.f32 v53, v19  }
0x2ab: {  	v23 =	vld [tilespmem:s0+$0x31C0];
	v7 =	vadd.f32 $1.000000000e+00, v7;
	v17 =	vmul.f32 v9, v17;
	v1 =	vmul.f32 v5, v1  }
0x2ac: {  	v55 =	vld [tilespmem:s0+$0x31A0];
	v3 =	vmul.f32 v3, v8;
	v8 =	vmul.f32 v9, v8  }
0x2ad: {  	v56 =	vld [tilespmem:s0+$0x31D0];
	v2 =	vsub.f32 v6, v2;
	v6 =	vmul.f32 v7, v49;
	v7 =	vmul.f32 v7, v54  }
0x2ae: {  	v11 =	vld [tilespmem:s0+$0x3190];
	v50 =	vadd.f32 v22, v20;
	v58 =	vmul.f32 v1, v54;
	v59 =	vmul.f32 v1, v49  }
0x2af: {  	v57 =	vld [tilespmem:s0+$0x31B0];
	v4 =	vmul.f32 v4, v10;
	v3 =	vadd.f32 v17, v3;
	v8 =	vsub.f32 v8, v48  }
0x2b0: {  	v5 =	vld [tilespmem:s0+$0x31F0];
	v10 =	vmul.f32 v53, v10;
	v13 =	vsub.f32 v50, v21;
	v2 =	vsub.f32 v2, v23  }
0x2b1: {  	v6 =	vadd.f32 v6, v58;
	v7 =	vsub.f32 v7, v59  }
0x2b2: {  	v9 =	vadd.f32 v10, v52;
	v4 =	vsub.f32 v12, v4  }
0x2b3: {  	v3 =	vsub.f32 v3, v11;
	v8 =	vsub.f32 v8, v56;
	v10 =	vand.u32 $0x7FFFFFFF, v13  }
0x2b4: {  	v11 =	vand.u32 $0x7FFFFFFF, v2;
	v9 =	vsub.f32 v9, v55;
	v4 =	vsub.f32 v4, v51  }
0x2b5: {  	v6 =	vsub.f32 v6, v57;
	v63 =	vsub.f32 v7, v5;
	v60 =	vand.u32 $0x7FFFFFFF, v3  }
0x2b6: {  	v2 =	vmax.f32 v10, v11;
	v9 =	vand.u32 $0x7FFFFFFF, v9;
	v4 =	vand.u32 $0x7FFFFFFF, v4  }
0x2b7: {  	v8 =	vand.u32 $0x7FFFFFFF, v8;
	v61 =	vadd.f32 $1.000000000e-30, v2;
	v1 =	vmax.f32 v9, v4  }
0x2b8: {  	v3 =	vmax.f32 v60, v8;
	v5 =	vmin.f32 v60, v8;
	v62 =	vadd.f32 $1.000000000e-30, v1  }
0x2b9: {  	v6 =	vand.u32 $0x7FFFFFFF, v6;
	v8 =	vadd.f32 $1.000000000e-30, v3;
	(erf) = vrcp.f32 v61  }
0x2ba: {  	v7 =	vmin.f32 v9, v4;
	v9 =	vand.u32 $0x7FFFFFFF, v63;
	(erf) = vrcp.f32 v62  }
0x2bb: {  	s31 =	simm.s32 $0xA780;
	v4 =	vmax.f32 v6, v9;
	(erf) = vrcp.f32 v8  }
0x2bc: {  	s30 =	simm.s32 $0xA780;
	s28 =	simm.s32 $0x0;
	s0 =	simm.s32 $0x200;
	v6 =	vmin.f32 v6, v9;
	v9 =	vadd.f32 $1.000000000e-30, v4;
	v8 =	vmin.f32 v10, v11  }
.LBB2_8:
0x2bd: {  	_ = 	snop  }
0x2be: {  	p0 =	sne.s32 s0, $0x3E00;
	s26 =	sadd.s32 $0x40, s26;
	s31 =	sadd.s32 $0x10, s31  }
0x2bf: {  	s3 =	smov.u32 s0;
	s0 =	sadd.s32 $0x200, s0;
	(erf) = vrcp.f32 v9;
	_ =	sdelay $0x2  }
0x2c0: {  	v9 =	vpop (erf)  }
0x2c1: {  	v8 =	vmul.f32 v9, v8;
	v9 =	vpop (erf)  }
0x2c2: {  	v7 =	vmul.f32 v9, v7;
	v9 =	vpop (erf)  }
0x2c3: {  	v8 =	vmul.f32 v8, v8;
	v5 =	vmul.f32 v9, v5  }
0x2c4: {  	v7 =	vmul.f32 v7, v7  }
0x2c5: {  	v8 =	vadd.f32 $1.000000000e+00, v8;
	v5 =	vmul.f32 v5, v5  }
0x2c6: {  	v7 =	vadd.f32 $1.000000000e+00, v7;
	v9 =	vpop (erf)  }
0x2c7: {  	v10 =	vmul.f32 $1.035184790e-02, v8;
	v5 =	vadd.f32 $1.000000000e+00, v5;
	v6 =	vmul.f32 v9, v6  }
0x2c8: {  	v9 =	vmul.f32 $1.035184790e-02, v7  }
0x2c9: {  	v10 =	vsub.f32 $8.627223220e-02, v10;
	v11 =	vmul.f32 $1.035184790e-02, v5;
	v6 =	vmul.f32 v6, v6  }
0x2ca: {  	v9 =	vsub.f32 $8.627223220e-02, v9  }
0x2cb: {  	v10 =	vmul.f32 v10, v8;
	v11 =	vsub.f32 $8.627223220e-02, v11;
	v6 =	vadd.f32 $1.000000000e+00, v6  }
0x2cc: {  	v9 =	vmul.f32 v9, v7  }
0x2cd: {  	v10 =	vadd.f32 $-3.164294960e-01, v10;
	v11 =	vmul.f32 v11, v5;
	v12 =	vmul.f32 $1.035184790e-02, v6  }
0x2ce: {  	v9 =	vadd.f32 $-3.164294960e-01, v9  }
0x2cf: {  	v10 =	vmul.f32 v10, v8;
	v11 =	vadd.f32 $-3.164294960e-01, v11;
	v12 =	vsub.f32 $8.627223220e-02, v12  }
0x2d0: {  	v9 =	vmul.f32 v9, v7  }
0x2d1: {  	v10 =	vadd.f32 $9.148544070e-01, v10;
	v11 =	vmul.f32 v11, v5;
	v12 =	vmul.f32 v12, v6  }
0x2d2: {  	v9 =	vadd.f32 $9.148544070e-01, v9  }
0x2d3: {  	v8 =	vmul.f32 v10, v8;
	v10 =	vadd.f32 $9.148544070e-01, v11;
	v11 =	vadd.f32 $-3.164294960e-01, v12  }
0x2d4: {  	v7 =	vmul.f32 v9, v7  }
0x2d5: {  	v8 =	vadd.f32 $3.256658320e-01, v8;
	v5 =	vmul.f32 v10, v5;
	v9 =	vmul.f32 v11, v6  }
0x2d6: {  	v7 =	vadd.f32 $3.256658320e-01, v7  }
0x2d7: {  	v2 =	vmul.f32 v8, v2;
	v5 =	vadd.f32 $3.256658320e-01, v5;
	v8 =	vadd.f32 $9.148544070e-01, v9  }
0x2d8: {  	v1 =	vmul.f32 v7, v1  }
0x2d9: {  	v2 =	vadd.f32 $0.0e+00, v2;
	v3 =	vmul.f32 v5, v3;
	v5 =	vmul.f32 v8, v6;
	_ =	sdelay $0x1  }
0x2da: {  	v2 =	vadd.f32 v3, v2;
	v3 =	vadd.f32 $3.256658320e-01, v5;
	_ =	sdelay $0x1  }
0x2db: {  	v1 =	vadd.f32 v1, v2;
	v2 =	vmul.f32 v3, v4;
	_ =	sdelay $0x1  }
0x2dc: {  	v1 =	vadd.f32 v2, v1;
	_ =	sdelay $0x1  }
0x2dd: {  	[tilespmem:s30+$0x0] =	vst v1;
	s30 =	smov.u32 s31  }
0x2de: {  	v1 =	vld [tilespmem:s26+$0x0]  }
0x2df: {  	v2 =	vld [tilespmem:s26+$0xFFFFFFD0];
	_ =	sdelay $0x1  }
0x2e0: {  	v3 =	vld [tilespmem:s26+$0xFFFFFFE0];
	_ =	sdelay $0x1  }
0x2e1: {  	v1 =	vmul.f32 $1.436156650e+01, v1  }
0x2e2: {  	v4 =	vmul.f32 $1.436156650e+01, v2;
	v5 =	vld [tilespmem:s26+$0xFFFFFFF0]  }
0x2e3: {  	v2 =	vmul.f32 v1, v1  }
0x2e4: {  	v6 =	vmul.f32 v4, v4;
	v7 =	vmul.f32 $1.436156650e+01, v3  }
0x2e5: {  	v8 =	vmul.f32 $1.724506760e-09, v2;
	v9 =	vmul.f32 $2.069806730e-08, v2  }
0x2e6: {  	v10 =	vmul.f32 $1.724506760e-09, v6;
	v3 =	vmul.f32 v7, v7  }
0x2e7: {  	v11 =	vmul.f32 $2.069806730e-08, v6;
	v5 =	vmul.f32 $1.436156650e+01, v5;
	v8 =	vadd.f32 $-2.707902520e-07, v8  }
0x2e8: {  	v9 =	vsub.f32 $2.708829470e-06, v9;
	v10 =	vadd.f32 $-2.707902520e-07, v10;
	v12 =	vmul.f32 $1.724506760e-09, v3  }
0x2e9: {  	v11 =	vsub.f32 $2.708829470e-06, v11;
	v13 =	vmul.f32 $2.069806730e-08, v3;
	v8 =	vmul.f32 v8, v2  }
0x2ea: {  	v14 =	vmul.f32 v5, v5;
	v9 =	vmul.f32 v9, v2;
	v12 =	vadd.f32 $-2.707902520e-07, v12  }
0x2eb: {  	v10 =	vmul.f32 v10, v6;
	v11 =	vmul.f32 v11, v6;
	v13 =	vsub.f32 $2.708829470e-06, v13  }
0x2ec: {  	v15 =	vmul.f32 $2.069806730e-08, v14;
	v8 =	vadd.f32 $2.476988270e-05, v8;
	v12 =	vmul.f32 v12, v3  }
0x2ed: {  	v10 =	vadd.f32 $2.476988270e-05, v10;
	v11 =	vadd.f32 $-1.981762910e-04, v11;
	v13 =	vmul.f32 v13, v3  }
0x2ee: {  	v15 =	vsub.f32 $2.708829470e-06, v15;
	v12 =	vadd.f32 $2.476988270e-05, v12  }
0x2ef: {  	v16 =	vmul.f32 $1.724506760e-09, v14;
	v11 =	vmul.f32 v11, v6;
	v13 =	vadd.f32 $-1.981762910e-04, v13  }
0x2f0: {  	v9 =	vadd.f32 $-1.981762910e-04, v9;
	v15 =	vmul.f32 v15, v14;
	v12 =	vmul.f32 v12, v3  }
0x2f1: {  	v16 =	vadd.f32 $-2.707902520e-07, v16;
	v10 =	vmul.f32 v10, v6;
	v13 =	vmul.f32 v13, v3  }
0x2f2: {  	v8 =	vmul.f32 v8, v2;
	v9 =	vmul.f32 v9, v2;
	v15 =	vadd.f32 $-1.981762910e-04, v15  }
0x2f3: {  	v16 =	vmul.f32 v16, v14;
	v12 =	vadd.f32 $-1.388780310e-03, v12;
	v13 =	vadd.f32 $8.332791740e-03, v13  }
0x2f4: {  	v9 =	vadd.f32 $8.332791740e-03, v9;
	v11 =	vadd.f32 $8.332791740e-03, v11;
	v15 =	vmul.f32 v15, v14  }
0x2f5: {  	v10 =	vadd.f32 $-1.388780310e-03, v10;
	v12 =	vmul.f32 v12, v3;
	v13 =	vmul.f32 v13, v3  }
0x2f6: {  	v16 =	vadd.f32 $2.476988270e-05, v16;
	v11 =	vmul.f32 v11, v6;
	v15 =	vadd.f32 $8.332791740e-03, v15  }
0x2f7: {  	v8 =	vadd.f32 $-1.388780310e-03, v8;
	v10 =	vmul.f32 v10, v6;
	v13 =	vadd.f32 $-1.666662100e-01, v13  }
0x2f8: {  	v16 =	vmul.f32 v16, v14;
	v11 =	vadd.f32 $-1.666662100e-01, v11;
	v15 =	vmul.f32 v15, v14  }
0x2f9: {  	s3 =	sshra.s32 s3, $0x2;
	v8 =	vmul.f32 v8, v2;
	v10 =	vadd.f32 $4.166648910e-02, v10;
	v13 =	vmul.f32 v13, v3  }
0x2fa: {  	v16 =	vadd.f32 $-1.388780310e-03, v16;
	v11 =	vmul.f32 v11, v6;
	v15 =	vadd.f32 $-1.666662100e-01, v15;
	v17 =	vld [tilespmem:s3+$0x7190]  }
0x2fb: {  	v8 =	vadd.f32 $4.166648910e-02, v8;
	v10 =	vmul.f32 v10, v6;
	v13 =	vadd.f32 $9.999999400e-01, v13  }
0x2fc: {  	v16 =	vmul.f32 v16, v14;
	v11 =	vadd.f32 $9.999999400e-01, v11;
	v15 =	vmul.f32 v15, v14;
	v18 =	vld [tilespmem:s3+$0x71C0]  }
0x2fd: {  	v8 =	vmul.f32 v8, v2;
	v10 =	vadd.f32 $-4.999998810e-01, v10;
	v7 =	vmul.f32 v13, v7;
	v13 =	vld [tilespmem:s3+$0x71D0]  }
0x2fe: {  	v16 =	vadd.f32 $4.166648910e-02, v16;
	v4 =	vmul.f32 v11, v4;
	v15 =	vadd.f32 $9.999999400e-01, v15;
	v11 =	vld [tilespmem:s3+$0x7180]  }
0x2ff: {  	v6 =	vmul.f32 v10, v6;
	v10 =	vadd.f32 $4.166648910e-02, v12;
	v12 =	vmul.f32 v7, v17;
	v19 =	vld [tilespmem:s3+$0x71E0]  }
0x300: {  	v8 =	vadd.f32 $-4.999998810e-01, v8;
	v16 =	vmul.f32 v16, v14;
	v5 =	vmul.f32 v15, v5;
	v15 =	vld [tilespmem:s3+$0x71A0]  }
0x301: {  	v6 =	vadd.f32 $1.000000000e+00, v6;
	v10 =	vmul.f32 v10, v3;
	v20 =	vmul.f32 v4, v18  }
0x302: {  	v9 =	vmul.f32 v9, v2;
	v8 =	vmul.f32 v8, v2;
	v16 =	vadd.f32 $-4.999998810e-01, v16;
	v21 =	vld [tilespmem:s3+$0x3180]  }
0x303: {  	v7 =	vmul.f32 v7, v13;
	v22 =	vmul.f32 v6, v11  }
0x304: {  	v10 =	vadd.f32 $-4.999998810e-01, v10;
	v4 =	vmul.f32 v4, v11;
	v11 =	vmul.f32 v16, v14;
	v14 =	vld [tilespmem:s3+$0x71B0]  }
0x305: {  	v16 =	vadd.f32 v22, v20;
	v20 =	vld [tilespmem:s3+$0x31E0];
	v22 =	vmul.f32 v5, v19;
	v5 =	vmul.f32 v5, v15  }
0x306: {  	v9 =	vadd.f32 $-1.666662100e-01, v9;
	v3 =	vmul.f32 v10, v3;
	v10 =	vadd.f32 $1.000000000e+00, v11;
	v11 =	vld [tilespmem:s3+$0x71F0]  }
0x307: {  	v8 =	vadd.f32 $1.000000000e+00, v8;
	v6 =	vmul.f32 v6, v18;
	v23 =	vld [tilespmem:s3+$0x31C0];
	v16 =	vsub.f32 v16, v21  }
0x308: {  	v2 =	vmul.f32 v9, v2;
	v3 =	vadd.f32 $1.000000000e+00, v3;
	v15 =	vmul.f32 v10, v15;
	v18 =	vld [tilespmem:s3+$0x31A0]  }
0x309: {  	v4 =	vsub.f32 v6, v4;
	v9 =	vmul.f32 v10, v19;
	v6 =	vld [tilespmem:s3+$0x3190];
	v10 =	vmul.f32 v8, v14  }
0x30a: {  	v17 =	vmul.f32 v3, v17;
	v3 =	vmul.f32 v3, v13;
	v13 =	vadd.f32 v15, v22;
	v19 =	vld [tilespmem:s3+$0x31D0]  }
0x30b: {  	v2 =	vadd.f32 $9.999999400e-01, v2;
	v5 =	vsub.f32 v9, v5;
	v8 =	vmul.f32 v8, v11  }
0x30c: {  	v7 =	vadd.f32 v17, v7;
	v4 =	vsub.f32 v4, v23  }
0x30d: {  	v3 =	vsub.f32 v3, v12;
	v9 =	vand.u32 $0x7FFFFFFF, v16;
	v12 =	vsub.f32 v13, v18  }
0x30e: {  	v1 =	vmul.f32 v2, v1;
	v13 =	vand.u32 $0x7FFFFFFF, v4;
	v4 =	vsub.f32 v7, v6;
	v6 =	vld [tilespmem:s3+$0x31F0]  }
0x30f: {  	v5 =	vsub.f32 v5, v20;
	v3 =	vsub.f32 v3, v19;
	v7 =	vand.u32 $0x7FFFFFFF, v12;
	v12 =	vld [tilespmem:s3+$0x31B0]  }
0x310: {  	v14 =	vmul.f32 v1, v14;
	v11 =	vmul.f32 v1, v11;
	v4 =	vand.u32 $0x7FFFFFFF, v4  }
0x311: {  	v16 =	vand.u32 $0x7FFFFFFF, v5;
	v2 =	vmax.f32 v9, v13;
	v15 =	vand.u32 $0x7FFFFFFF, v3  }
0x312: {  	v10 =	vadd.f32 v10, v11;
	v8 =	vsub.f32 v8, v14;
	v1 =	vmax.f32 v7, v16  }
0x313: {  	v11 =	vadd.f32 $1.000000000e-30, v2;
	v14 =	vadd.f32 $1.000000000e-30, v1;
	v3 =	vmax.f32 v4, v15  }
.Ltmp3:
0x314: {  	v5 =	vmin.f32 v4, v15;
	v6 =	vsub.f32 v8, v6;
	v4 =	vsub.f32 v10, v12;
	(pc) =	sbr.rel @p0 .LBB2_8-.Ltmp3, $4  }
0x315: {  	v7 =	vmin.f32 v7, v16;
	v8 =	vadd.f32 $1.000000000e-30, v3;
	(erf) = vrcp.f32 v11  }
0x316: {  	v6 =	vand.u32 $0x7FFFFFFF, v6;
	v10 =	vand.u32 $0x7FFFFFFF, v4;
	(erf) = vrcp.f32 v14  }
0x317: {  	v4 =	vmax.f32 v10, v6;
	v6 =	vmin.f32 v10, v6;
	(erf) = vrcp.f32 v8  }
0x318: {  	v8 =	vmin.f32 v9, v13;
	v9 =	vadd.f32 $1.000000000e-30, v4  }
0x319: {  	_ =	sdelay $0x1  }
0x31a: {  	(erf) = vrcp.f32 v9;
	_ =	sdelay $0x2  }
0x31b: {  	v53 =	vpop (erf)  }
0x31c: {  	v8 =	vmul.f32 v53, v8;
	v54 =	vpop (erf)  }
0x31d: {  	v10 =	vpop (erf)  }
0x31e: {  	v8 =	vmul.f32 v8, v8;
	v5 =	vmul.f32 v10, v5  }
0x31f: {  	v7 =	vmul.f32 v54, v7  }
0x320: {  	v8 =	vadd.f32 $1.000000000e+00, v8;
	v5 =	vmul.f32 v5, v5  }
0x321: {  	v7 =	vmul.f32 v7, v7;
	v55 =	vpop (erf)  }
0x322: {  	v6 =	vmul.f32 v55, v6;
	v56 =	vmul.f32 $1.035184790e-02, v8;
	v5 =	vadd.f32 $1.000000000e+00, v5  }
0x323: {  	v7 =	vadd.f32 $1.000000000e+00, v7  }
0x324: {  	v6 =	vmul.f32 v6, v6;
	v57 =	vsub.f32 $8.627223220e-02, v56;
	v58 =	vmul.f32 $1.035184790e-02, v5  }
0x325: {  	v11 =	vmul.f32 $1.035184790e-02, v7  }
0x326: {  	v6 =	vadd.f32 $1.000000000e+00, v6;
	v9 =	vmul.f32 v57, v8;
	v10 =	vsub.f32 $8.627223220e-02, v58  }
0x327: {  	v11 =	vsub.f32 $8.627223220e-02, v11  }
0x328: {  	v12 =	vmul.f32 $1.035184790e-02, v6;
	v9 =	vadd.f32 $-3.164294960e-01, v9;
	v10 =	vmul.f32 v10, v5  }
0x329: {  	v11 =	vmul.f32 v11, v7  }
0x32a: {  	v12 =	vsub.f32 $8.627223220e-02, v12;
	v9 =	vmul.f32 v9, v8;
	v10 =	vadd.f32 $-3.164294960e-01, v10  }
0x32b: {  	v11 =	vadd.f32 $-3.164294960e-01, v11  }
0x32c: {  	v12 =	vmul.f32 v12, v6;
	v9 =	vadd.f32 $9.148544070e-01, v9;
	v10 =	vmul.f32 v10, v5  }
0x32d: {  	v11 =	vmul.f32 v11, v7  }
0x32e: {  	v60 =	vadd.f32 $-3.164294960e-01, v12;
	v8 =	vmul.f32 v9, v8;
	v59 =	vadd.f32 $9.148544070e-01, v10  }
0x32f: {  	v11 =	vadd.f32 $9.148544070e-01, v11  }
0x330: {  	v61 =	vmul.f32 v60, v6;
	v8 =	vadd.f32 $3.256658320e-01, v8;
	v5 =	vmul.f32 v59, v5  }
0x331: {  	v7 =	vmul.f32 v11, v7  }
0x332: {  	v62 =	vadd.f32 $9.148544070e-01, v61;
	v2 =	vmul.f32 v8, v2;
	v5 =	vadd.f32 $3.256658320e-01, v5  }
0x333: {  	v7 =	vadd.f32 $3.256658320e-01, v7  }
0x334: {  	v63 =	vmul.f32 v62, v6;
	v2 =	vadd.f32 $0.0e+00, v2;
	v3 =	vmul.f32 v5, v3;
	_ =	sdelay $0x1  }
0x335: {  	v1 =	vmul.f32 v7, v1;
	v2 =	vadd.f32 v3, v2;
	v3 =	vadd.f32 $3.256658320e-01, v63;
	_ =	sdelay $0x1  }
0x336: {  	v1 =	vadd.f32 v1, v2;
	v2 =	vmul.f32 v3, v4;
	_ =	sdelay $0x1  }
0x337: {  	v1 =	vadd.f32 v2, v1;
	_ =	sdelay $0x1  }
0x338: {  	[tilespmem:s30+$0x0] =	vst v1  }
.LBB2_10:
0x339: {  	s3 =	simm.s32 $0x0  }
0x33a: {  	s0 =	sshll.u32 s28, $0x4;
	v1 =	vmov s3  }
0x33b: {  	v2 =	vmov s0;
	v1 =	vand.u32 $0xF, v1  }
0x33c: {  	v2 =	vshll.u32 v2, $0x4;
	v3 =	vbroadcast v1, $0x0  }
0x33d: {  	v1 =	vor.u32 v0, v2  }
0x33e: {  	s31 =	simm.s32 $0x1;
	v3 =	vor.u32 v1, v3  }
0x33f: {  	v2 =	vmov s31  }
0x340: {  	v2 =	vand.u32 $0xF, v2  }
0x341: {  	v4 =	vbroadcast v2, $0x0;
	_ =	sdelay $0x1  }
0x342: {  	s3 =	simm.s32 $0x2;
	v2 =	vimm.f32 $0.0e+00;
	v4 =	vor.u32 v1, v4;
	v3 =	vld.idx.msk [tilespmem:v3+s22+$0x0], $0xffff  }
.LBB2_11:
0x343: {  	p0 =	sne.s32 s3, $0xF  }
.Ltmp4:
0x344: {  	v5 =	vmov s3;
	s3 =	sadd.s32 $0x1, s3;
	(pc) =	sbr.rel @p0 .LBB2_11-.Ltmp4, $4  }
0x345: {  	v5 =	vand.u32 $0xF, v5  }
0x346: {  	v5 =	vbroadcast v5, $0x0  }
0x347: {  	v2 =	vadd.f32 v3, v2;
	v3 =	vld.idx.msk [tilespmem:v4+s22+$0x0], $0xffff  }
0x348: {  	v4 =	vor.u32 v1, v5  }
0x349: {  	_ =	sdelay $0x3  }
0x34a: {  	v1 =	vld.idx.msk [tilespmem:v4+s22+$0x0], $0xffff;
	_ =	sdelay $0x2  }
0x34b: {  	s28 =	sadd.s32 $0x1, s28;
	v2 =	vadd.f32 v3, v2  }
0x34c: {  	p0 =	sne.s32 s28, $0x8  }
.Ltmp5:
0x34d: {  	v1 =	vadd.f32 v1, v2;
	(pc) =	sbr.rel @p0 .LBB2_10-.Ltmp5, $3  }
0x34e: {  	_ = 	snop  }
0x34f: {  	v1 =	vsub.f32 $0.0e+00, v1;
	_ =	sdelay $0x1  }
0x350: {  	[tilespmem:s0+$0xA980] =	vst v1  }
0x351: {  	s25 =	sadd.s32 $0x1, s25  }
0x352: {  	p0 =	sne.s32 s25, s9  }
.Ltmp6:
0x353: {  	_ = 	snop;
	(pc) =	sbr.rel @p0 .LBB2_1-.Ltmp6, $4  }
0x354: {  	[hbm4b:s8+s2] =	stream.linear.scatter [tilespmem:s23], [sflag:$0x8], $0x80, $0x38;
	[tilespmem:$0xAA00] =	vst v63  }
0x355: {  	_ =	swait.ge [sflag:s24], $0x80  }
0x356: {  	[sflag:s24] =	ssyncset.done $0x0  }
0x357: {  	[sflag:s24] =	ssyncadd.s32 $0xFFFFFF80  }
0x358: {  	_ =	sfence.sel $0x180000  }
0x359: {  	[bflag:$0x0] =	sbarrier.arrive $0xFFFF  }
0x35a: {  	_ =	strace $0x90000047  }
0x35b: {  	s0 =	stileid.u32;
	[bflag:$0x2] =	sbarrier.arrive $0xFFFF  }
0x35c: {  	p0 =	sne.s32 s0, $0x0;
	s0 =	rddreg [dreg:$0x6]  }
0x35d: {  	s0 =	sadd.s32 @!p0 $0x100000, s0  }
0x35e: {  	[sflag:s0] =	ssyncadd.tile.s32 @!p0 $0x1;
	_ =	shalt  }
.Lfunc_end2:
_tile_overlayer_lowered:
.L_overlay_start_2:
0x35f: {  	(tag) =	ssettag $0x2  }
0x360: {  	s0 =	rddreg [dreg:$0x0];
	s2 =	stileid.u32  }
0x361: {  	s1 =	rddreg [dreg:$0x1];
	p0 =	sne.s32 s2, $0x0  }
0x362: {  	s3 =	rddreg [dreg:$0x2];
	[bflag:$0x3] =	sbarrier.arrive $0xFFFF;
	s2 =	simm.s32 @!p0 $0x1C08  }
0x363: {  	[timem:s3], [sflag:s2] =	dma.local @!p0 [hbm:s0], s1  }
0x364: {  	s0 =	simm.s32 @!p0 $0x8  }
0x365: {  	_ =	swait.ge @!p0 [sflag:s0], s1  }
0x366: {  	s1 =	ssub.s32 @!p0 $0x0, s1;
	[sflag:s0] =	ssyncset.done @!p0 $0x0  }
0x367: {  	[sflag:s0] =	ssyncadd.s32 @!p0 s1  }
0x368: {  	[bflag:$0x3] =	sbarrier.arrive $0xFFFF  }
0x369: {  	_ =	shalt  }

</sc_bundles>
